<compile_context>
chip_gen: v7x
topology: tpu7x:2x2x1
jax: 0.10.2.dev20260603
libtpu: 0.0.44.dev20260713+nightly
codegen_flags: <defaults>
</compile_context>

<pallas_src>
import functools

import jax
import jax.numpy as jnp
from jax import lax
from jax.experimental import pallas as pl
from jax.experimental.pallas import tpu as pltpu
from jax.experimental.pallas import tpu_sc as plsc

N = 10000
E = 320000
D = 128
C = 16

NC = 2
NS = 16
NW = NC * NS
K = 128
CH = 80
QC = 4
EPAD = NW * CH * K
TOTALC = NW * CH

FAST_CID = 0
CHF = 156
CHS = 4
PF = CHF // QC
PS = CHS // QC
NP = 10112
RPS = NP // NS

RC = 1000
NCH = N // RC

_HI = jax.lax.Precision.HIGHEST

_mesh = plsc.VectorSubcoreMesh(
    core_axis_name="c", subcore_axis_name="s", num_cores=NC, num_subcores=NS
)



@functools.partial(
    pl.kernel,
    out_type=jax.ShapeDtypeStruct((NC * NP, D), jnp.float32),
    mesh=_mesh,
    scratch_types=[
        pltpu.VMEM((CH, K), jnp.int32),
        pltpu.VMEM((K, D), jnp.float32),
        pltpu.VMEM_SHARED((NP, D), jnp.float32),
        pltpu.SemaphoreType.DMA,
    ],
)
def _sc_count(dst_hbm, ones_hbm, z16_hbm, out_hbm, dst_v, ones_v, acc, sem):
    cid = lax.axis_index("c")
    sid = lax.axis_index("s")
    wid = sid * NC + cid
    pltpu.async_copy(dst_hbm.at[wid], dst_v, sem).wait()
    pltpu.async_copy(ones_hbm, ones_v, sem).wait()
    row0 = sid * RPS
    pltpu.async_copy(
        z16_hbm.at[pl.ds(row0, RPS)], acc.at[pl.ds(row0, RPS)], sem
    ).wait()
    plsc.subcore_barrier()

    @pl.loop(0, CH)
    def _(j):
        pltpu.sync_copy(ones_v, acc.at[dst_v.at[j]], add=True)

    plsc.subcore_barrier()
    pltpu.sync_copy(
        acc.at[pl.ds(row0, RPS)], out_hbm.at[pl.ds(cid * NP + row0, RPS)]
    )


NB = 2
GRP = QC // NB


@functools.partial(
    pl.kernel,
    out_type=jax.ShapeDtypeStruct((NC * NP, D), jnp.float32),
    mesh=_mesh,
    scratch_types=[
        pltpu.VMEM((QC, K), jnp.int32),
        pltpu.VMEM((QC, K), jnp.int32),
        pltpu.VMEM((NB, K, D), jnp.float32),
        pltpu.VMEM_SHARED((NP, D), jnp.float32),
        pltpu.SemaphoreType.DMA,
        pltpu.SemaphoreType.DMA,
        pltpu.SemaphoreType.DMA,
        pltpu.SemaphoreType.DMA,
        pltpu.SemaphoreType.DMA,
        pltpu.SemaphoreType.DMA,
        pltpu.SemaphoreType.DMA,
        pltpu.SemaphoreType.DMA,
        pltpu.SemaphoreType.DMA,
    ],
)
def _sc_agg(h_hbm, src_hbm, dst_hbm, zd_hbm, out_hbm,
            src_v, dst_v, buf, acc,
            sg0, sg1, sg2, sg3, ss0, ss1, ss2, ss3, sem):
    cid = lax.axis_index("c")
    sid = lax.axis_index("s")
    sg = (sg0, sg1, sg2, sg3)
    ss = (ss0, ss1, ss2, ss3)
    is_fast = cid == FAST_CID
    nph = jnp.where(is_fast, PF, PS)
    base = jnp.where(is_fast, sid * CHF, NS * CHF + sid * CHS)
    row0 = sid * RPS
    pltpu.async_copy(
        zd_hbm.at[pl.ds(row0, RPS)], acc.at[pl.ds(row0, RPS)], sem
    ).wait()
    plsc.subcore_barrier()

    @pl.loop(0, nph)
    def _(p):
        c0 = base + p * QC
        pltpu.async_copy(src_hbm.at[pl.ds(c0, QC)], src_v, sem)
        pltpu.async_copy(dst_hbm.at[pl.ds(c0, QC)], dst_v, sem)
        pltpu.make_async_copy(src_hbm.at[pl.ds(c0, QC)], src_v, sem).wait()
        pltpu.make_async_copy(dst_hbm.at[pl.ds(c0, QC)], dst_v, sem).wait()
        for k in range(NB):
            pltpu.async_copy(h_hbm.at[src_v.at[k]], buf.at[k], sg[k])

        @pl.loop(0, GRP - 1)
        def _(i):
            j0 = i * NB
            for k in range(NB):
                pltpu.make_async_copy(h_hbm.at[src_v.at[j0 + k]], buf.at[k],
                                      sg[k]).wait()
                pltpu.async_copy(buf.at[k], acc.at[dst_v.at[j0 + k]], ss[k],
                                 add=True)
            for k in range(NB):
                pltpu.make_async_copy(buf.at[k], acc.at[dst_v.at[j0 + k]],
                                      ss[k]).wait()
                pltpu.async_copy(h_hbm.at[src_v.at[j0 + NB + k]], buf.at[k],
                                 sg[k])

        j0 = (GRP - 1) * NB
        hs = []
        for k in range(NB):
            pltpu.make_async_copy(h_hbm.at[src_v.at[j0 + k]], buf.at[k],
                                  sg[k]).wait()
            hs.append(pltpu.async_copy(buf.at[k], acc.at[dst_v.at[j0 + k]],
                                       ss[k], add=True))
        for h in hs:
            h.wait()

    plsc.subcore_barrier()
    pltpu.sync_copy(
        acc.at[pl.ds(row0, RPS)], out_hbm.at[pl.ds(cid * NP + row0, RPS)]
    )



def _fc1_body(x_ref, w_ref, b_ref, o_ref):
    o_ref[...] = jnp.maximum(
        jnp.dot(x_ref[...], w_ref[...], precision=_HI,
                preferred_element_type=jnp.float32) + b_ref[...],
        0.0,
    )


_fc1 = pl.pallas_call(
    _fc1_body,
    grid=(NCH,),
    in_specs=[
        pl.BlockSpec((RC, D), lambda i: (i, 0)),
        pl.BlockSpec((D, D), lambda i: (0, 0)),
        pl.BlockSpec((1, D), lambda i: (0, 0)),
    ],
    out_specs=pl.BlockSpec((RC, D), lambda i: (i, 0)),
    out_shape=jax.ShapeDtypeStruct((N, D), jnp.float32),
)


def _post_body(final, p_ref, cp_ref, h_ref, lw_ref, lb_ref, rw_ref, g_ref,
               bb_ref, w2_ref, b2_ref, o_ref, z_ref):
    def step(j, carry):
        s, ss = carry
        r = pl.ds(j * RC, RC)
        r2 = pl.ds(NP + j * RC, RC)
        cnt = jnp.maximum(cp_ref[r, 0:1] + cp_ref[r2, 0:1], 1.0)
        agg = (p_ref[r, :] + p_ref[r2, :]) / cnt
        z = (jnp.dot(agg, lw_ref[...], precision=_HI,
                     preferred_element_type=jnp.float32)
             + lb_ref[...]
             + jnp.dot(h_ref[r, :], rw_ref[...], precision=_HI,
                       preferred_element_type=jnp.float32))
        z_ref[r, :] = z
        return (s + jnp.sum(z, axis=0, keepdims=True),
                ss + jnp.sum(z * z, axis=0, keepdims=True))

    init = (jnp.zeros((1, D), jnp.float32), jnp.zeros((1, D), jnp.float32))
    s, ss = lax.fori_loop(0, NCH, step, init)
    mu = s / N
    var = ss / N - mu * mu
    scale = g_ref[...] * lax.rsqrt(var + 1e-5)
    shift = bb_ref[...] - mu * scale

    @pl.loop(0, NCH)
    def _(j):
        r = pl.ds(j * RC, RC)
        hn = jnp.maximum(z_ref[r, :] * scale + shift, 0.0)
        if final:
            o = jnp.dot(hn, w2_ref[...], precision=_HI,
                        preferred_element_type=jnp.float32) + b2_ref[...]
            m = jnp.max(o, axis=1, keepdims=True)
            lse = m + jnp.log(jnp.sum(jnp.exp(o - m), axis=1, keepdims=True))
            o_ref[r, :] = o - lse
        else:
            o_ref[r, :] = hn


def _make_post(final):
    width = C if final else D
    return pl.pallas_call(
        functools.partial(_post_body, final),
        out_shape=jax.ShapeDtypeStruct((N, width), jnp.float32),
        scratch_shapes=[pltpu.VMEM((N, D), jnp.float32)],
    )


_post_mid = _make_post(False)
_post_final = _make_post(True)



def kernel(x, edge_index, fc1_W, fc1_b, lW0, lb0, rW0, g0, b0,
           lW1, lb1, rW1, g1, b1, lW2, lb2, rW2, g2, b2, fc2_W, fc2_b):
    src = edge_index[0]
    dst = edge_index[1]
    pad = EPAD - E
    srcp = jnp.concatenate(
        [src, jnp.zeros((pad,), jnp.int32)]).reshape(TOTALC, K)
    dstp = jnp.concatenate(
        [dst, jnp.full((pad,), N, jnp.int32)]).reshape(TOTALC, K)
    zeros_d = jnp.zeros((NP, D), jnp.float32)
    ones_d = jnp.ones((K, D), jnp.float32)

    cntp = _sc_count(dstp.reshape(NW, CH, K), ones_d, zeros_d)
    h = _fc1(x, fc1_W, fc1_b.reshape(1, D))

    layer_params = [(lW0, lb0, rW0, g0, b0),
                    (lW1, lb1, rW1, g1, b1),
                    (lW2, lb2, rW2, g2, b2)]
    out = None
    for l, (lW, lb, rW, g, b) in enumerate(layer_params):
        p = _sc_agg(h, srcp, dstp, zeros_d)
        post = _post_final if l == 2 else _post_mid
        res = post(p, cntp, h, lW, lb.reshape(1, D), rW, g.reshape(1, D),
                   b.reshape(1, D), fc2_W, fc2_b.reshape(1, C))
        if l == 2:
            out = res
        else:
            h = res
    return out

# --- scband reference (transcript-rebuilt; emitter-appended) ---
"""Pipeline reference for scband-gsage-87187836109020 (READ-ONLY COPY).

The authoritative reference and input builder live on the scoring server;
editing this copy changes nothing except your own understanding.
"""

import jax, jax.numpy as jnp
import numpy as np

N = 10000
E = 320000
D = 128
C = 16

def _glorot(key, shape):
    fan_in = shape[0]
    return jax.random.normal(key, shape, dtype=jnp.float32) / np.sqrt(fan_in)

def setup_inputs(seed: int = 0):
    key = jax.random.key(seed)
    ks = jax.random.split(key, 32)
    inp = {}
    inp['x'] = jax.random.normal(ks[0], (N, D), dtype=jnp.float32)
    inp['edge_index'] = jax.random.randint(ks[1], (2, E), 0, N).astype(jnp.int32)
    inp['fc1_W'] = _glorot(ks[2], (D, D))
    inp['fc1_b'] = jnp.zeros((D,), dtype=jnp.float32)
    for l in range(3):
        inp['lW%d' % l] = _glorot(ks[3 + 5 * l], (D, D))
        inp['lb%d' % l] = jnp.zeros((D,), dtype=jnp.float32)
        inp['rW%d' % l] = _glorot(ks[4 + 5 * l], (D, D))
        inp['g%d' % l] = jnp.ones((D,), dtype=jnp.float32)
        inp['b%d' % l] = jnp.zeros((D,), dtype=jnp.float32)
    inp['fc2_W'] = _glorot(ks[20], (D, C))
    inp['fc2_b'] = jnp.zeros((C,), dtype=jnp.float32)
    return inp

def reference(x, edge_index, fc1_W, fc1_b, lW0, lb0, rW0, g0, b0, lW1, lb1, rW1, g1, b1, lW2, lb2, rW2, g2, b2, fc2_W, fc2_b):
    # GSage: fc1 -> relu -> 3x [SAGEConv (mean aggr) -> BatchNorm -> relu] -> fc2 -> log_softmax
    src = edge_index[0]
    dst = edge_index[1]
    h = jax.nn.relu(x @ fc1_W + fc1_b)
    layer_params = [(lW0, lb0, rW0, g0, b0), (lW1, lb1, rW1, g1, b1), (lW2, lb2, rW2, g2, b2)]
    ones = jnp.ones((E, 1), dtype=jnp.float32)
    cnt = jax.ops.segment_sum(ones, dst, num_segments=N)
    cnt = jnp.clip(cnt, 1.0, None)
    for (lW, lb, rW, g, b) in layer_params:
        msg = h[src]
        agg = jax.ops.segment_sum(msg, dst, num_segments=N) / cnt
        # SAGEConv: lin_l(mean_aggr) + lin_r(x_root)
        h = agg @ lW + lb + h @ rW
        # BatchNorm1d over node dimension (training-mode statistics)
        mu = jnp.mean(h, axis=0)
        var = jnp.var(h, axis=0)
        h = (h - mu) / jnp.sqrt(var + 1e-5) * g + b
        h = jax.nn.relu(h)
    out = h @ fc2_W + fc2_b
    return jax.nn.log_softmax(out, axis=1)

if __name__ == "__main__":
    import jax
    _d = setup_inputs()
    print(jax.jit(kernel)(*tuple(_d.values())))

</pallas_src>

<mosaic_0001>
#map = affine_map<(d0, d1) -> (0, 0)>
module attributes {stable_mosaic.version = 14 : i64} {
  func.func @_sc_agg(%arg0: i32, %arg1: i32, %arg2: memref<10000x128xf32, #tpu.memory_space<hbm>>, %arg3: memref<2560x128xi32, #tpu.memory_space<hbm>>, %arg4: memref<2560x128xi32, #tpu.memory_space<hbm>>, %arg5: memref<10112x128xf32, #tpu.memory_space<hbm>>, %arg6: memref<20224x128xf32, #tpu.memory_space<hbm>>, %arg7: memref<4x128xi32, #tpu.memory_space<vmem>>, %arg8: memref<4x128xi32, #tpu.memory_space<vmem>>, %arg9: memref<2x128x128xf32, #tpu.memory_space<vmem>>, %arg10: memref<10112x128xf32, #tpu.memory_space<vmem_shared>>, %arg11: memref<!tpu.dma_semaphore, #tpu.memory_space<semaphore_mem>>, %arg12: memref<!tpu.dma_semaphore, #tpu.memory_space<semaphore_mem>>, %arg13: memref<!tpu.dma_semaphore, #tpu.memory_space<semaphore_mem>>, %arg14: memref<!tpu.dma_semaphore, #tpu.memory_space<semaphore_mem>>, %arg15: memref<!tpu.dma_semaphore, #tpu.memory_space<semaphore_mem>>, %arg16: memref<!tpu.dma_semaphore, #tpu.memory_space<semaphore_mem>>, %arg17: memref<!tpu.dma_semaphore, #tpu.memory_space<semaphore_mem>>, %arg18: memref<!tpu.dma_semaphore, #tpu.memory_space<semaphore_mem>>, %arg19: memref<!tpu.dma_semaphore, #tpu.memory_space<semaphore_mem>>) attributes {dimension_semantics = [#tpu.dimension_semantics<core_parallel>, #tpu.dimension_semantics<subcore_parallel>], iteration_bounds = array<i64: 2, 16>, scalar_prefetch = 0 : i64, scratch_operands = 13 : i64, tpu.core_type = #tpu.core_type<sc_vector_subcore>, window_params = [{transform_indices = #map}, {transform_indices = #map}, {transform_indices = #map}, {transform_indices = #map}, {transform_indices = #map}]} {
    %eq3A = arith.constant 0 : i32
    %eq3A_0 = arith.cmpi eq, %arg0, %eq3A : i32
    %jit3A = arith.constant 39 : i32
    %jit3A_1 = arith.constant 1 : i32
    %select_n3A = arith.select %eq3A_0, %jit3A, %jit3A_1 : i32
    %mul3A = arith.constant 156 : i32
    %mul3A_2 = arith.muli %arg1, %mul3A : i32
    %mul3A_3 = arith.constant 4 : i32
    %mul3A_4 = arith.muli %arg1, %mul3A_3 : i32
    %add3A = arith.constant 2496 : i32
    %add3A_5 = arith.addi %add3A, %mul3A_4 : i32
    %select_n3A_6 = arith.select %eq3A_0, %mul3A_2, %add3A_5 : i32
    %mul3A_7 = arith.constant 632 : i32
    %mul3A_8 = arith.muli %arg1, %mul3A_7 : i32
    %dma_start3A = arith.constant 0 : i32
    %dma_start3A_9 = tpu.memref_slice %arg10[%mul3A_8, %dma_start3A] : memref<10112x128xf32, #tpu.memory_space<vmem_shared>> -> memref<632x128xf32, #tpu.memory_space<vmem_shared>>
    %dma_start3A_10 = arith.constant 0 : i32
    %dma_start3A_11 = tpu.memref_slice %arg5[%mul3A_8, %dma_start3A_10] : memref<10112x128xf32, #tpu.memory_space<hbm>> -> memref<632x128xf32, #tpu.memory_space<hbm>>
    tpu.enqueue_dma source(%dma_start3A_11 : memref<632x128xf32, #tpu.memory_space<hbm>>) target(%dma_start3A_9 : memref<632x128xf32, #tpu.memory_space<vmem_shared>>) target_semaphore(%arg19 : memref<!tpu.dma_semaphore, #tpu.memory_space<semaphore_mem>>)
    %dma_wait3A = arith.constant 0 : i32
    %dma_wait3A_12 = tpu.memref_slice %arg10[%mul3A_8, %dma_wait3A] : memref<10112x128xf32, #tpu.memory_space<vmem_shared>> -> memref<632x128xf32, #tpu.memory_space<vmem_shared>>
    %dma_wait3A_13 = arith.constant 0 : i32
    %dma_wait3A_14 = tpu.memref_slice %arg5[%mul3A_8, %dma_wait3A_13] : memref<10112x128xf32, #tpu.memory_space<hbm>> -> memref<632x128xf32, #tpu.memory_space<hbm>>
    tpu.wait_dma2 semaphore(%arg19 : memref<!tpu.dma_semaphore, #tpu.memory_space<semaphore_mem>>) src(%dma_wait3A_14 : memref<632x128xf32, #tpu.memory_space<hbm>>) dst(%dma_wait3A_12 : memref<632x128xf32, #tpu.memory_space<vmem_shared>>)
    %barrier3A = arith.constant 0 : index
    tpu.barrier barrier_id(%barrier3A)
    %sub3A = arith.constant 0 : i32
    %sub3A_15 = arith.subi %select_n3A, %sub3A : i32
    %sub3A_16 = arith.constant 1 : i32
    %sub3A_17 = arith.constant 1 : i32
    %sub3A_18 = arith.subi %sub3A_16, %sub3A_17 : i32
    %add3A_19 = arith.addi %sub3A_15, %sub3A_18 : i32
    %div3A = arith.constant 1 : i32
    %div3A_20 = arith.divsi %add3A_19, %div3A : i32
    %while3A = arith.constant 1 : i32
    %while3A_21 = arith.constant 0 : i32
    %while3A_22 = arith.constant 0 : i32
    %while3A_23 = arith.subi %div3A_20, %while3A_22 : i32
    %while3A_24 = arith.addi %while3A_22, %while3A_23 : i32
    %while3A_25 = arith.constant 1 : i32
    %while3A_26 = arith.divsi %while3A_23, %while3A_25 : i32
    %while3A_27 = arith.muli %while3A_26, %while3A_25 : i32
    %while3A_28 = arith.addi %while3A_22, %while3A_27 : i32
    %while3A_29 = arith.constant 1 : i32
    scf.for %while3A_35 = %while3A_22 to %while3A_28 step %while3A_29  : i32 {
      %mul3A_36 = arith.muli %while3A_35, %while3A : i32
      %add3A_37 = arith.addi %while3A_21, %mul3A_36 : i32
      %mul3A_38 = arith.constant 4 : i32
      %mul3A_39 = arith.muli %add3A_37, %mul3A_38 : i32
      %add3A_40 = arith.addi %select_n3A_6, %mul3A_39 : i32
      %dma_start3A_41 = arith.constant 0 : i32
      %dma_start3A_42 = tpu.memref_slice %arg3[%add3A_40, %dma_start3A_41] : memref<2560x128xi32, #tpu.memory_space<hbm>> -> memref<4x128xi32, #tpu.memory_space<hbm>>
      %dma_start3A_43 = arith.constant 0 : i32
      %dma_start3A_44 = tpu.memref_slice %arg3[%add3A_40, %dma_start3A_43] : memref<2560x128xi32, #tpu.memory_space<hbm>> -> memref<4x128xi32, #tpu.memory_space<hbm>>
      tpu.enqueue_dma source(%dma_start3A_44 : memref<4x128xi32, #tpu.memory_space<hbm>>) target(%arg7 : memref<4x128xi32, #tpu.memory_space<vmem>>) target_semaphore(%arg19 : memref<!tpu.dma_semaphore, #tpu.memory_space<semaphore_mem>>)
      %dma_start3A_45 = arith.constant 0 : i32
      %dma_start3A_46 = tpu.memref_slice %arg4[%add3A_40, %dma_start3A_45] : memref<2560x128xi32, #tpu.memory_space<hbm>> -> memref<4x128xi32, #tpu.memory_space<hbm>>
      %dma_start3A_47 = arith.constant 0 : i32
      %dma_start3A_48 = tpu.memref_slice %arg4[%add3A_40, %dma_start3A_47] : memref<2560x128xi32, #tpu.memory_space<hbm>> -> memref<4x128xi32, #tpu.memory_space<hbm>>
      tpu.enqueue_dma source(%dma_start3A_48 : memref<4x128xi32, #tpu.memory_space<hbm>>) target(%arg8 : memref<4x128xi32, #tpu.memory_space<vmem>>) target_semaphore(%arg19 : memref<!tpu.dma_semaphore, #tpu.memory_space<semaphore_mem>>)
      %dma_wait3A_49 = arith.constant 0 : i32
      %dma_wait3A_50 = tpu.memref_slice %arg3[%add3A_40, %dma_wait3A_49] : memref<2560x128xi32, #tpu.memory_space<hbm>> -> memref<4x128xi32, #tpu.memory_space<hbm>>
      %dma_wait3A_51 = arith.constant 0 : i32
      %dma_wait3A_52 = tpu.memref_slice %arg3[%add3A_40, %dma_wait3A_51] : memref<2560x128xi32, #tpu.memory_space<hbm>> -> memref<4x128xi32, #tpu.memory_space<hbm>>
      tpu.wait_dma2 semaphore(%arg19 : memref<!tpu.dma_semaphore, #tpu.memory_space<semaphore_mem>>) src(%dma_wait3A_52 : memref<4x128xi32, #tpu.memory_space<hbm>>) dst(%arg7 : memref<4x128xi32, #tpu.memory_space<vmem>>)
      %dma_wait3A_53 = arith.constant 0 : i32
      %dma_wait3A_54 = tpu.memref_slice %arg4[%add3A_40, %dma_wait3A_53] : memref<2560x128xi32, #tpu.memory_space<hbm>> -> memref<4x128xi32, #tpu.memory_space<hbm>>
      %dma_wait3A_55 = arith.constant 0 : i32
      %dma_wait3A_56 = tpu.memref_slice %arg4[%add3A_40, %dma_wait3A_55] : memref<2560x128xi32, #tpu.memory_space<hbm>> -> memref<4x128xi32, #tpu.memory_space<hbm>>
      tpu.wait_dma2 semaphore(%arg19 : memref<!tpu.dma_semaphore, #tpu.memory_space<semaphore_mem>>) src(%dma_wait3A_56 : memref<4x128xi32, #tpu.memory_space<hbm>>) dst(%arg8 : memref<4x128xi32, #tpu.memory_space<vmem>>)
      %dma_start3A_57 = arith.constant 0 : i32
      %dma_start3A_58 = arith.constant 0 : i32
      %dma_start3A_59 = arith.constant 0 : i32
      %dma_start3A_60 = arith.constant 0 : i32
      %dma_start3A_61 = tpu.memref_slice %arg9[%dma_start3A_58, %dma_start3A_59, %dma_start3A_60] : memref<2x128x128xf32, #tpu.memory_space<vmem>> -> memref<1x128x128xf32, #tpu.memory_space<vmem>>
      %dma_start3A_62 = tpu.memref_squeeze %dma_start3A_61 : memref<1x128x128xf32, #tpu.memory_space<vmem>> -> memref<128x128xf32, #tpu.memory_space<vmem>>
      %dma_start3A_63 = arith.constant 0 : i32
      %dma_start3A_64 = tpu.memref_slice %arg7[%dma_start3A_57, %dma_start3A_63] : memref<4x128xi32, #tpu.memory_space<vmem>> -> memref<1x128xi32, #tpu.memory_space<vmem>>
      %dma_start3A_65 = tpu.memref_squeeze %dma_start3A_64 : memref<1x128xi32, #tpu.memory_space<vmem>> -> memref<128xi32, #tpu.memory_space<vmem>>
      %dma_start3A_66 = arith.constant 0 : i32
      %dma_start3A_67 = arith.constant 0 : i32
      %dma_start3A_68 = tpu.memref_slice %arg2[%dma_start3A_66, %dma_start3A_67] : memref<10000x128xf32, #tpu.memory_space<hbm>> -> memref<10000x128xf32, #tpu.memory_space<hbm>>
      tpu.enqueue_indirect_dma source(%dma_start3A_68 : memref<10000x128xf32, #tpu.memory_space<hbm>>) target(%dma_start3A_62 : memref<128x128xf32, #tpu.memory_space<vmem>>) offsets(%dma_start3A_65 : memref<128xi32, #tpu.memory_space<vmem>>) semaphore(%arg11 : memref<!tpu.dma_semaphore, #tpu.memory_space<semaphore_mem>>)
      %dma_start3A_69 = arith.constant 1 : i32
      %dma_start3A_70 = arith.constant 1 : i32
      %dma_start3A_71 = arith.constant 0 : i32
      %dma_start3A_72 = arith.constant 0 : i32
      %dma_start3A_73 = tpu.memref_slice %arg9[%dma_start3A_70, %dma_start3A_71, %dma_start3A_72] : memref<2x128x128xf32, #tpu.memory_space<vmem>> -> memref<1x128x128xf32, #tpu.memory_space<vmem>>
      %dma_start3A_74 = tpu.memref_squeeze %dma_start3A_73 : memref<1x128x128xf32, #tpu.memory_space<vmem>> -> memref<128x128xf32, #tpu.memory_space<vmem>>
      %dma_start3A_75 = arith.constant 0 : i32
      %dma_start3A_76 = tpu.memref_slice %arg7[%dma_start3A_69, %dma_start3A_75] : memref<4x128xi32, #tpu.memory_space<vmem>> -> memref<1x128xi32, #tpu.memory_space<vmem>>
      %dma_start3A_77 = tpu.memref_squeeze %dma_start3A_76 : memref<1x128xi32, #tpu.memory_space<vmem>> -> memref<128xi32, #tpu.memory_space<vmem>>
      %dma_start3A_78 = arith.constant 0 : i32
      %dma_start3A_79 = arith.constant 0 : i32
      %dma_start3A_80 = tpu.memref_slice %arg2[%dma_start3A_78, %dma_start3A_79] : memref<10000x128xf32, #tpu.memory_space<hbm>> -> memref<10000x128xf32, #tpu.memory_space<hbm>>
      tpu.enqueue_indirect_dma source(%dma_start3A_80 : memref<10000x128xf32, #tpu.memory_space<hbm>>) target(%dma_start3A_74 : memref<128x128xf32, #tpu.memory_space<vmem>>) offsets(%dma_start3A_77 : memref<128xi32, #tpu.memory_space<vmem>>) semaphore(%arg12 : memref<!tpu.dma_semaphore, #tpu.memory_space<semaphore_mem>>)
      %scan3A = arith.constant 0 : i32
      %mul3A_81 = arith.constant 1 : i32
      %mul3A_82 = arith.muli %scan3A, %mul3A_81 : i32
      %add3A_83 = arith.constant 0 : i32
      %add3A_84 = arith.addi %add3A_83, %mul3A_82 : i32
      %mul3A_85 = arith.constant 2 : i32
      %mul3A_86 = arith.muli %add3A_84, %mul3A_85 : i32
      %add3A_87 = arith.constant 0 : i32
      %add3A_88 = arith.addi %mul3A_86, %add3A_87 : i32
      %dma_wait3A_89 = arith.constant 0 : i32
      %dma_wait3A_90 = arith.constant 0 : i32
      %dma_wait3A_91 = arith.constant 0 : i32
      %dma_wait3A_92 = tpu.memref_slice %arg9[%dma_wait3A_89, %dma_wait3A_90, %dma_wait3A_91] : memref<2x128x128xf32, #tpu.memory_space<vmem>> -> memref<1x128x128xf32, #tpu.memory_space<vmem>>
      %dma_wait3A_93 = tpu.memref_squeeze %dma_wait3A_92 : memref<1x128x128xf32, #tpu.memory_space<vmem>> -> memref<128x128xf32, #tpu.memory_space<vmem>>
      %dma_wait3A_94 = arith.constant 0 : i32
      %dma_wait3A_95 = tpu.memref_slice %arg7[%add3A_88, %dma_wait3A_94] : memref<4x128xi32, #tpu.memory_space<vmem>> -> memref<1x128xi32, #tpu.memory_space<vmem>>
      %dma_wait3A_96 = tpu.memref_squeeze %dma_wait3A_95 : memref<1x128xi32, #tpu.memory_space<vmem>> -> memref<128xi32, #tpu.memory_space<vmem>>
      %dma_wait3A_97 = arith.constant 0 : i32
      %dma_wait3A_98 = arith.constant 0 : i32
      %dma_wait3A_99 = tpu.memref_slice %arg2[%dma_wait3A_97, %dma_wait3A_98] : memref<10000x128xf32, #tpu.memory_space<hbm>> -> memref<10000x128xf32, #tpu.memory_space<hbm>>
      tpu.wait_indirect_dma semaphore(%arg11 : memref<!tpu.dma_semaphore, #tpu.memory_space<semaphore_mem>>) src(%dma_wait3A_99 : memref<10000x128xf32, #tpu.memory_space<hbm>>) dst(%dma_wait3A_93 : memref<128x128xf32, #tpu.memory_space<vmem>>)
      %add3A_100 = arith.constant 0 : i32
      %add3A_101 = arith.addi %mul3A_86, %add3A_100 : i32
      %dma_start3A_102 = arith.constant 0 : i32
      %dma_start3A_103 = arith.constant 0 : i32
      %dma_start3A_104 = arith.constant 0 : i32
      %dma_start3A_105 = tpu.memref_slice %arg9[%dma_start3A_102, %dma_start3A_103, %dma_start3A_104] : memref<2x128x128xf32, #tpu.memory_space<vmem>> -> memref<1x128x128xf32, #tpu.memory_space<vmem>>
      %dma_start3A_106 = tpu.memref_squeeze %dma_start3A_105 : memref<1x128x128xf32, #tpu.memory_space<vmem>> -> memref<128x128xf32, #tpu.memory_space<vmem>>
      %dma_start3A_107 = arith.constant 0 : i32
      %dma_start3A_108 = tpu.memref_slice %arg8[%add3A_101, %dma_start3A_107] : memref<4x128xi32, #tpu.memory_space<vmem>> -> memref<1x128xi32, #tpu.memory_space<vmem>>
      %dma_start3A_109 = tpu.memref_squeeze %dma_start3A_108 : memref<1x128xi32, #tpu.memory_space<vmem>> -> memref<128xi32, #tpu.memory_space<vmem>>
      %dma_start3A_110 = arith.constant 0 : i32
      %dma_start3A_111 = arith.constant 0 : i32
      %dma_start3A_112 = tpu.memref_slice %arg10[%dma_start3A_110, %dma_start3A_111] : memref<10112x128xf32, #tpu.memory_space<vmem_shared>> -> memref<10112x128xf32, #tpu.memory_space<vmem_shared>>
      tpu.enqueue_indirect_dma source(%dma_start3A_106 : memref<128x128xf32, #tpu.memory_space<vmem>>) target(%dma_start3A_112 : memref<10112x128xf32, #tpu.memory_space<vmem_shared>>) offsets(%dma_start3A_109 : memref<128xi32, #tpu.memory_space<vmem>>) semaphore(%arg15 : memref<!tpu.dma_semaphore, #tpu.memory_space<semaphore_mem>>) {add = true}
      %add3A_113 = arith.constant 1 : i32
      %add3A_114 = arith.addi %mul3A_86, %add3A_113 : i32
      %dma_wait3A_115 = arith.constant 1 : i32
      %dma_wait3A_116 = arith.constant 0 : i32
      %dma_wait3A_117 = arith.constant 0 : i32
      %dma_wait3A_118 = tpu.memref_slice %arg9[%dma_wait3A_115, %dma_wait3A_116, %dma_wait3A_117] : memref<2x128x128xf32, #tpu.memory_space<vmem>> -> memref<1x128x128xf32, #tpu.memory_space<vmem>>
      %dma_wait3A_119 = tpu.memref_squeeze %dma_wait3A_118 : memref<1x128x128xf32, #tpu.memory_space<vmem>> -> memref<128x128xf32, #tpu.memory_space<vmem>>
      %dma_wait3A_120 = arith.constant 0 : i32
      %dma_wait3A_121 = tpu.memref_slice %arg7[%add3A_114, %dma_wait3A_120] : memref<4x128xi32, #tpu.memory_space<vmem>> -> memref<1x128xi32, #tpu.memory_space<vmem>>
      %dma_wait3A_122 = tpu.memref_squeeze %dma_wait3A_121 : memref<1x128xi32, #tpu.memory_space<vmem>> -> memref<128xi32, #tpu.memory_space<vmem>>
      %dma_wait3A_123 = arith.constant 0 : i32
      %dma_wait3A_124 = arith.constant 0 : i32
      %dma_wait3A_125 = tpu.memref_slice %arg2[%dma_wait3A_123, %dma_wait3A_124] : memref<10000x128xf32, #tpu.memory_space<hbm>> -> memref<10000x128xf32, #tpu.memory_space<hbm>>
      tpu.wait_indirect_dma semaphore(%arg12 : memref<!tpu.dma_semaphore, #tpu.memory_space<semaphore_mem>>) src(%dma_wait3A_125 : memref<10000x128xf32, #tpu.memory_space<hbm>>) dst(%dma_wait3A_119 : memref<128x128xf32, #tpu.memory_space<vmem>>)
      %add3A_126 = arith.constant 1 : i32
      %add3A_127 = arith.addi %mul3A_86, %add3A_126 : i32
      %dma_start3A_128 = arith.constant 1 : i32
      %dma_start3A_129 = arith.constant 0 : i32
      %dma_start3A_130 = arith.constant 0 : i32
      %dma_start3A_131 = tpu.memref_slice %arg9[%dma_start3A_128, %dma_start3A_129, %dma_start3A_130] : memref<2x128x128xf32, #tpu.memory_space<vmem>> -> memref<1x128x128xf32, #tpu.memory_space<vmem>>
      %dma_start3A_132 = tpu.memref_squeeze %dma_start3A_131 : memref<1x128x128xf32, #tpu.memory_space<vmem>> -> memref<128x128xf32, #tpu.memory_space<vmem>>
      %dma_start3A_133 = arith.constant 0 : i32
      %dma_start3A_134 = tpu.memref_slice %arg8[%add3A_127, %dma_start3A_133] : memref<4x128xi32, #tpu.memory_space<vmem>> -> memref<1x128xi32, #tpu.memory_space<vmem>>
      %dma_start3A_135 = tpu.memref_squeeze %dma_start3A_134 : memref<1x128xi32, #tpu.memory_space<vmem>> -> memref<128xi32, #tpu.memory_space<vmem>>
      %dma_start3A_136 = arith.constant 0 : i32
      %dma_start3A_137 = arith.constant 0 : i32
      %dma_start3A_138 = tpu.memref_slice %arg10[%dma_start3A_136, %dma_start3A_137] : memref<10112x128xf32, #tpu.memory_space<vmem_shared>> -> memref<10112x128xf32, #tpu.memory_space<vmem_shared>>
      tpu.enqueue_indirect_dma source(%dma_start3A_132 : memref<128x128xf32, #tpu.memory_space<vmem>>) target(%dma_start3A_138 : memref<10112x128xf32, #tpu.memory_space<vmem_shared>>) offsets(%dma_start3A_135 : memref<128xi32, #tpu.memory_space<vmem>>) semaphore(%arg16 : memref<!tpu.dma_semaphore, #tpu.memory_space<semaphore_mem>>) {add = true}
      %add3A_139 = arith.constant 0 : i32
      %add3A_140 = arith.addi %mul3A_86, %add3A_139 : i32
      %dma_wait3A_141 = arith.constant 0 : i32
      %dma_wait3A_142 = arith.constant 0 : i32
      %dma_wait3A_143 = arith.constant 0 : i32
      %dma_wait3A_144 = tpu.memref_slice %arg9[%dma_wait3A_141, %dma_wait3A_142, %dma_wait3A_143] : memref<2x128x128xf32, #tpu.memory_space<vmem>> -> memref<1x128x128xf32, #tpu.memory_space<vmem>>
      %dma_wait3A_145 = tpu.memref_squeeze %dma_wait3A_144 : memref<1x128x128xf32, #tpu.memory_space<vmem>> -> memref<128x128xf32, #tpu.memory_space<vmem>>
      %dma_wait3A_146 = arith.constant 0 : i32
      %dma_wait3A_147 = tpu.memref_slice %arg8[%add3A_140, %dma_wait3A_146] : memref<4x128xi32, #tpu.memory_space<vmem>> -> memref<1x128xi32, #tpu.memory_space<vmem>>
      %dma_wait3A_148 = tpu.memref_squeeze %dma_wait3A_147 : memref<1x128xi32, #tpu.memory_space<vmem>> -> memref<128xi32, #tpu.memory_space<vmem>>
      %dma_wait3A_149 = arith.constant 0 : i32
      %dma_wait3A_150 = arith.constant 0 : i32
      %dma_wait3A_151 = tpu.memref_slice %arg10[%dma_wait3A_149, %dma_wait3A_150] : memref<10112x128xf32, #tpu.memory_space<vmem_shared>> -> memref<10112x128xf32, #tpu.memory_space<vmem_shared>>
      tpu.wait_indirect_dma semaphore(%arg15 : memref<!tpu.dma_semaphore, #tpu.memory_space<semaphore_mem>>) src(%dma_wait3A_145 : memref<128x128xf32, #tpu.memory_space<vmem>>) dst(%dma_wait3A_151 : memref<10112x128xf32, #tpu.memory_space<vmem_shared>>)
      %add3A_152 = arith.constant 2 : i32
      %add3A_153 = arith.addi %mul3A_86, %add3A_152 : i32
      %add3A_154 = arith.constant 0 : i32
      %add3A_155 = arith.addi %add3A_153, %add3A_154 : i32
      %dma_start3A_156 = arith.constant 0 : i32
      %dma_start3A_157 = arith.constant 0 : i32
      %dma_start3A_158 = arith.constant 0 : i32
      %dma_start3A_159 = tpu.memref_slice %arg9[%dma_start3A_156, %dma_start3A_157, %dma_start3A_158] : memref<2x128x128xf32, #tpu.memory_space<vmem>> -> memref<1x128x128xf32, #tpu.memory_space<vmem>>
      %dma_start3A_160 = tpu.memref_squeeze %dma_start3A_159 : memref<1x128x128xf32, #tpu.memory_space<vmem>> -> memref<128x128xf32, #tpu.memory_space<vmem>>
      %dma_start3A_161 = arith.constant 0 : i32
      %dma_start3A_162 = tpu.memref_slice %arg7[%add3A_155, %dma_start3A_161] : memref<4x128xi32, #tpu.memory_space<vmem>> -> memref<1x128xi32, #tpu.memory_space<vmem>>
      %dma_start3A_163 = tpu.memref_squeeze %dma_start3A_162 : memref<1x128xi32, #tpu.memory_space<vmem>> -> memref<128xi32, #tpu.memory_space<vmem>>
      %dma_start3A_164 = arith.constant 0 : i32
      %dma_start3A_165 = arith.constant 0 : i32
      %dma_start3A_166 = tpu.memref_slice %arg2[%dma_start3A_164, %dma_start3A_165] : memref<10000x128xf32, #tpu.memory_space<hbm>> -> memref<10000x128xf32, #tpu.memory_space<hbm>>
      tpu.enqueue_indirect_dma source(%dma_start3A_166 : memref<10000x128xf32, #tpu.memory_space<hbm>>) target(%dma_start3A_160 : memref<128x128xf32, #tpu.memory_space<vmem>>) offsets(%dma_start3A_163 : memref<128xi32, #tpu.memory_space<vmem>>) semaphore(%arg11 : memref<!tpu.dma_semaphore, #tpu.memory_space<semaphore_mem>>)
      %add3A_167 = arith.constant 1 : i32
      %add3A_168 = arith.addi %mul3A_86, %add3A_167 : i32
      %dma_wait3A_169 = arith.constant 1 : i32
      %dma_wait3A_170 = arith.constant 0 : i32
      %dma_wait3A_171 = arith.constant 0 : i32
      %dma_wait3A_172 = tpu.memref_slice %arg9[%dma_wait3A_169, %dma_wait3A_170, %dma_wait3A_171] : memref<2x128x128xf32, #tpu.memory_space<vmem>> -> memref<1x128x128xf32, #tpu.memory_space<vmem>>
      %dma_wait3A_173 = tpu.memref_squeeze %dma_wait3A_172 : memref<1x128x128xf32, #tpu.memory_space<vmem>> -> memref<128x128xf32, #tpu.memory_space<vmem>>
      %dma_wait3A_174 = arith.constant 0 : i32
      %dma_wait3A_175 = tpu.memref_slice %arg8[%add3A_168, %dma_wait3A_174] : memref<4x128xi32, #tpu.memory_space<vmem>> -> memref<1x128xi32, #tpu.memory_space<vmem>>
      %dma_wait3A_176 = tpu.memref_squeeze %dma_wait3A_175 : memref<1x128xi32, #tpu.memory_space<vmem>> -> memref<128xi32, #tpu.memory_space<vmem>>
      %dma_wait3A_177 = arith.constant 0 : i32
      %dma_wait3A_178 = arith.constant 0 : i32
      %dma_wait3A_179 = tpu.memref_slice %arg10[%dma_wait3A_177, %dma_wait3A_178] : memref<10112x128xf32, #tpu.memory_space<vmem_shared>> -> memref<10112x128xf32, #tpu.memory_space<vmem_shared>>
      tpu.wait_indirect_dma semaphore(%arg16 : memref<!tpu.dma_semaphore, #tpu.memory_space<semaphore_mem>>) src(%dma_wait3A_173 : memref<128x128xf32, #tpu.memory_space<vmem>>) dst(%dma_wait3A_179 : memref<10112x128xf32, #tpu.memory_space<vmem_shared>>)
      %add3A_180 = arith.constant 2 : i32
      %add3A_181 = arith.addi %mul3A_86, %add3A_180 : i32
      %add3A_182 = arith.constant 1 : i32
      %add3A_183 = arith.addi %add3A_181, %add3A_182 : i32
      %dma_start3A_184 = arith.constant 1 : i32
      %dma_start3A_185 = arith.constant 0 : i32
      %dma_start3A_186 = arith.constant 0 : i32
      %dma_start3A_187 = tpu.memref_slice %arg9[%dma_start3A_184, %dma_start3A_185, %dma_start3A_186] : memref<2x128x128xf32, #tpu.memory_space<vmem>> -> memref<1x128x128xf32, #tpu.memory_space<vmem>>
      %dma_start3A_188 = tpu.memref_squeeze %dma_start3A_187 : memref<1x128x128xf32, #tpu.memory_space<vmem>> -> memref<128x128xf32, #tpu.memory_space<vmem>>
      %dma_start3A_189 = arith.constant 0 : i32
      %dma_start3A_190 = tpu.memref_slice %arg7[%add3A_183, %dma_start3A_189] : memref<4x128xi32, #tpu.memory_space<vmem>> -> memref<1x128xi32, #tpu.memory_space<vmem>>
      %dma_start3A_191 = tpu.memref_squeeze %dma_start3A_190 : memref<1x128xi32, #tpu.memory_space<vmem>> -> memref<128xi32, #tpu.memory_space<vmem>>
      %dma_start3A_192 = arith.constant 0 : i32
      %dma_start3A_193 = arith.constant 0 : i32
      %dma_start3A_194 = tpu.memref_slice %arg2[%dma_start3A_192, %dma_start3A_193] : memref<10000x128xf32, #tpu.memory_space<hbm>> -> memref<10000x128xf32, #tpu.memory_space<hbm>>
      tpu.enqueue_indirect_dma source(%dma_start3A_194 : memref<10000x128xf32, #tpu.memory_space<hbm>>) target(%dma_start3A_188 : memref<128x128xf32, #tpu.memory_space<vmem>>) offsets(%dma_start3A_191 : memref<128xi32, #tpu.memory_space<vmem>>) semaphore(%arg12 : memref<!tpu.dma_semaphore, #tpu.memory_space<semaphore_mem>>)
      %scan3A_195 = arith.constant 1 : i32
      %dma_wait3A_196 = arith.constant 2 : i32
      %dma_wait3A_197 = arith.constant 0 : i32
      %dma_wait3A_198 = arith.constant 0 : i32
      %dma_wait3A_199 = arith.constant 0 : i32
      %dma_wait3A_200 = tpu.memref_slice %arg9[%dma_wait3A_197, %dma_wait3A_198, %dma_wait3A_199] : memref<2x128x128xf32, #tpu.memory_space<vmem>> -> memref<1x128x128xf32, #tpu.memory_space<vmem>>
      %dma_wait3A_201 = tpu.memref_squeeze %dma_wait3A_200 : memref<1x128x128xf32, #tpu.memory_space<vmem>> -> memref<128x128xf32, #tpu.memory_space<vmem>>
      %dma_wait3A_202 = arith.constant 0 : i32
      %dma_wait3A_203 = tpu.memref_slice %arg7[%dma_wait3A_196, %dma_wait3A_202] : memref<4x128xi32, #tpu.memory_space<vmem>> -> memref<1x128xi32, #tpu.memory_space<vmem>>
      %dma_wait3A_204 = tpu.memref_squeeze %dma_wait3A_203 : memref<1x128xi32, #tpu.memory_space<vmem>> -> memref<128xi32, #tpu.memory_space<vmem>>
      %dma_wait3A_205 = arith.constant 0 : i32
      %dma_wait3A_206 = arith.constant 0 : i32
      %dma_wait3A_207 = tpu.memref_slice %arg2[%dma_wait3A_205, %dma_wait3A_206] : memref<10000x128xf32, #tpu.memory_space<hbm>> -> memref<10000x128xf32, #tpu.memory_space<hbm>>
      tpu.wait_indirect_dma semaphore(%arg11 : memref<!tpu.dma_semaphore, #tpu.memory_space<semaphore_mem>>) src(%dma_wait3A_207 : memref<10000x128xf32, #tpu.memory_space<hbm>>) dst(%dma_wait3A_201 : memref<128x128xf32, #tpu.memory_space<vmem>>)
      %dma_start3A_208 = arith.constant 0 : i32
      %dma_start3A_209 = arith.constant 2 : i32
      %dma_start3A_210 = arith.constant 0 : i32
      %dma_start3A_211 = arith.constant 0 : i32
      %dma_start3A_212 = tpu.memref_slice %arg9[%dma_start3A_208, %dma_start3A_210, %dma_start3A_211] : memref<2x128x128xf32, #tpu.memory_space<vmem>> -> memref<1x128x128xf32, #tpu.memory_space<vmem>>
      %dma_start3A_213 = tpu.memref_squeeze %dma_start3A_212 : memref<1x128x128xf32, #tpu.memory_space<vmem>> -> memref<128x128xf32, #tpu.memory_space<vmem>>
      %dma_start3A_214 = arith.constant 0 : i32
      %dma_start3A_215 = tpu.memref_slice %arg8[%dma_start3A_209, %dma_start3A_214] : memref<4x128xi32, #tpu.memory_space<vmem>> -> memref<1x128xi32, #tpu.memory_space<vmem>>
      %dma_start3A_216 = tpu.memref_squeeze %dma_start3A_215 : memref<1x128xi32, #tpu.memory_space<vmem>> -> memref<128xi32, #tpu.memory_space<vmem>>
      %dma_start3A_217 = arith.constant 0 : i32
      %dma_start3A_218 = arith.constant 0 : i32
      %dma_start3A_219 = tpu.memref_slice %arg10[%dma_start3A_217, %dma_start3A_218] : memref<10112x128xf32, #tpu.memory_space<vmem_shared>> -> memref<10112x128xf32, #tpu.memory_space<vmem_shared>>
      tpu.enqueue_indirect_dma source(%dma_start3A_213 : memref<128x128xf32, #tpu.memory_space<vmem>>) target(%dma_start3A_219 : memref<10112x128xf32, #tpu.memory_space<vmem_shared>>) offsets(%dma_start3A_216 : memref<128xi32, #tpu.memory_space<vmem>>) semaphore(%arg15 : memref<!tpu.dma_semaphore, #tpu.memory_space<semaphore_mem>>) {add = true}
      %dma_wait3A_220 = arith.constant 3 : i32
      %dma_wait3A_221 = arith.constant 1 : i32
      %dma_wait3A_222 = arith.constant 0 : i32
      %dma_wait3A_223 = arith.constant 0 : i32
      %dma_wait3A_224 = tpu.memref_slice %arg9[%dma_wait3A_221, %dma_wait3A_222, %dma_wait3A_223] : memref<2x128x128xf32, #tpu.memory_space<vmem>> -> memref<1x128x128xf32, #tpu.memory_space<vmem>>
      %dma_wait3A_225 = tpu.memref_squeeze %dma_wait3A_224 : memref<1x128x128xf32, #tpu.memory_space<vmem>> -> memref<128x128xf32, #tpu.memory_space<vmem>>
      %dma_wait3A_226 = arith.constant 0 : i32
      %dma_wait3A_227 = tpu.memref_slice %arg7[%dma_wait3A_220, %dma_wait3A_226] : memref<4x128xi32, #tpu.memory_space<vmem>> -> memref<1x128xi32, #tpu.memory_space<vmem>>
      %dma_wait3A_228 = tpu.memref_squeeze %dma_wait3A_227 : memref<1x128xi32, #tpu.memory_space<vmem>> -> memref<128xi32, #tpu.memory_space<vmem>>
      %dma_wait3A_229 = arith.constant 0 : i32
      %dma_wait3A_230 = arith.constant 0 : i32
      %dma_wait3A_231 = tpu.memref_slice %arg2[%dma_wait3A_229, %dma_wait3A_230] : memref<10000x128xf32, #tpu.memory_space<hbm>> -> memref<10000x128xf32, #tpu.memory_space<hbm>>
      tpu.wait_indirect_dma semaphore(%arg12 : memref<!tpu.dma_semaphore, #tpu.memory_space<semaphore_mem>>) src(%dma_wait3A_231 : memref<10000x128xf32, #tpu.memory_space<hbm>>) dst(%dma_wait3A_225 : memref<128x128xf32, #tpu.memory_space<vmem>>)
      %dma_start3A_232 = arith.constant 1 : i32
      %dma_start3A_233 = arith.constant 3 : i32
      %dma_start3A_234 = arith.constant 0 : i32
      %dma_start3A_235 = arith.constant 0 : i32
      %dma_start3A_236 = tpu.memref_slice %arg9[%dma_start3A_232, %dma_start3A_234, %dma_start3A_235] : memref<2x128x128xf32, #tpu.memory_space<vmem>> -> memref<1x128x128xf32, #tpu.memory_space<vmem>>
      %dma_start3A_237 = tpu.memref_squeeze %dma_start3A_236 : memref<1x128x128xf32, #tpu.memory_space<vmem>> -> memref<128x128xf32, #tpu.memory_space<vmem>>
      %dma_start3A_238 = arith.constant 0 : i32
      %dma_start3A_239 = tpu.memref_slice %arg8[%dma_start3A_233, %dma_start3A_238] : memref<4x128xi32, #tpu.memory_space<vmem>> -> memref<1x128xi32, #tpu.memory_space<vmem>>
      %dma_start3A_240 = tpu.memref_squeeze %dma_start3A_239 : memref<1x128xi32, #tpu.memory_space<vmem>> -> memref<128xi32, #tpu.memory_space<vmem>>
      %dma_start3A_241 = arith.constant 0 : i32
      %dma_start3A_242 = arith.constant 0 : i32
      %dma_start3A_243 = tpu.memref_slice %arg10[%dma_start3A_241, %dma_start3A_242] : memref<10112x128xf32, #tpu.memory_space<vmem_shared>> -> memref<10112x128xf32, #tpu.memory_space<vmem_shared>>
      tpu.enqueue_indirect_dma source(%dma_start3A_237 : memref<128x128xf32, #tpu.memory_space<vmem>>) target(%dma_start3A_243 : memref<10112x128xf32, #tpu.memory_space<vmem_shared>>) offsets(%dma_start3A_240 : memref<128xi32, #tpu.memory_space<vmem>>) semaphore(%arg16 : memref<!tpu.dma_semaphore, #tpu.memory_space<semaphore_mem>>) {add = true}
      %dma_wait3A_244 = arith.constant 0 : i32
      %dma_wait3A_245 = arith.constant 2 : i32
      %dma_wait3A_246 = arith.constant 0 : i32
      %dma_wait3A_247 = arith.constant 0 : i32
      %dma_wait3A_248 = tpu.memref_slice %arg9[%dma_wait3A_244, %dma_wait3A_246, %dma_wait3A_247] : memref<2x128x128xf32, #tpu.memory_space<vmem>> -> memref<1x128x128xf32, #tpu.memory_space<vmem>>
      %dma_wait3A_249 = tpu.memref_squeeze %dma_wait3A_248 : memref<1x128x128xf32, #tpu.memory_space<vmem>> -> memref<128x128xf32, #tpu.memory_space<vmem>>
      %dma_wait3A_250 = arith.constant 0 : i32
      %dma_wait3A_251 = tpu.memref_slice %arg8[%dma_wait3A_245, %dma_wait3A_250] : memref<4x128xi32, #tpu.memory_space<vmem>> -> memref<1x128xi32, #tpu.memory_space<vmem>>
      %dma_wait3A_252 = tpu.memref_squeeze %dma_wait3A_251 : memref<1x128xi32, #tpu.memory_space<vmem>> -> memref<128xi32, #tpu.memory_space<vmem>>
      %dma_wait3A_253 = arith.constant 0 : i32
      %dma_wait3A_254 = arith.constant 0 : i32
      %dma_wait3A_255 = tpu.memref_slice %arg10[%dma_wait3A_253, %dma_wait3A_254] : memref<10112x128xf32, #tpu.memory_space<vmem_shared>> -> memref<10112x128xf32, #tpu.memory_space<vmem_shared>>
      tpu.wait_indirect_dma semaphore(%arg15 : memref<!tpu.dma_semaphore, #tpu.memory_space<semaphore_mem>>) src(%dma_wait3A_249 : memref<128x128xf32, #tpu.memory_space<vmem>>) dst(%dma_wait3A_255 : memref<10112x128xf32, #tpu.memory_space<vmem_shared>>)
      %dma_wait3A_256 = arith.constant 1 : i32
      %dma_wait3A_257 = arith.constant 3 : i32
      %dma_wait3A_258 = arith.constant 0 : i32
      %dma_wait3A_259 = arith.constant 0 : i32
      %dma_wait3A_260 = tpu.memref_slice %arg9[%dma_wait3A_256, %dma_wait3A_258, %dma_wait3A_259] : memref<2x128x128xf32, #tpu.memory_space<vmem>> -> memref<1x128x128xf32, #tpu.memory_space<vmem>>
      %dma_wait3A_261 = tpu.memref_squeeze %dma_wait3A_260 : memref<1x128x128xf32, #tpu.memory_space<vmem>> -> memref<128x128xf32, #tpu.memory_space<vmem>>
      %dma_wait3A_262 = arith.constant 0 : i32
      %dma_wait3A_263 = tpu.memref_slice %arg8[%dma_wait3A_257, %dma_wait3A_262] : memref<4x128xi32, #tpu.memory_space<vmem>> -> memref<1x128xi32, #tpu.memory_space<vmem>>
      %dma_wait3A_264 = tpu.memref_squeeze %dma_wait3A_263 : memref<1x128xi32, #tpu.memory_space<vmem>> -> memref<128xi32, #tpu.memory_space<vmem>>
      %dma_wait3A_265 = arith.constant 0 : i32
      %dma_wait3A_266 = arith.constant 0 : i32
      %dma_wait3A_267 = tpu.memref_slice %arg10[%dma_wait3A_265, %dma_wait3A_266] : memref<10112x128xf32, #tpu.memory_space<vmem_shared>> -> memref<10112x128xf32, #tpu.memory_space<vmem_shared>>
      tpu.wait_indirect_dma semaphore(%arg16 : memref<!tpu.dma_semaphore, #tpu.memory_space<semaphore_mem>>) src(%dma_wait3A_261 : memref<128x128xf32, #tpu.memory_space<vmem>>) dst(%dma_wait3A_267 : memref<10112x128xf32, #tpu.memory_space<vmem_shared>>)
    }
    %while3A_30 = arith.constant 1 : i32
    scf.for %while3A_35 = %while3A_28 to %while3A_24 step %while3A_30  : i32 {
      %mul3A_36 = arith.muli %while3A_35, %while3A : i32
      %add3A_37 = arith.addi %while3A_21, %mul3A_36 : i32
      %mul3A_38 = arith.constant 4 : i32
      %mul3A_39 = arith.muli %add3A_37, %mul3A_38 : i32
      %add3A_40 = arith.addi %select_n3A_6, %mul3A_39 : i32
      %dma_start3A_41 = arith.constant 0 : i32
      %dma_start3A_42 = tpu.memref_slice %arg3[%add3A_40, %dma_start3A_41] : memref<2560x128xi32, #tpu.memory_space<hbm>> -> memref<4x128xi32, #tpu.memory_space<hbm>>
      %dma_start3A_43 = arith.constant 0 : i32
      %dma_start3A_44 = tpu.memref_slice %arg3[%add3A_40, %dma_start3A_43] : memref<2560x128xi32, #tpu.memory_space<hbm>> -> memref<4x128xi32, #tpu.memory_space<hbm>>
      tpu.enqueue_dma source(%dma_start3A_44 : memref<4x128xi32, #tpu.memory_space<hbm>>) target(%arg7 : memref<4x128xi32, #tpu.memory_space<vmem>>) target_semaphore(%arg19 : memref<!tpu.dma_semaphore, #tpu.memory_space<semaphore_mem>>)
      %dma_start3A_45 = arith.constant 0 : i32
      %dma_start3A_46 = tpu.memref_slice %arg4[%add3A_40, %dma_start3A_45] : memref<2560x128xi32, #tpu.memory_space<hbm>> -> memref<4x128xi32, #tpu.memory_space<hbm>>
      %dma_start3A_47 = arith.constant 0 : i32
      %dma_start3A_48 = tpu.memref_slice %arg4[%add3A_40, %dma_start3A_47] : memref<2560x128xi32, #tpu.memory_space<hbm>> -> memref<4x128xi32, #tpu.memory_space<hbm>>
      tpu.enqueue_dma source(%dma_start3A_48 : memref<4x128xi32, #tpu.memory_space<hbm>>) target(%arg8 : memref<4x128xi32, #tpu.memory_space<vmem>>) target_semaphore(%arg19 : memref<!tpu.dma_semaphore, #tpu.memory_space<semaphore_mem>>)
      %dma_wait3A_49 = arith.constant 0 : i32
      %dma_wait3A_50 = tpu.memref_slice %arg3[%add3A_40, %dma_wait3A_49] : memref<2560x128xi32, #tpu.memory_space<hbm>> -> memref<4x128xi32, #tpu.memory_space<hbm>>
      %dma_wait3A_51 = arith.constant 0 : i32
      %dma_wait3A_52 = tpu.memref_slice %arg3[%add3A_40, %dma_wait3A_51] : memref<2560x128xi32, #tpu.memory_space<hbm>> -> memref<4x128xi32, #tpu.memory_space<hbm>>
      tpu.wait_dma2 semaphore(%arg19 : memref<!tpu.dma_semaphore, #tpu.memory_space<semaphore_mem>>) src(%dma_wait3A_52 : memref<4x128xi32, #tpu.memory_space<hbm>>) dst(%arg7 : memref<4x128xi32, #tpu.memory_space<vmem>>)
      %dma_wait3A_53 = arith.constant 0 : i32
      %dma_wait3A_54 = tpu.memref_slice %arg4[%add3A_40, %dma_wait3A_53] : memref<2560x128xi32, #tpu.memory_space<hbm>> -> memref<4x128xi32, #tpu.memory_space<hbm>>
      %dma_wait3A_55 = arith.constant 0 : i32
      %dma_wait3A_56 = tpu.memref_slice %arg4[%add3A_40, %dma_wait3A_55] : memref<2560x128xi32, #tpu.memory_space<hbm>> -> memref<4x128xi32, #tpu.memory_space<hbm>>
      tpu.wait_dma2 semaphore(%arg19 : memref<!tpu.dma_semaphore, #tpu.memory_space<semaphore_mem>>) src(%dma_wait3A_56 : memref<4x128xi32, #tpu.memory_space<hbm>>) dst(%arg8 : memref<4x128xi32, #tpu.memory_space<vmem>>)
      %dma_start3A_57 = arith.constant 0 : i32
      %dma_start3A_58 = arith.constant 0 : i32
      %dma_start3A_59 = arith.constant 0 : i32
      %dma_start3A_60 = arith.constant 0 : i32
      %dma_start3A_61 = tpu.memref_slice %arg9[%dma_start3A_58, %dma_start3A_59, %dma_start3A_60] : memref<2x128x128xf32, #tpu.memory_space<vmem>> -> memref<1x128x128xf32, #tpu.memory_space<vmem>>
      %dma_start3A_62 = tpu.memref_squeeze %dma_start3A_61 : memref<1x128x128xf32, #tpu.memory_space<vmem>> -> memref<128x128xf32, #tpu.memory_space<vmem>>
      %dma_start3A_63 = arith.constant 0 : i32
      %dma_start3A_64 = tpu.memref_slice %arg7[%dma_start3A_57, %dma_start3A_63] : memref<4x128xi32, #tpu.memory_space<vmem>> -> memref<1x128xi32, #tpu.memory_space<vmem>>
      %dma_start3A_65 = tpu.memref_squeeze %dma_start3A_64 : memref<1x128xi32, #tpu.memory_space<vmem>> -> memref<128xi32, #tpu.memory_space<vmem>>
      %dma_start3A_66 = arith.constant 0 : i32
      %dma_start3A_67 = arith.constant 0 : i32
      %dma_start3A_68 = tpu.memref_slice %arg2[%dma_start3A_66, %dma_start3A_67] : memref<10000x128xf32, #tpu.memory_space<hbm>> -> memref<10000x128xf32, #tpu.memory_space<hbm>>
      tpu.enqueue_indirect_dma source(%dma_start3A_68 : memref<10000x128xf32, #tpu.memory_space<hbm>>) target(%dma_start3A_62 : memref<128x128xf32, #tpu.memory_space<vmem>>) offsets(%dma_start3A_65 : memref<128xi32, #tpu.memory_space<vmem>>) semaphore(%arg11 : memref<!tpu.dma_semaphore, #tpu.memory_space<semaphore_mem>>)
      %dma_start3A_69 = arith.constant 1 : i32
      %dma_start3A_70 = arith.constant 1 : i32
      %dma_start3A_71 = arith.constant 0 : i32
      %dma_start3A_72 = arith.constant 0 : i32
      %dma_start3A_73 = tpu.memref_slice %arg9[%dma_start3A_70, %dma_start3A_71, %dma_start3A_72] : memref<2x128x128xf32, #tpu.memory_space<vmem>> -> memref<1x128x128xf32, #tpu.memory_space<vmem>>
      %dma_start3A_74 = tpu.memref_squeeze %dma_start3A_73 : memref<1x128x128xf32, #tpu.memory_space<vmem>> -> memref<128x128xf32, #tpu.memory_space<vmem>>
      %dma_start3A_75 = arith.constant 0 : i32
      %dma_start3A_76 = tpu.memref_slice %arg7[%dma_start3A_69, %dma_start3A_75] : memref<4x128xi32, #tpu.memory_space<vmem>> -> memref<1x128xi32, #tpu.memory_space<vmem>>
      %dma_start3A_77 = tpu.memref_squeeze %dma_start3A_76 : memref<1x128xi32, #tpu.memory_space<vmem>> -> memref<128xi32, #tpu.memory_space<vmem>>
      %dma_start3A_78 = arith.constant 0 : i32
      %dma_start3A_79 = arith.constant 0 : i32
      %dma_start3A_80 = tpu.memref_slice %arg2[%dma_start3A_78, %dma_start3A_79] : memref<10000x128xf32, #tpu.memory_space<hbm>> -> memref<10000x128xf32, #tpu.memory_space<hbm>>
      tpu.enqueue_indirect_dma source(%dma_start3A_80 : memref<10000x128xf32, #tpu.memory_space<hbm>>) target(%dma_start3A_74 : memref<128x128xf32, #tpu.memory_space<vmem>>) offsets(%dma_start3A_77 : memref<128xi32, #tpu.memory_space<vmem>>) semaphore(%arg12 : memref<!tpu.dma_semaphore, #tpu.memory_space<semaphore_mem>>)
      %scan3A = arith.constant 0 : i32
      %mul3A_81 = arith.constant 1 : i32
      %mul3A_82 = arith.muli %scan3A, %mul3A_81 : i32
      %add3A_83 = arith.constant 0 : i32
      %add3A_84 = arith.addi %add3A_83, %mul3A_82 : i32
      %mul3A_85 = arith.constant 2 : i32
      %mul3A_86 = arith.muli %add3A_84, %mul3A_85 : i32
      %add3A_87 = arith.constant 0 : i32
      %add3A_88 = arith.addi %mul3A_86, %add3A_87 : i32
      %dma_wait3A_89 = arith.constant 0 : i32
      %dma_wait3A_90 = arith.constant 0 : i32
      %dma_wait3A_91 = arith.constant 0 : i32
      %dma_wait3A_92 = tpu.memref_slice %arg9[%dma_wait3A_89, %dma_wait3A_90, %dma_wait3A_91] : memref<2x128x128xf32, #tpu.memory_space<vmem>> -> memref<1x128x128xf32, #tpu.memory_space<vmem>>
      %dma_wait3A_93 = tpu.memref_squeeze %dma_wait3A_92 : memref<1x128x128xf32, #tpu.memory_space<vmem>> -> memref<128x128xf32, #tpu.memory_space<vmem>>
      %dma_wait3A_94 = arith.constant 0 : i32
      %dma_wait3A_95 = tpu.memref_slice %arg7[%add3A_88, %dma_wait3A_94] : memref<4x128xi32, #tpu.memory_space<vmem>> -> memref<1x128xi32, #tpu.memory_space<vmem>>
      %dma_wait3A_96 = tpu.memref_squeeze %dma_wait3A_95 : memref<1x128xi32, #tpu.memory_space<vmem>> -> memref<128xi32, #tpu.memory_space<vmem>>
      %dma_wait3A_97 = arith.constant 0 : i32
      %dma_wait3A_98 = arith.constant 0 : i32
      %dma_wait3A_99 = tpu.memref_slice %arg2[%dma_wait3A_97, %dma_wait3A_98] : memref<10000x128xf32, #tpu.memory_space<hbm>> -> memref<10000x128xf32, #tpu.memory_space<hbm>>
      tpu.wait_indirect_dma semaphore(%arg11 : memref<!tpu.dma_semaphore, #tpu.memory_space<semaphore_mem>>) src(%dma_wait3A_99 : memref<10000x128xf32, #tpu.memory_space<hbm>>) dst(%dma_wait3A_93 : memref<128x128xf32, #tpu.memory_space<vmem>>)
      %add3A_100 = arith.constant 0 : i32
      %add3A_101 = arith.addi %mul3A_86, %add3A_100 : i32
      %dma_start3A_102 = arith.constant 0 : i32
      %dma_start3A_103 = arith.constant 0 : i32
      %dma_start3A_104 = arith.constant 0 : i32
      %dma_start3A_105 = tpu.memref_slice %arg9[%dma_start3A_102, %dma_start3A_103, %dma_start3A_104] : memref<2x128x128xf32, #tpu.memory_space<vmem>> -> memref<1x128x128xf32, #tpu.memory_space<vmem>>
      %dma_start3A_106 = tpu.memref_squeeze %dma_start3A_105 : memref<1x128x128xf32, #tpu.memory_space<vmem>> -> memref<128x128xf32, #tpu.memory_space<vmem>>
      %dma_start3A_107 = arith.constant 0 : i32
      %dma_start3A_108 = tpu.memref_slice %arg8[%add3A_101, %dma_start3A_107] : memref<4x128xi32, #tpu.memory_space<vmem>> -> memref<1x128xi32, #tpu.memory_space<vmem>>
      %dma_start3A_109 = tpu.memref_squeeze %dma_start3A_108 : memref<1x128xi32, #tpu.memory_space<vmem>> -> memref<128xi32, #tpu.memory_space<vmem>>
      %dma_start3A_110 = arith.constant 0 : i32
      %dma_start3A_111 = arith.constant 0 : i32
      %dma_start3A_112 = tpu.memref_slice %arg10[%dma_start3A_110, %dma_start3A_111] : memref<10112x128xf32, #tpu.memory_space<vmem_shared>> -> memref<10112x128xf32, #tpu.memory_space<vmem_shared>>
      tpu.enqueue_indirect_dma source(%dma_start3A_106 : memref<128x128xf32, #tpu.memory_space<vmem>>) target(%dma_start3A_112 : memref<10112x128xf32, #tpu.memory_space<vmem_shared>>) offsets(%dma_start3A_109 : memref<128xi32, #tpu.memory_space<vmem>>) semaphore(%arg15 : memref<!tpu.dma_semaphore, #tpu.memory_space<semaphore_mem>>) {add = true}
      %add3A_113 = arith.constant 1 : i32
      %add3A_114 = arith.addi %mul3A_86, %add3A_113 : i32
      %dma_wait3A_115 = arith.constant 1 : i32
      %dma_wait3A_116 = arith.constant 0 : i32
      %dma_wait3A_117 = arith.constant 0 : i32
      %dma_wait3A_118 = tpu.memref_slice %arg9[%dma_wait3A_115, %dma_wait3A_116, %dma_wait3A_117] : memref<2x128x128xf32, #tpu.memory_space<vmem>> -> memref<1x128x128xf32, #tpu.memory_space<vmem>>
      %dma_wait3A_119 = tpu.memref_squeeze %dma_wait3A_118 : memref<1x128x128xf32, #tpu.memory_space<vmem>> -> memref<128x128xf32, #tpu.memory_space<vmem>>
      %dma_wait3A_120 = arith.constant 0 : i32
      %dma_wait3A_121 = tpu.memref_slice %arg7[%add3A_114, %dma_wait3A_120] : memref<4x128xi32, #tpu.memory_space<vmem>> -> memref<1x128xi32, #tpu.memory_space<vmem>>
      %dma_wait3A_122 = tpu.memref_squeeze %dma_wait3A_121 : memref<1x128xi32, #tpu.memory_space<vmem>> -> memref<128xi32, #tpu.memory_space<vmem>>
      %dma_wait3A_123 = arith.constant 0 : i32
      %dma_wait3A_124 = arith.constant 0 : i32
      %dma_wait3A_125 = tpu.memref_slice %arg2[%dma_wait3A_123, %dma_wait3A_124] : memref<10000x128xf32, #tpu.memory_space<hbm>> -> memref<10000x128xf32, #tpu.memory_space<hbm>>
      tpu.wait_indirect_dma semaphore(%arg12 : memref<!tpu.dma_semaphore, #tpu.memory_space<semaphore_mem>>) src(%dma_wait3A_125 : memref<10000x128xf32, #tpu.memory_space<hbm>>) dst(%dma_wait3A_119 : memref<128x128xf32, #tpu.memory_space<vmem>>)
      %add3A_126 = arith.constant 1 : i32
      %add3A_127 = arith.addi %mul3A_86, %add3A_126 : i32
      %dma_start3A_128 = arith.constant 1 : i32
      %dma_start3A_129 = arith.constant 0 : i32
      %dma_start3A_130 = arith.constant 0 : i32
      %dma_start3A_131 = tpu.memref_slice %arg9[%dma_start3A_128, %dma_start3A_129, %dma_start3A_130] : memref<2x128x128xf32, #tpu.memory_space<vmem>> -> memref<1x128x128xf32, #tpu.memory_space<vmem>>
      %dma_start3A_132 = tpu.memref_squeeze %dma_start3A_131 : memref<1x128x128xf32, #tpu.memory_space<vmem>> -> memref<128x128xf32, #tpu.memory_space<vmem>>
      %dma_start3A_133 = arith.constant 0 : i32
      %dma_start3A_134 = tpu.memref_slice %arg8[%add3A_127, %dma_start3A_133] : memref<4x128xi32, #tpu.memory_space<vmem>> -> memref<1x128xi32, #tpu.memory_space<vmem>>
      %dma_start3A_135 = tpu.memref_squeeze %dma_start3A_134 : memref<1x128xi32, #tpu.memory_space<vmem>> -> memref<128xi32, #tpu.memory_space<vmem>>
      %dma_start3A_136 = arith.constant 0 : i32
      %dma_start3A_137 = arith.constant 0 : i32
      %dma_start3A_138 = tpu.memref_slice %arg10[%dma_start3A_136, %dma_start3A_137] : memref<10112x128xf32, #tpu.memory_space<vmem_shared>> -> memref<10112x128xf32, #tpu.memory_space<vmem_shared>>
      tpu.enqueue_indirect_dma source(%dma_start3A_132 : memref<128x128xf32, #tpu.memory_space<vmem>>) target(%dma_start3A_138 : memref<10112x128xf32, #tpu.memory_space<vmem_shared>>) offsets(%dma_start3A_135 : memref<128xi32, #tpu.memory_space<vmem>>) semaphore(%arg16 : memref<!tpu.dma_semaphore, #tpu.memory_space<semaphore_mem>>) {add = true}
      %add3A_139 = arith.constant 0 : i32
      %add3A_140 = arith.addi %mul3A_86, %add3A_139 : i32
      %dma_wait3A_141 = arith.constant 0 : i32
      %dma_wait3A_142 = arith.constant 0 : i32
      %dma_wait3A_143 = arith.constant 0 : i32
      %dma_wait3A_144 = tpu.memref_slice %arg9[%dma_wait3A_141, %dma_wait3A_142, %dma_wait3A_143] : memref<2x128x128xf32, #tpu.memory_space<vmem>> -> memref<1x128x128xf32, #tpu.memory_space<vmem>>
      %dma_wait3A_145 = tpu.memref_squeeze %dma_wait3A_144 : memref<1x128x128xf32, #tpu.memory_space<vmem>> -> memref<128x128xf32, #tpu.memory_space<vmem>>
      %dma_wait3A_146 = arith.constant 0 : i32
      %dma_wait3A_147 = tpu.memref_slice %arg8[%add3A_140, %dma_wait3A_146] : memref<4x128xi32, #tpu.memory_space<vmem>> -> memref<1x128xi32, #tpu.memory_space<vmem>>
      %dma_wait3A_148 = tpu.memref_squeeze %dma_wait3A_147 : memref<1x128xi32, #tpu.memory_space<vmem>> -> memref<128xi32, #tpu.memory_space<vmem>>
      %dma_wait3A_149 = arith.constant 0 : i32
      %dma_wait3A_150 = arith.constant 0 : i32
      %dma_wait3A_151 = tpu.memref_slice %arg10[%dma_wait3A_149, %dma_wait3A_150] : memref<10112x128xf32, #tpu.memory_space<vmem_shared>> -> memref<10112x128xf32, #tpu.memory_space<vmem_shared>>
      tpu.wait_indirect_dma semaphore(%arg15 : memref<!tpu.dma_semaphore, #tpu.memory_space<semaphore_mem>>) src(%dma_wait3A_145 : memref<128x128xf32, #tpu.memory_space<vmem>>) dst(%dma_wait3A_151 : memref<10112x128xf32, #tpu.memory_space<vmem_shared>>)
      %add3A_152 = arith.constant 2 : i32
      %add3A_153 = arith.addi %mul3A_86, %add3A_152 : i32
      %add3A_154 = arith.constant 0 : i32
      %add3A_155 = arith.addi %add3A_153, %add3A_154 : i32
      %dma_start3A_156 = arith.constant 0 : i32
      %dma_start3A_157 = arith.constant 0 : i32
      %dma_start3A_158 = arith.constant 0 : i32
      %dma_start3A_159 = tpu.memref_slice %arg9[%dma_start3A_156, %dma_start3A_157, %dma_start3A_158] : memref<2x128x128xf32, #tpu.memory_space<vmem>> -> memref<1x128x128xf32, #tpu.memory_space<vmem>>
      %dma_start3A_160 = tpu.memref_squeeze %dma_start3A_159 : memref<1x128x128xf32, #tpu.memory_space<vmem>> -> memref<128x128xf32, #tpu.memory_space<vmem>>
      %dma_start3A_161 = arith.constant 0 : i32
      %dma_start3A_162 = tpu.memref_slice %arg7[%add3A_155, %dma_start3A_161] : memref<4x128xi32, #tpu.memory_space<vmem>> -> memref<1x128xi32, #tpu.memory_space<vmem>>
      %dma_start3A_163 = tpu.memref_squeeze %dma_start3A_162 : memref<1x128xi32, #tpu.memory_space<vmem>> -> memref<128xi32, #tpu.memory_space<vmem>>
      %dma_start3A_164 = arith.constant 0 : i32
      %dma_start3A_165 = arith.constant 0 : i32
      %dma_start3A_166 = tpu.memref_slice %arg2[%dma_start3A_164, %dma_start3A_165] : memref<10000x128xf32, #tpu.memory_space<hbm>> -> memref<10000x128xf32, #tpu.memory_space<hbm>>
      tpu.enqueue_indirect_dma source(%dma_start3A_166 : memref<10000x128xf32, #tpu.memory_space<hbm>>) target(%dma_start3A_160 : memref<128x128xf32, #tpu.memory_space<vmem>>) offsets(%dma_start3A_163 : memref<128xi32, #tpu.memory_space<vmem>>) semaphore(%arg11 : memref<!tpu.dma_semaphore, #tpu.memory_space<semaphore_mem>>)
      %add3A_167 = arith.constant 1 : i32
      %add3A_168 = arith.addi %mul3A_86, %add3A_167 : i32
      %dma_wait3A_169 = arith.constant 1 : i32
      %dma_wait3A_170 = arith.constant 0 : i32
      %dma_wait3A_171 = arith.constant 0 : i32
      %dma_wait3A_172 = tpu.memref_slice %arg9[%dma_wait3A_169, %dma_wait3A_170, %dma_wait3A_171] : memref<2x128x128xf32, #tpu.memory_space<vmem>> -> memref<1x128x128xf32, #tpu.memory_space<vmem>>
      %dma_wait3A_173 = tpu.memref_squeeze %dma_wait3A_172 : memref<1x128x128xf32, #tpu.memory_space<vmem>> -> memref<128x128xf32, #tpu.memory_space<vmem>>
      %dma_wait3A_174 = arith.constant 0 : i32
      %dma_wait3A_175 = tpu.memref_slice %arg8[%add3A_168, %dma_wait3A_174] : memref<4x128xi32, #tpu.memory_space<vmem>> -> memref<1x128xi32, #tpu.memory_space<vmem>>
      %dma_wait3A_176 = tpu.memref_squeeze %dma_wait3A_175 : memref<1x128xi32, #tpu.memory_space<vmem>> -> memref<128xi32, #tpu.memory_space<vmem>>
      %dma_wait3A_177 = arith.constant 0 : i32
      %dma_wait3A_178 = arith.constant 0 : i32
      %dma_wait3A_179 = tpu.memref_slice %arg10[%dma_wait3A_177, %dma_wait3A_178] : memref<10112x128xf32, #tpu.memory_space<vmem_shared>> -> memref<10112x128xf32, #tpu.memory_space<vmem_shared>>
      tpu.wait_indirect_dma semaphore(%arg16 : memref<!tpu.dma_semaphore, #tpu.memory_space<semaphore_mem>>) src(%dma_wait3A_173 : memref<128x128xf32, #tpu.memory_space<vmem>>) dst(%dma_wait3A_179 : memref<10112x128xf32, #tpu.memory_space<vmem_shared>>)
      %add3A_180 = arith.constant 2 : i32
      %add3A_181 = arith.addi %mul3A_86, %add3A_180 : i32
      %add3A_182 = arith.constant 1 : i32
      %add3A_183 = arith.addi %add3A_181, %add3A_182 : i32
      %dma_start3A_184 = arith.constant 1 : i32
      %dma_start3A_185 = arith.constant 0 : i32
      %dma_start3A_186 = arith.constant 0 : i32
      %dma_start3A_187 = tpu.memref_slice %arg9[%dma_start3A_184, %dma_start3A_185, %dma_start3A_186] : memref<2x128x128xf32, #tpu.memory_space<vmem>> -> memref<1x128x128xf32, #tpu.memory_space<vmem>>
      %dma_start3A_188 = tpu.memref_squeeze %dma_start3A_187 : memref<1x128x128xf32, #tpu.memory_space<vmem>> -> memref<128x128xf32, #tpu.memory_space<vmem>>
      %dma_start3A_189 = arith.constant 0 : i32
      %dma_start3A_190 = tpu.memref_slice %arg7[%add3A_183, %dma_start3A_189] : memref<4x128xi32, #tpu.memory_space<vmem>> -> memref<1x128xi32, #tpu.memory_space<vmem>>
      %dma_start3A_191 = tpu.memref_squeeze %dma_start3A_190 : memref<1x128xi32, #tpu.memory_space<vmem>> -> memref<128xi32, #tpu.memory_space<vmem>>
      %dma_start3A_192 = arith.constant 0 : i32
      %dma_start3A_193 = arith.constant 0 : i32
      %dma_start3A_194 = tpu.memref_slice %arg2[%dma_start3A_192, %dma_start3A_193] : memref<10000x128xf32, #tpu.memory_space<hbm>> -> memref<10000x128xf32, #tpu.memory_space<hbm>>
      tpu.enqueue_indirect_dma source(%dma_start3A_194 : memref<10000x128xf32, #tpu.memory_space<hbm>>) target(%dma_start3A_188 : memref<128x128xf32, #tpu.memory_space<vmem>>) offsets(%dma_start3A_191 : memref<128xi32, #tpu.memory_space<vmem>>) semaphore(%arg12 : memref<!tpu.dma_semaphore, #tpu.memory_space<semaphore_mem>>)
      %scan3A_195 = arith.constant 1 : i32
      %dma_wait3A_196 = arith.constant 2 : i32
      %dma_wait3A_197 = arith.constant 0 : i32
      %dma_wait3A_198 = arith.constant 0 : i32
      %dma_wait3A_199 = arith.constant 0 : i32
      %dma_wait3A_200 = tpu.memref_slice %arg9[%dma_wait3A_197, %dma_wait3A_198, %dma_wait3A_199] : memref<2x128x128xf32, #tpu.memory_space<vmem>> -> memref<1x128x128xf32, #tpu.memory_space<vmem>>
      %dma_wait3A_201 = tpu.memref_squeeze %dma_wait3A_200 : memref<1x128x128xf32, #tpu.memory_space<vmem>> -> memref<128x128xf32, #tpu.memory_space<vmem>>
      %dma_wait3A_202 = arith.constant 0 : i32
      %dma_wait3A_203 = tpu.memref_slice %arg7[%dma_wait3A_196, %dma_wait3A_202] : memref<4x128xi32, #tpu.memory_space<vmem>> -> memref<1x128xi32, #tpu.memory_space<vmem>>
      %dma_wait3A_204 = tpu.memref_squeeze %dma_wait3A_203 : memref<1x128xi32, #tpu.memory_space<vmem>> -> memref<128xi32, #tpu.memory_space<vmem>>
      %dma_wait3A_205 = arith.constant 0 : i32
      %dma_wait3A_206 = arith.constant 0 : i32
      %dma_wait3A_207 = tpu.memref_slice %arg2[%dma_wait3A_205, %dma_wait3A_206] : memref<10000x128xf32, #tpu.memory_space<hbm>> -> memref<10000x128xf32, #tpu.memory_space<hbm>>
      tpu.wait_indirect_dma semaphore(%arg11 : memref<!tpu.dma_semaphore, #tpu.memory_space<semaphore_mem>>) src(%dma_wait3A_207 : memref<10000x128xf32, #tpu.memory_space<hbm>>) dst(%dma_wait3A_201 : memref<128x128xf32, #tpu.memory_space<vmem>>)
      %dma_start3A_208 = arith.constant 0 : i32
      %dma_start3A_209 = arith.constant 2 : i32
      %dma_start3A_210 = arith.constant 0 : i32
      %dma_start3A_211 = arith.constant 0 : i32
      %dma_start3A_212 = tpu.memref_slice %arg9[%dma_start3A_208, %dma_start3A_210, %dma_start3A_211] : memref<2x128x128xf32, #tpu.memory_space<vmem>> -> memref<1x128x128xf32, #tpu.memory_space<vmem>>
      %dma_start3A_213 = tpu.memref_squeeze %dma_start3A_212 : memref<1x128x128xf32, #tpu.memory_space<vmem>> -> memref<128x128xf32, #tpu.memory_space<vmem>>
      %dma_start3A_214 = arith.constant 0 : i32
      %dma_start3A_215 = tpu.memref_slice %arg8[%dma_start3A_209, %dma_start3A_214] : memref<4x128xi32, #tpu.memory_space<vmem>> -> memref<1x128xi32, #tpu.memory_space<vmem>>
      %dma_start3A_216 = tpu.memref_squeeze %dma_start3A_215 : memref<1x128xi32, #tpu.memory_space<vmem>> -> memref<128xi32, #tpu.memory_space<vmem>>
      %dma_start3A_217 = arith.constant 0 : i32
      %dma_start3A_218 = arith.constant 0 : i32
      %dma_start3A_219 = tpu.memref_slice %arg10[%dma_start3A_217, %dma_start3A_218] : memref<10112x128xf32, #tpu.memory_space<vmem_shared>> -> memref<10112x128xf32, #tpu.memory_space<vmem_shared>>
      tpu.enqueue_indirect_dma source(%dma_start3A_213 : memref<128x128xf32, #tpu.memory_space<vmem>>) target(%dma_start3A_219 : memref<10112x128xf32, #tpu.memory_space<vmem_shared>>) offsets(%dma_start3A_216 : memref<128xi32, #tpu.memory_space<vmem>>) semaphore(%arg15 : memref<!tpu.dma_semaphore, #tpu.memory_space<semaphore_mem>>) {add = true}
      %dma_wait3A_220 = arith.constant 3 : i32
      %dma_wait3A_221 = arith.constant 1 : i32
      %dma_wait3A_222 = arith.constant 0 : i32
      %dma_wait3A_223 = arith.constant 0 : i32
      %dma_wait3A_224 = tpu.memref_slice %arg9[%dma_wait3A_221, %dma_wait3A_222, %dma_wait3A_223] : memref<2x128x128xf32, #tpu.memory_space<vmem>> -> memref<1x128x128xf32, #tpu.memory_space<vmem>>
      %dma_wait3A_225 = tpu.memref_squeeze %dma_wait3A_224 : memref<1x128x128xf32, #tpu.memory_space<vmem>> -> memref<128x128xf32, #tpu.memory_space<vmem>>
      %dma_wait3A_226 = arith.constant 0 : i32
      %dma_wait3A_227 = tpu.memref_slice %arg7[%dma_wait3A_220, %dma_wait3A_226] : memref<4x128xi32, #tpu.memory_space<vmem>> -> memref<1x128xi32, #tpu.memory_space<vmem>>
      %dma_wait3A_228 = tpu.memref_squeeze %dma_wait3A_227 : memref<1x128xi32, #tpu.memory_space<vmem>> -> memref<128xi32, #tpu.memory_space<vmem>>
      %dma_wait3A_229 = arith.constant 0 : i32
      %dma_wait3A_230 = arith.constant 0 : i32
      %dma_wait3A_231 = tpu.memref_slice %arg2[%dma_wait3A_229, %dma_wait3A_230] : memref<10000x128xf32, #tpu.memory_space<hbm>> -> memref<10000x128xf32, #tpu.memory_space<hbm>>
      tpu.wait_indirect_dma semaphore(%arg12 : memref<!tpu.dma_semaphore, #tpu.memory_space<semaphore_mem>>) src(%dma_wait3A_231 : memref<10000x128xf32, #tpu.memory_space<hbm>>) dst(%dma_wait3A_225 : memref<128x128xf32, #tpu.memory_space<vmem>>)
      %dma_start3A_232 = arith.constant 1 : i32
      %dma_start3A_233 = arith.constant 3 : i32
      %dma_start3A_234 = arith.constant 0 : i32
      %dma_start3A_235 = arith.constant 0 : i32
      %dma_start3A_236 = tpu.memref_slice %arg9[%dma_start3A_232, %dma_start3A_234, %dma_start3A_235] : memref<2x128x128xf32, #tpu.memory_space<vmem>> -> memref<1x128x128xf32, #tpu.memory_space<vmem>>
      %dma_start3A_237 = tpu.memref_squeeze %dma_start3A_236 : memref<1x128x128xf32, #tpu.memory_space<vmem>> -> memref<128x128xf32, #tpu.memory_space<vmem>>
      %dma_start3A_238 = arith.constant 0 : i32
      %dma_start3A_239 = tpu.memref_slice %arg8[%dma_start3A_233, %dma_start3A_238] : memref<4x128xi32, #tpu.memory_space<vmem>> -> memref<1x128xi32, #tpu.memory_space<vmem>>
      %dma_start3A_240 = tpu.memref_squeeze %dma_start3A_239 : memref<1x128xi32, #tpu.memory_space<vmem>> -> memref<128xi32, #tpu.memory_space<vmem>>
      %dma_start3A_241 = arith.constant 0 : i32
      %dma_start3A_242 = arith.constant 0 : i32
      %dma_start3A_243 = tpu.memref_slice %arg10[%dma_start3A_241, %dma_start3A_242] : memref<10112x128xf32, #tpu.memory_space<vmem_shared>> -> memref<10112x128xf32, #tpu.memory_space<vmem_shared>>
      tpu.enqueue_indirect_dma source(%dma_start3A_237 : memref<128x128xf32, #tpu.memory_space<vmem>>) target(%dma_start3A_243 : memref<10112x128xf32, #tpu.memory_space<vmem_shared>>) offsets(%dma_start3A_240 : memref<128xi32, #tpu.memory_space<vmem>>) semaphore(%arg16 : memref<!tpu.dma_semaphore, #tpu.memory_space<semaphore_mem>>) {add = true}
      %dma_wait3A_244 = arith.constant 0 : i32
      %dma_wait3A_245 = arith.constant 2 : i32
      %dma_wait3A_246 = arith.constant 0 : i32
      %dma_wait3A_247 = arith.constant 0 : i32
      %dma_wait3A_248 = tpu.memref_slice %arg9[%dma_wait3A_244, %dma_wait3A_246, %dma_wait3A_247] : memref<2x128x128xf32, #tpu.memory_space<vmem>> -> memref<1x128x128xf32, #tpu.memory_space<vmem>>
      %dma_wait3A_249 = tpu.memref_squeeze %dma_wait3A_248 : memref<1x128x128xf32, #tpu.memory_space<vmem>> -> memref<128x128xf32, #tpu.memory_space<vmem>>
      %dma_wait3A_250 = arith.constant 0 : i32
      %dma_wait3A_251 = tpu.memref_slice %arg8[%dma_wait3A_245, %dma_wait3A_250] : memref<4x128xi32, #tpu.memory_space<vmem>> -> memref<1x128xi32, #tpu.memory_space<vmem>>
      %dma_wait3A_252 = tpu.memref_squeeze %dma_wait3A_251 : memref<1x128xi32, #tpu.memory_space<vmem>> -> memref<128xi32, #tpu.memory_space<vmem>>
      %dma_wait3A_253 = arith.constant 0 : i32
      %dma_wait3A_254 = arith.constant 0 : i32
      %dma_wait3A_255 = tpu.memref_slice %arg10[%dma_wait3A_253, %dma_wait3A_254] : memref<10112x128xf32, #tpu.memory_space<vmem_shared>> -> memref<10112x128xf32, #tpu.memory_space<vmem_shared>>
      tpu.wait_indirect_dma semaphore(%arg15 : memref<!tpu.dma_semaphore, #tpu.memory_space<semaphore_mem>>) src(%dma_wait3A_249 : memref<128x128xf32, #tpu.memory_space<vmem>>) dst(%dma_wait3A_255 : memref<10112x128xf32, #tpu.memory_space<vmem_shared>>)
      %dma_wait3A_256 = arith.constant 1 : i32
      %dma_wait3A_257 = arith.constant 3 : i32
      %dma_wait3A_258 = arith.constant 0 : i32
      %dma_wait3A_259 = arith.constant 0 : i32
      %dma_wait3A_260 = tpu.memref_slice %arg9[%dma_wait3A_256, %dma_wait3A_258, %dma_wait3A_259] : memref<2x128x128xf32, #tpu.memory_space<vmem>> -> memref<1x128x128xf32, #tpu.memory_space<vmem>>
      %dma_wait3A_261 = tpu.memref_squeeze %dma_wait3A_260 : memref<1x128x128xf32, #tpu.memory_space<vmem>> -> memref<128x128xf32, #tpu.memory_space<vmem>>
      %dma_wait3A_262 = arith.constant 0 : i32
      %dma_wait3A_263 = tpu.memref_slice %arg8[%dma_wait3A_257, %dma_wait3A_262] : memref<4x128xi32, #tpu.memory_space<vmem>> -> memref<1x128xi32, #tpu.memory_space<vmem>>
      %dma_wait3A_264 = tpu.memref_squeeze %dma_wait3A_263 : memref<1x128xi32, #tpu.memory_space<vmem>> -> memref<128xi32, #tpu.memory_space<vmem>>
      %dma_wait3A_265 = arith.constant 0 : i32
      %dma_wait3A_266 = arith.constant 0 : i32
      %dma_wait3A_267 = tpu.memref_slice %arg10[%dma_wait3A_265, %dma_wait3A_266] : memref<10112x128xf32, #tpu.memory_space<vmem_shared>> -> memref<10112x128xf32, #tpu.memory_space<vmem_shared>>
      tpu.wait_indirect_dma semaphore(%arg16 : memref<!tpu.dma_semaphore, #tpu.memory_space<semaphore_mem>>) src(%dma_wait3A_261 : memref<128x128xf32, #tpu.memory_space<vmem>>) dst(%dma_wait3A_267 : memref<10112x128xf32, #tpu.memory_space<vmem_shared>>)
    }
    %barrier3A_31 = arith.constant 0 : index
    tpu.barrier barrier_id(%barrier3A_31)
    %mul3A_32 = arith.constant 10112 : i32
    %mul3A_33 = arith.muli %arg0, %mul3A_32 : i32
    %add3A_34 = arith.addi %mul3A_33, %mul3A_8 : i32
    "tpu.region"() ({
      %run_scoped3A = tpu.sem_alloc : memref<!tpu.dma_semaphore, #tpu.memory_space<semaphore_mem>>
      %dma_start3A_35 = arith.constant 0 : i32
      %dma_start3A_36 = tpu.memref_slice %arg6[%add3A_34, %dma_start3A_35] : memref<20224x128xf32, #tpu.memory_space<hbm>> -> memref<632x128xf32, #tpu.memory_space<hbm>>
      %dma_start3A_37 = arith.constant 0 : i32
      %dma_start3A_38 = tpu.memref_slice %arg10[%mul3A_8, %dma_start3A_37] : memref<10112x128xf32, #tpu.memory_space<vmem_shared>> -> memref<632x128xf32, #tpu.memory_space<vmem_shared>>
      tpu.enqueue_dma source(%dma_start3A_38 : memref<632x128xf32, #tpu.memory_space<vmem_shared>>) target(%dma_start3A_36 : memref<632x128xf32, #tpu.memory_space<hbm>>) target_semaphore(%run_scoped3A : memref<!tpu.dma_semaphore, #tpu.memory_space<semaphore_mem>>)
      %dma_wait3A_39 = arith.constant 0 : i32
      %dma_wait3A_40 = tpu.memref_slice %arg6[%add3A_34, %dma_wait3A_39] : memref<20224x128xf32, #tpu.memory_space<hbm>> -> memref<632x128xf32, #tpu.memory_space<hbm>>
      %dma_wait3A_41 = arith.constant 0 : i32
      %dma_wait3A_42 = tpu.memref_slice %arg10[%mul3A_8, %dma_wait3A_41] : memref<10112x128xf32, #tpu.memory_space<vmem_shared>> -> memref<632x128xf32, #tpu.memory_space<vmem_shared>>
      tpu.wait_dma2 semaphore(%run_scoped3A : memref<!tpu.dma_semaphore, #tpu.memory_space<semaphore_mem>>) src(%dma_wait3A_42 : memref<632x128xf32, #tpu.memory_space<vmem_shared>>) dst(%dma_wait3A_40 : memref<632x128xf32, #tpu.memory_space<hbm>>)
      tpu.yield
    }) : () -> ()
    return
  }
}

#map = affine_map<(d0, d1) -> (0, 0, 0)>
#map1 = affine_map<(d0, d1) -> (0, 0)>
module attributes {stable_mosaic.version = 14 : i64} {
  func.func @_sc_count(%arg0: i32, %arg1: i32, %arg2: memref<32x80x128xi32, #tpu.memory_space<hbm>>, %arg3: memref<128x128xf32, #tpu.memory_space<hbm>>, %arg4: memref<10112x128xf32, #tpu.memory_space<hbm>>, %arg5: memref<20224x128xf32, #tpu.memory_space<hbm>>, %arg6: memref<80x128xi32, #tpu.memory_space<vmem>>, %arg7: memref<128x128xf32, #tpu.memory_space<vmem>>, %arg8: memref<10112x128xf32, #tpu.memory_space<vmem_shared>>, %arg9: memref<!tpu.dma_semaphore, #tpu.memory_space<semaphore_mem>>) attributes {dimension_semantics = [#tpu.dimension_semantics<core_parallel>, #tpu.dimension_semantics<subcore_parallel>], iteration_bounds = array<i64: 2, 16>, scalar_prefetch = 0 : i64, scratch_operands = 4 : i64, tpu.core_type = #tpu.core_type<sc_vector_subcore>, window_params = [{transform_indices = #map}, {transform_indices = #map1}, {transform_indices = #map1}, {transform_indices = #map1}]} {
    %mul3A = arith.constant 2 : i32
    %mul3A_0 = arith.muli %arg1, %mul3A : i32
    %add3A = arith.addi %mul3A_0, %arg0 : i32
    %dma_start3A = arith.constant 0 : i32
    %dma_start3A_1 = arith.constant 0 : i32
    %dma_start3A_2 = tpu.memref_slice %arg2[%add3A, %dma_start3A, %dma_start3A_1] : memref<32x80x128xi32, #tpu.memory_space<hbm>> -> memref<1x80x128xi32, #tpu.memory_space<hbm>>
    %dma_start3A_3 = tpu.memref_squeeze %dma_start3A_2 : memref<1x80x128xi32, #tpu.memory_space<hbm>> -> memref<80x128xi32, #tpu.memory_space<hbm>>
    %dma_start3A_4 = arith.constant 0 : i32
    %dma_start3A_5 = arith.constant 0 : i32
    %dma_start3A_6 = tpu.memref_slice %arg2[%add3A, %dma_start3A_4, %dma_start3A_5] : memref<32x80x128xi32, #tpu.memory_space<hbm>> -> memref<1x80x128xi32, #tpu.memory_space<hbm>>
    %dma_start3A_7 = tpu.memref_squeeze %dma_start3A_6 : memref<1x80x128xi32, #tpu.memory_space<hbm>> -> memref<80x128xi32, #tpu.memory_space<hbm>>
    tpu.enqueue_dma source(%dma_start3A_7 : memref<80x128xi32, #tpu.memory_space<hbm>>) target(%arg6 : memref<80x128xi32, #tpu.memory_space<vmem>>) target_semaphore(%arg9 : memref<!tpu.dma_semaphore, #tpu.memory_space<semaphore_mem>>)
    %dma_wait3A = arith.constant 0 : i32
    %dma_wait3A_8 = arith.constant 0 : i32
    %dma_wait3A_9 = tpu.memref_slice %arg2[%add3A, %dma_wait3A, %dma_wait3A_8] : memref<32x80x128xi32, #tpu.memory_space<hbm>> -> memref<1x80x128xi32, #tpu.memory_space<hbm>>
    %dma_wait3A_10 = tpu.memref_squeeze %dma_wait3A_9 : memref<1x80x128xi32, #tpu.memory_space<hbm>> -> memref<80x128xi32, #tpu.memory_space<hbm>>
    %dma_wait3A_11 = arith.constant 0 : i32
    %dma_wait3A_12 = arith.constant 0 : i32
    %dma_wait3A_13 = tpu.memref_slice %arg2[%add3A, %dma_wait3A_11, %dma_wait3A_12] : memref<32x80x128xi32, #tpu.memory_space<hbm>> -> memref<1x80x128xi32, #tpu.memory_space<hbm>>
    %dma_wait3A_14 = tpu.memref_squeeze %dma_wait3A_13 : memref<1x80x128xi32, #tpu.memory_space<hbm>> -> memref<80x128xi32, #tpu.memory_space<hbm>>
    tpu.wait_dma2 semaphore(%arg9 : memref<!tpu.dma_semaphore, #tpu.memory_space<semaphore_mem>>) src(%dma_wait3A_14 : memref<80x128xi32, #tpu.memory_space<hbm>>) dst(%arg6 : memref<80x128xi32, #tpu.memory_space<vmem>>)
    tpu.enqueue_dma source(%arg3 : memref<128x128xf32, #tpu.memory_space<hbm>>) target(%arg7 : memref<128x128xf32, #tpu.memory_space<vmem>>) target_semaphore(%arg9 : memref<!tpu.dma_semaphore, #tpu.memory_space<semaphore_mem>>)
    tpu.wait_dma2 semaphore(%arg9 : memref<!tpu.dma_semaphore, #tpu.memory_space<semaphore_mem>>) src(%arg3 : memref<128x128xf32, #tpu.memory_space<hbm>>) dst(%arg7 : memref<128x128xf32, #tpu.memory_space<vmem>>)
    %mul3A_15 = arith.constant 632 : i32
    %mul3A_16 = arith.muli %arg1, %mul3A_15 : i32
    %dma_start3A_17 = arith.constant 0 : i32
    %dma_start3A_18 = tpu.memref_slice %arg8[%mul3A_16, %dma_start3A_17] : memref<10112x128xf32, #tpu.memory_space<vmem_shared>> -> memref<632x128xf32, #tpu.memory_space<vmem_shared>>
    %dma_start3A_19 = arith.constant 0 : i32
    %dma_start3A_20 = tpu.memref_slice %arg4[%mul3A_16, %dma_start3A_19] : memref<10112x128xf32, #tpu.memory_space<hbm>> -> memref<632x128xf32, #tpu.memory_space<hbm>>
    tpu.enqueue_dma source(%dma_start3A_20 : memref<632x128xf32, #tpu.memory_space<hbm>>) target(%dma_start3A_18 : memref<632x128xf32, #tpu.memory_space<vmem_shared>>) target_semaphore(%arg9 : memref<!tpu.dma_semaphore, #tpu.memory_space<semaphore_mem>>)
    %dma_wait3A_21 = arith.constant 0 : i32
    %dma_wait3A_22 = tpu.memref_slice %arg8[%mul3A_16, %dma_wait3A_21] : memref<10112x128xf32, #tpu.memory_space<vmem_shared>> -> memref<632x128xf32, #tpu.memory_space<vmem_shared>>
    %dma_wait3A_23 = arith.constant 0 : i32
    %dma_wait3A_24 = tpu.memref_slice %arg4[%mul3A_16, %dma_wait3A_23] : memref<10112x128xf32, #tpu.memory_space<hbm>> -> memref<632x128xf32, #tpu.memory_space<hbm>>
    tpu.wait_dma2 semaphore(%arg9 : memref<!tpu.dma_semaphore, #tpu.memory_space<semaphore_mem>>) src(%dma_wait3A_24 : memref<632x128xf32, #tpu.memory_space<hbm>>) dst(%dma_wait3A_22 : memref<632x128xf32, #tpu.memory_space<vmem_shared>>)
    %barrier3A = arith.constant 0 : index
    tpu.barrier barrier_id(%barrier3A)
    %scan3A = arith.constant 0 : i32
    %scan3A_25 = arith.constant 80 : i32
    %scan3A_26 = arith.addi %scan3A, %scan3A_25 : i32
    %scan3A_27 = arith.constant 1 : i32
    scf.for %scan3A_33 = %scan3A to %scan3A_26 step %scan3A_27  : i32 {
      %mul3A_34 = arith.constant 1 : i32
      %mul3A_35 = arith.muli %scan3A_33, %mul3A_34 : i32
      %add3A_36 = arith.constant 0 : i32
      %add3A_37 = arith.addi %add3A_36, %mul3A_35 : i32
      "tpu.region"() ({
        %run_scoped3A = tpu.sem_alloc : memref<!tpu.dma_semaphore, #tpu.memory_space<semaphore_mem>>
        %dma_start3A_38 = arith.constant 0 : i32
        %dma_start3A_39 = tpu.memref_slice %arg6[%add3A_37, %dma_start3A_38] : memref<80x128xi32, #tpu.memory_space<vmem>> -> memref<1x128xi32, #tpu.memory_space<vmem>>
        %dma_start3A_40 = tpu.memref_squeeze %dma_start3A_39 : memref<1x128xi32, #tpu.memory_space<vmem>> -> memref<128xi32, #tpu.memory_space<vmem>>
        %dma_start3A_41 = arith.constant 0 : i32
        %dma_start3A_42 = arith.constant 0 : i32
        %dma_start3A_43 = tpu.memref_slice %arg8[%dma_start3A_41, %dma_start3A_42] : memref<10112x128xf32, #tpu.memory_space<vmem_shared>> -> memref<10112x128xf32, #tpu.memory_space<vmem_shared>>
        tpu.enqueue_indirect_dma source(%arg7 : memref<128x128xf32, #tpu.memory_space<vmem>>) target(%dma_start3A_43 : memref<10112x128xf32, #tpu.memory_space<vmem_shared>>) offsets(%dma_start3A_40 : memref<128xi32, #tpu.memory_space<vmem>>) semaphore(%run_scoped3A : memref<!tpu.dma_semaphore, #tpu.memory_space<semaphore_mem>>) {add = true}
        %dma_wait3A_44 = arith.constant 0 : i32
        %dma_wait3A_45 = tpu.memref_slice %arg6[%add3A_37, %dma_wait3A_44] : memref<80x128xi32, #tpu.memory_space<vmem>> -> memref<1x128xi32, #tpu.memory_space<vmem>>
        %dma_wait3A_46 = tpu.memref_squeeze %dma_wait3A_45 : memref<1x128xi32, #tpu.memory_space<vmem>> -> memref<128xi32, #tpu.memory_space<vmem>>
        %dma_wait3A_47 = arith.constant 0 : i32
        %dma_wait3A_48 = arith.constant 0 : i32
        %dma_wait3A_49 = tpu.memref_slice %arg8[%dma_wait3A_47, %dma_wait3A_48] : memref<10112x128xf32, #tpu.memory_space<vmem_shared>> -> memref<10112x128xf32, #tpu.memory_space<vmem_shared>>
        tpu.wait_indirect_dma semaphore(%run_scoped3A : memref<!tpu.dma_semaphore, #tpu.memory_space<semaphore_mem>>) src(%arg7 : memref<128x128xf32, #tpu.memory_space<vmem>>) dst(%dma_wait3A_49 : memref<10112x128xf32, #tpu.memory_space<vmem_shared>>)
        tpu.yield
      }) : () -> ()
    }
    %scan3A_28 = arith.constant 80 : i32
    %barrier3A_29 = arith.constant 0 : index
    tpu.barrier barrier_id(%barrier3A_29)
    %mul3A_30 = arith.constant 10112 : i32
    %mul3A_31 = arith.muli %arg0, %mul3A_30 : i32
    %add3A_32 = arith.addi %mul3A_31, %mul3A_16 : i32
    "tpu.region"() ({
      %run_scoped3A = tpu.sem_alloc : memref<!tpu.dma_semaphore, #tpu.memory_space<semaphore_mem>>
      %dma_start3A_33 = arith.constant 0 : i32
      %dma_start3A_34 = tpu.memref_slice %arg5[%add3A_32, %dma_start3A_33] : memref<20224x128xf32, #tpu.memory_space<hbm>> -> memref<632x128xf32, #tpu.memory_space<hbm>>
      %dma_start3A_35 = arith.constant 0 : i32
      %dma_start3A_36 = tpu.memref_slice %arg8[%mul3A_16, %dma_start3A_35] : memref<10112x128xf32, #tpu.memory_space<vmem_shared>> -> memref<632x128xf32, #tpu.memory_space<vmem_shared>>
      tpu.enqueue_dma source(%dma_start3A_36 : memref<632x128xf32, #tpu.memory_space<vmem_shared>>) target(%dma_start3A_34 : memref<632x128xf32, #tpu.memory_space<hbm>>) target_semaphore(%run_scoped3A : memref<!tpu.dma_semaphore, #tpu.memory_space<semaphore_mem>>)
      %dma_wait3A_37 = arith.constant 0 : i32
      %dma_wait3A_38 = tpu.memref_slice %arg5[%add3A_32, %dma_wait3A_37] : memref<20224x128xf32, #tpu.memory_space<hbm>> -> memref<632x128xf32, #tpu.memory_space<hbm>>
      %dma_wait3A_39 = arith.constant 0 : i32
      %dma_wait3A_40 = tpu.memref_slice %arg8[%mul3A_16, %dma_wait3A_39] : memref<10112x128xf32, #tpu.memory_space<vmem_shared>> -> memref<632x128xf32, #tpu.memory_space<vmem_shared>>
      tpu.wait_dma2 semaphore(%run_scoped3A : memref<!tpu.dma_semaphore, #tpu.memory_space<semaphore_mem>>) src(%dma_wait3A_40 : memref<632x128xf32, #tpu.memory_space<vmem_shared>>) dst(%dma_wait3A_38 : memref<632x128xf32, #tpu.memory_space<hbm>>)
      tpu.yield
    }) : () -> ()
    return
  }
}

#map = affine_map<(d0, d1) -> (0, 0)>
module attributes {stable_mosaic.version = 14 : i64} {
  func.func @_sc_agg(%arg0: i32, %arg1: i32, %arg2: memref<10000x128xf32, #tpu.memory_space<hbm>>, %arg3: memref<2560x128xi32, #tpu.memory_space<hbm>>, %arg4: memref<2560x128xi32, #tpu.memory_space<hbm>>, %arg5: memref<10112x128xf32, #tpu.memory_space<hbm>>, %arg6: memref<20224x128xf32, #tpu.memory_space<hbm>>, %arg7: memref<4x128xi32, #tpu.memory_space<vmem>>, %arg8: memref<4x128xi32, #tpu.memory_space<vmem>>, %arg9: memref<2x128x128xf32, #tpu.memory_space<vmem>>, %arg10: memref<10112x128xf32, #tpu.memory_space<vmem_shared>>, %arg11: memref<!tpu.dma_semaphore, #tpu.memory_space<semaphore_mem>>, %arg12: memref<!tpu.dma_semaphore, #tpu.memory_space<semaphore_mem>>, %arg13: memref<!tpu.dma_semaphore, #tpu.memory_space<semaphore_mem>>, %arg14: memref<!tpu.dma_semaphore, #tpu.memory_space<semaphore_mem>>, %arg15: memref<!tpu.dma_semaphore, #tpu.memory_space<semaphore_mem>>, %arg16: memref<!tpu.dma_semaphore, #tpu.memory_space<semaphore_mem>>, %arg17: memref<!tpu.dma_semaphore, #tpu.memory_space<semaphore_mem>>, %arg18: memref<!tpu.dma_semaphore, #tpu.memory_space<semaphore_mem>>, %arg19: memref<!tpu.dma_semaphore, #tpu.memory_space<semaphore_mem>>) attributes {dimension_semantics = [#tpu.dimension_semantics<core_parallel>, #tpu.dimension_semantics<subcore_parallel>], iteration_bounds = array<i64: 2, 16>, scalar_prefetch = 0 : i64, scratch_operands = 13 : i64, tpu.core_type = #tpu.core_type<sc_vector_subcore>, window_params = [{transform_indices = #map}, {transform_indices = #map}, {transform_indices = #map}, {transform_indices = #map}, {transform_indices = #map}]} {
    %eq3A = arith.constant 0 : i32
    %eq3A_0 = arith.cmpi eq, %arg0, %eq3A : i32
    %jit3A = arith.constant 39 : i32
    %jit3A_1 = arith.constant 1 : i32
    %select_n3A = arith.select %eq3A_0, %jit3A, %jit3A_1 : i32
    %mul3A = arith.constant 156 : i32
    %mul3A_2 = arith.muli %arg1, %mul3A : i32
    %mul3A_3 = arith.constant 4 : i32
    %mul3A_4 = arith.muli %arg1, %mul3A_3 : i32
    %add3A = arith.constant 2496 : i32
    %add3A_5 = arith.addi %add3A, %mul3A_4 : i32
    %select_n3A_6 = arith.select %eq3A_0, %mul3A_2, %add3A_5 : i32
    %mul3A_7 = arith.constant 632 : i32
    %mul3A_8 = arith.muli %arg1, %mul3A_7 : i32
    %dma_start3A = arith.constant 0 : i32
    %dma_start3A_9 = tpu.memref_slice %arg10[%mul3A_8, %dma_start3A] : memref<10112x128xf32, #tpu.memory_space<vmem_shared>> -> memref<632x128xf32, #tpu.memory_space<vmem_shared>>
    %dma_start3A_10 = arith.constant 0 : i32
    %dma_start3A_11 = tpu.memref_slice %arg5[%mul3A_8, %dma_start3A_10] : memref<10112x128xf32, #tpu.memory_space<hbm>> -> memref<632x128xf32, #tpu.memory_space<hbm>>
    tpu.enqueue_dma source(%dma_start3A_11 : memref<632x128xf32, #tpu.memory_space<hbm>>) target(%dma_start3A_9 : memref<632x128xf32, #tpu.memory_space<vmem_shared>>) target_semaphore(%arg19 : memref<!tpu.dma_semaphore, #tpu.memory_space<semaphore_mem>>)
    %dma_wait3A = arith.constant 0 : i32
    %dma_wait3A_12 = tpu.memref_slice %arg10[%mul3A_8, %dma_wait3A] : memref<10112x128xf32, #tpu.memory_space<vmem_shared>> -> memref<632x128xf32, #tpu.memory_space<vmem_shared>>
    %dma_wait3A_13 = arith.constant 0 : i32
    %dma_wait3A_14 = tpu.memref_slice %arg5[%mul3A_8, %dma_wait3A_13] : memref<10112x128xf32, #tpu.memory_space<hbm>> -> memref<632x128xf32, #tpu.memory_space<hbm>>
    tpu.wait_dma2 semaphore(%arg19 : memref<!tpu.dma_semaphore, #tpu.memory_space<semaphore_mem>>) src(%dma_wait3A_14 : memref<632x128xf32, #tpu.memory_space<hbm>>) dst(%dma_wait3A_12 : memref<632x128xf32, #tpu.memory_space<vmem_shared>>)
    %barrier3A = arith.constant 0 : index
    tpu.barrier barrier_id(%barrier3A)
    %sub3A = arith.constant 0 : i32
    %sub3A_15 = arith.subi %select_n3A, %sub3A : i32
    %sub3A_16 = arith.constant 1 : i32
    %sub3A_17 = arith.constant 1 : i32
    %sub3A_18 = arith.subi %sub3A_16, %sub3A_17 : i32
    %add3A_19 = arith.addi %sub3A_15, %sub3A_18 : i32
    %div3A = arith.constant 1 : i32
    %div3A_20 = arith.divsi %add3A_19, %div3A : i32
    %while3A = arith.constant 1 : i32
    %while3A_21 = arith.constant 0 : i32
    %while3A_22 = arith.constant 0 : i32
    %while3A_23 = arith.subi %div3A_20, %while3A_22 : i32
    %while3A_24 = arith.addi %while3A_22, %while3A_23 : i32
    %while3A_25 = arith.constant 1 : i32
    %while3A_26 = arith.divsi %while3A_23, %while3A_25 : i32
    %while3A_27 = arith.muli %while3A_26, %while3A_25 : i32
    %while3A_28 = arith.addi %while3A_22, %while3A_27 : i32
    %while3A_29 = arith.constant 1 : i32
    scf.for %while3A_35 = %while3A_22 to %while3A_28 step %while3A_29  : i32 {
      %mul3A_36 = arith.muli %while3A_35, %while3A : i32
      %add3A_37 = arith.addi %while3A_21, %mul3A_36 : i32
      %mul3A_38 = arith.constant 4 : i32
      %mul3A_39 = arith.muli %add3A_37, %mul3A_38 : i32
      %add3A_40 = arith.addi %select_n3A_6, %mul3A_39 : i32
      %dma_start3A_41 = arith.constant 0 : i32
      %dma_start3A_42 = tpu.memref_slice %arg3[%add3A_40, %dma_start3A_41] : memref<2560x128xi32, #tpu.memory_space<hbm>> -> memref<4x128xi32, #tpu.memory_space<hbm>>
      %dma_start3A_43 = arith.constant 0 : i32
      %dma_start3A_44 = tpu.memref_slice %arg3[%add3A_40, %dma_start3A_43] : memref<2560x128xi32, #tpu.memory_space<hbm>> -> memref<4x128xi32, #tpu.memory_space<hbm>>
      tpu.enqueue_dma source(%dma_start3A_44 : memref<4x128xi32, #tpu.memory_space<hbm>>) target(%arg7 : memref<4x128xi32, #tpu.memory_space<vmem>>) target_semaphore(%arg19 : memref<!tpu.dma_semaphore, #tpu.memory_space<semaphore_mem>>)
      %dma_start3A_45 = arith.constant 0 : i32
      %dma_start3A_46 = tpu.memref_slice %arg4[%add3A_40, %dma_start3A_45] : memref<2560x128xi32, #tpu.memory_space<hbm>> -> memref<4x128xi32, #tpu.memory_space<hbm>>
      %dma_start3A_47 = arith.constant 0 : i32
      %dma_start3A_48 = tpu.memref_slice %arg4[%add3A_40, %dma_start3A_47] : memref<2560x128xi32, #tpu.memory_space<hbm>> -> memref<4x128xi32, #tpu.memory_space<hbm>>
      tpu.enqueue_dma source(%dma_start3A_48 : memref<4x128xi32, #tpu.memory_space<hbm>>) target(%arg8 : memref<4x128xi32, #tpu.memory_space<vmem>>) target_semaphore(%arg19 : memref<!tpu.dma_semaphore, #tpu.memory_space<semaphore_mem>>)
      %dma_wait3A_49 = arith.constant 0 : i32
      %dma_wait3A_50 = tpu.memref_slice %arg3[%add3A_40, %dma_wait3A_49] : memref<2560x128xi32, #tpu.memory_space<hbm>> -> memref<4x128xi32, #tpu.memory_space<hbm>>
      %dma_wait3A_51 = arith.constant 0 : i32
      %dma_wait3A_52 = tpu.memref_slice %arg3[%add3A_40, %dma_wait3A_51] : memref<2560x128xi32, #tpu.memory_space<hbm>> -> memref<4x128xi32, #tpu.memory_space<hbm>>
      tpu.wait_dma2 semaphore(%arg19 : memref<!tpu.dma_semaphore, #tpu.memory_space<semaphore_mem>>) src(%dma_wait3A_52 : memref<4x128xi32, #tpu.memory_space<hbm>>) dst(%arg7 : memref<4x128xi32, #tpu.memory_space<vmem>>)
      %dma_wait3A_53 = arith.constant 0 : i32
      %dma_wait3A_54 = tpu.memref_slice %arg4[%add3A_40, %dma_wait3A_53] : memref<2560x128xi32, #tpu.memory_space<hbm>> -> memref<4x128xi32, #tpu.memory_space<hbm>>
      %dma_wait3A_55 = arith.constant 0 : i32
      %dma_wait3A_56 = tpu.memref_slice %arg4[%add3A_40, %dma_wait3A_55] : memref<2560x128xi32, #tpu.memory_space<hbm>> -> memref<4x128xi32, #tpu.memory_space<hbm>>
      tpu.wait_dma2 semaphore(%arg19 : memref<!tpu.dma_semaphore, #tpu.memory_space<semaphore_mem>>) src(%dma_wait3A_56 : memref<4x128xi32, #tpu.memory_space<hbm>>) dst(%arg8 : memref<4x128xi32, #tpu.memory_space<vmem>>)
      %dma_start3A_57 = arith.constant 0 : i32
      %dma_start3A_58 = arith.constant 0 : i32
      %dma_start3A_59 = arith.constant 0 : i32
      %dma_start3A_60 = arith.constant 0 : i32
      %dma_start3A_61 = tpu.memref_slice %arg9[%dma_start3A_58, %dma_start3A_59, %dma_start3A_60] : memref<2x128x128xf32, #tpu.memory_space<vmem>> -> memref<1x128x128xf32, #tpu.memory_space<vmem>>
      %dma_start3A_62 = tpu.memref_squeeze %dma_start3A_61 : memref<1x128x128xf32, #tpu.memory_space<vmem>> -> memref<128x128xf32, #tpu.memory_space<vmem>>
      %dma_start3A_63 = arith.constant 0 : i32
      %dma_start3A_64 = tpu.memref_slice %arg7[%dma_start3A_57, %dma_start3A_63] : memref<4x128xi32, #tpu.memory_space<vmem>> -> memref<1x128xi32, #tpu.memory_space<vmem>>
      %dma_start3A_65 = tpu.memref_squeeze %dma_start3A_64 : memref<1x128xi32, #tpu.memory_space<vmem>> -> memref<128xi32, #tpu.memory_space<vmem>>
      %dma_start3A_66 = arith.constant 0 : i32
      %dma_start3A_67 = arith.constant 0 : i32
      %dma_start3A_68 = tpu.memref_slice %arg2[%dma_start3A_66, %dma_start3A_67] : memref<10000x128xf32, #tpu.memory_space<hbm>> -> memref<10000x128xf32, #tpu.memory_space<hbm>>
      tpu.enqueue_indirect_dma source(%dma_start3A_68 : memref<10000x128xf32, #tpu.memory_space<hbm>>) target(%dma_start3A_62 : memref<128x128xf32, #tpu.memory_space<vmem>>) offsets(%dma_start3A_65 : memref<128xi32, #tpu.memory_space<vmem>>) semaphore(%arg11 : memref<!tpu.dma_semaphore, #tpu.memory_space<semaphore_mem>>)
      %dma_start3A_69 = arith.constant 1 : i32
      %dma_start3A_70 = arith.constant 1 : i32
      %dma_start3A_71 = arith.constant 0 : i32
      %dma_start3A_72 = arith.constant 0 : i32
      %dma_start3A_73 = tpu.memref_slice %arg9[%dma_start3A_70, %dma_start3A_71, %dma_start3A_72] : memref<2x128x128xf32, #tpu.memory_space<vmem>> -> memref<1x128x128xf32, #tpu.memory_space<vmem>>
      %dma_start3A_74 = tpu.memref_squeeze %dma_start3A_73 : memref<1x128x128xf32, #tpu.memory_space<vmem>> -> memref<128x128xf32, #tpu.memory_space<vmem>>
      %dma_start3A_75 = arith.constant 0 : i32
      %dma_start3A_76 = tpu.memref_slice %arg7[%dma_start3A_69, %dma_start3A_75] : memref<4x128xi32, #tpu.memory_space<vmem>> -> memref<1x128xi32, #tpu.memory_space<vmem>>
      %dma_start3A_77 = tpu.memref_squeeze %dma_start3A_76 : memref<1x128xi32, #tpu.memory_space<vmem>> -> memref<128xi32, #tpu.memory_space<vmem>>
      %dma_start3A_78 = arith.constant 0 : i32
      %dma_start3A_79 = arith.constant 0 : i32
      %dma_start3A_80 = tpu.memref_slice %arg2[%dma_start3A_78, %dma_start3A_79] : memref<10000x128xf32, #tpu.memory_space<hbm>> -> memref<10000x128xf32, #tpu.memory_space<hbm>>
      tpu.enqueue_indirect_dma source(%dma_start3A_80 : memref<10000x128xf32, #tpu.memory_space<hbm>>) target(%dma_start3A_74 : memref<128x128xf32, #tpu.memory_space<vmem>>) offsets(%dma_start3A_77 : memref<128xi32, #tpu.memory_space<vmem>>) semaphore(%arg12 : memref<!tpu.dma_semaphore, #tpu.memory_space<semaphore_mem>>)
      %scan3A = arith.constant 0 : i32
      %mul3A_81 = arith.constant 1 : i32
      %mul3A_82 = arith.muli %scan3A, %mul3A_81 : i32
      %add3A_83 = arith.constant 0 : i32
      %add3A_84 = arith.addi %add3A_83, %mul3A_82 : i32
      %mul3A_85 = arith.constant 2 : i32
      %mul3A_86 = arith.muli %add3A_84, %mul3A_85 : i32
      %add3A_87 = arith.constant 0 : i32
      %add3A_88 = arith.addi %mul3A_86, %add3A_87 : i32
      %dma_wait3A_89 = arith.constant 0 : i32
      %dma_wait3A_90 = arith.constant 0 : i32
      %dma_wait3A_91 = arith.constant 0 : i32
      %dma_wait3A_92 = tpu.memref_slice %arg9[%dma_wait3A_89, %dma_wait3A_90, %dma_wait3A_91] : memref<2x128x128xf32, #tpu.memory_space<vmem>> -> memref<1x128x128xf32, #tpu.memory_space<vmem>>
      %dma_wait3A_93 = tpu.memref_squeeze %dma_wait3A_92 : memref<1x128x128xf32, #tpu.memory_space<vmem>> -> memref<128x128xf32, #tpu.memory_space<vmem>>
      %dma_wait3A_94 = arith.constant 0 : i32
      %dma_wait3A_95 = tpu.memref_slice %arg7[%add3A_88, %dma_wait3A_94] : memref<4x128xi32, #tpu.memory_space<vmem>> -> memref<1x128xi32, #tpu.memory_space<vmem>>
      %dma_wait3A_96 = tpu.memref_squeeze %dma_wait3A_95 : memref<1x128xi32, #tpu.memory_space<vmem>> -> memref<128xi32, #tpu.memory_space<vmem>>
      %dma_wait3A_97 = arith.constant 0 : i32
      %dma_wait3A_98 = arith.constant 0 : i32
      %dma_wait3A_99 = tpu.memref_slice %arg2[%dma_wait3A_97, %dma_wait3A_98] : memref<10000x128xf32, #tpu.memory_space<hbm>> -> memref<10000x128xf32, #tpu.memory_space<hbm>>
      tpu.wait_indirect_dma semaphore(%arg11 : memref<!tpu.dma_semaphore, #tpu.memory_space<semaphore_mem>>) src(%dma_wait3A_99 : memref<10000x128xf32, #tpu.memory_space<hbm>>) dst(%dma_wait3A_93 : memref<128x128xf32, #tpu.memory_space<vmem>>)
      %add3A_100 = arith.constant 0 : i32
      %add3A_101 = arith.addi %mul3A_86, %add3A_100 : i32
      %dma_start3A_102 = arith.constant 0 : i32
      %dma_start3A_103 = arith.constant 0 : i32
      %dma_start3A_104 = arith.constant 0 : i32
      %dma_start3A_105 = tpu.memref_slice %arg9[%dma_start3A_102, %dma_start3A_103, %dma_start3A_104] : memref<2x128x128xf32, #tpu.memory_space<vmem>> -> memref<1x128x128xf32, #tpu.memory_space<vmem>>
      %dma_start3A_106 = tpu.memref_squeeze %dma_start3A_105 : memref<1x128x128xf32, #tpu.memory_space<vmem>> -> memref<128x128xf32, #tpu.memory_space<vmem>>
      %dma_start3A_107 = arith.constant 0 : i32
      %dma_start3A_108 = tpu.memref_slice %arg8[%add3A_101, %dma_start3A_107] : memref<4x128xi32, #tpu.memory_space<vmem>> -> memref<1x128xi32, #tpu.memory_space<vmem>>
      %dma_start3A_109 = tpu.memref_squeeze %dma_start3A_108 : memref<1x128xi32, #tpu.memory_space<vmem>> -> memref<128xi32, #tpu.memory_space<vmem>>
      %dma_start3A_110 = arith.constant 0 : i32
      %dma_start3A_111 = arith.constant 0 : i32
      %dma_start3A_112 = tpu.memref_slice %arg10[%dma_start3A_110, %dma_start3A_111] : memref<10112x128xf32, #tpu.memory_space<vmem_shared>> -> memref<10112x128xf32, #tpu.memory_space<vmem_shared>>
      tpu.enqueue_indirect_dma source(%dma_start3A_106 : memref<128x128xf32, #tpu.memory_space<vmem>>) target(%dma_start3A_112 : memref<10112x128xf32, #tpu.memory_space<vmem_shared>>) offsets(%dma_start3A_109 : memref<128xi32, #tpu.memory_space<vmem>>) semaphore(%arg15 : memref<!tpu.dma_semaphore, #tpu.memory_space<semaphore_mem>>) {add = true}
      %add3A_113 = arith.constant 1 : i32
      %add3A_114 = arith.addi %mul3A_86, %add3A_113 : i32
      %dma_wait3A_115 = arith.constant 1 : i32
      %dma_wait3A_116 = arith.constant 0 : i32
      %dma_wait3A_117 = arith.constant 0 : i32
      %dma_wait3A_118 = tpu.memref_slice %arg9[%dma_wait3A_115, %dma_wait3A_116, %dma_wait3A_117] : memref<2x128x128xf32, #tpu.memory_space<vmem>> -> memref<1x128x128xf32, #tpu.memory_space<vmem>>
      %dma_wait3A_119 = tpu.memref_squeeze %dma_wait3A_118 : memref<1x128x128xf32, #tpu.memory_space<vmem>> -> memref<128x128xf32, #tpu.memory_space<vmem>>
      %dma_wait3A_120 = arith.constant 0 : i32
      %dma_wait3A_121 = tpu.memref_slice %arg7[%add3A_114, %dma_wait3A_120] : memref<4x128xi32, #tpu.memory_space<vmem>> -> memref<1x128xi32, #tpu.memory_space<vmem>>
      %dma_wait3A_122 = tpu.memref_squeeze %dma_wait3A_121 : memref<1x128xi32, #tpu.memory_space<vmem>> -> memref<128xi32, #tpu.memory_space<vmem>>
      %dma_wait3A_123 = arith.constant 0 : i32
      %dma_wait3A_124 = arith.constant 0 : i32
      %dma_wait3A_125 = tpu.memref_slice %arg2[%dma_wait3A_123, %dma_wait3A_124] : memref<10000x128xf32, #tpu.memory_space<hbm>> -> memref<10000x128xf32, #tpu.memory_space<hbm>>
      tpu.wait_indirect_dma semaphore(%arg12 : memref<!tpu.dma_semaphore, #tpu.memory_space<semaphore_mem>>) src(%dma_wait3A_125 : memref<10000x128xf32, #tpu.memory_space<hbm>>) dst(%dma_wait3A_119 : memref<128x128xf32, #tpu.memory_space<vmem>>)
      %add3A_126 = arith.constant 1 : i32
      %add3A_127 = arith.addi %mul3A_86, %add3A_126 : i32
      %dma_start3A_128 = arith.constant 1 : i32
      %dma_start3A_129 = arith.constant 0 : i32
      %dma_start3A_130 = arith.constant 0 : i32
      %dma_start3A_131 = tpu.memref_slice %arg9[%dma_start3A_128, %dma_start3A_129, %dma_start3A_130] : memref<2x128x128xf32, #tpu.memory_space<vmem>> -> memref<1x128x128xf32, #tpu.memory_space<vmem>>
      %dma_start3A_132 = tpu.memref_squeeze %dma_start3A_131 : memref<1x128x128xf32, #tpu.memory_space<vmem>> -> memref<128x128xf32, #tpu.memory_space<vmem>>
      %dma_start3A_133 = arith.constant 0 : i32
      %dma_start3A_134 = tpu.memref_slice %arg8[%add3A_127, %dma_start3A_133] : memref<4x128xi32, #tpu.memory_space<vmem>> -> memref<1x128xi32, #tpu.memory_space<vmem>>
      %dma_start3A_135 = tpu.memref_squeeze %dma_start3A_134 : memref<1x128xi32, #tpu.memory_space<vmem>> -> memref<128xi32, #tpu.memory_space<vmem>>
      %dma_start3A_136 = arith.constant 0 : i32
      %dma_start3A_137 = arith.constant 0 : i32
      %dma_start3A_138 = tpu.memref_slice %arg10[%dma_start3A_136, %dma_start3A_137] : memref<10112x128xf32, #tpu.memory_space<vmem_shared>> -> memref<10112x128xf32, #tpu.memory_space<vmem_shared>>
      tpu.enqueue_indirect_dma source(%dma_start3A_132 : memref<128x128xf32, #tpu.memory_space<vmem>>) target(%dma_start3A_138 : memref<10112x128xf32, #tpu.memory_space<vmem_shared>>) offsets(%dma_start3A_135 : memref<128xi32, #tpu.memory_space<vmem>>) semaphore(%arg16 : memref<!tpu.dma_semaphore, #tpu.memory_space<semaphore_mem>>) {add = true}
      %add3A_139 = arith.constant 0 : i32
      %add3A_140 = arith.addi %mul3A_86, %add3A_139 : i32
      %dma_wait3A_141 = arith.constant 0 : i32
      %dma_wait3A_142 = arith.constant 0 : i32
      %dma_wait3A_143 = arith.constant 0 : i32
      %dma_wait3A_144 = tpu.memref_slice %arg9[%dma_wait3A_141, %dma_wait3A_142, %dma_wait3A_143] : memref<2x128x128xf32, #tpu.memory_space<vmem>> -> memref<1x128x128xf32, #tpu.memory_space<vmem>>
      %dma_wait3A_145 = tpu.memref_squeeze %dma_wait3A_144 : memref<1x128x128xf32, #tpu.memory_space<vmem>> -> memref<128x128xf32, #tpu.memory_space<vmem>>
      %dma_wait3A_146 = arith.constant 0 : i32
      %dma_wait3A_147 = tpu.memref_slice %arg8[%add3A_140, %dma_wait3A_146] : memref<4x128xi32, #tpu.memory_space<vmem>> -> memref<1x128xi32, #tpu.memory_space<vmem>>
      %dma_wait3A_148 = tpu.memref_squeeze %dma_wait3A_147 : memref<1x128xi32, #tpu.memory_space<vmem>> -> memref<128xi32, #tpu.memory_space<vmem>>
      %dma_wait3A_149 = arith.constant 0 : i32
      %dma_wait3A_150 = arith.constant 0 : i32
      %dma_wait3A_151 = tpu.memref_slice %arg10[%dma_wait3A_149, %dma_wait3A_150] : memref<10112x128xf32, #tpu.memory_space<vmem_shared>> -> memref<10112x128xf32, #tpu.memory_space<vmem_shared>>
      tpu.wait_indirect_dma semaphore(%arg15 : memref<!tpu.dma_semaphore, #tpu.memory_space<semaphore_mem>>) src(%dma_wait3A_145 : memref<128x128xf32, #tpu.memory_space<vmem>>) dst(%dma_wait3A_151 : memref<10112x128xf32, #tpu.memory_space<vmem_shared>>)
      %add3A_152 = arith.constant 2 : i32
      %add3A_153 = arith.addi %mul3A_86, %add3A_152 : i32
      %add3A_154 = arith.constant 0 : i32
      %add3A_155 = arith.addi %add3A_153, %add3A_154 : i32
      %dma_start3A_156 = arith.constant 0 : i32
      %dma_start3A_157 = arith.constant 0 : i32
      %dma_start3A_158 = arith.constant 0 : i32
      %dma_start3A_159 = tpu.memref_slice %arg9[%dma_start3A_156, %dma_start3A_157, %dma_start3A_158] : memref<2x128x128xf32, #tpu.memory_space<vmem>> -> memref<1x128x128xf32, #tpu.memory_space<vmem>>
      %dma_start3A_160 = tpu.memref_squeeze %dma_start3A_159 : memref<1x128x128xf32, #tpu.memory_space<vmem>> -> memref<128x128xf32, #tpu.memory_space<vmem>>
      %dma_start3A_161 = arith.constant 0 : i32
      %dma_start3A_162 = tpu.memref_slice %arg7[%add3A_155, %dma_start3A_161] : memref<4x128xi32, #tpu.memory_space<vmem>> -> memref<1x128xi32, #tpu.memory_space<vmem>>
      %dma_start3A_163 = tpu.memref_squeeze %dma_start3A_162 : memref<1x128xi32, #tpu.memory_space<vmem>> -> memref<128xi32, #tpu.memory_space<vmem>>
      %dma_start3A_164 = arith.constant 0 : i32
      %dma_start3A_165 = arith.constant 0 : i32
      %dma_start3A_166 = tpu.memref_slice %arg2[%dma_start3A_164, %dma_start3A_165] : memref<10000x128xf32, #tpu.memory_space<hbm>> -> memref<10000x128xf32, #tpu.memory_space<hbm>>
      tpu.enqueue_indirect_dma source(%dma_start3A_166 : memref<10000x128xf32, #tpu.memory_space<hbm>>) target(%dma_start3A_160 : memref<128x128xf32, #tpu.memory_space<vmem>>) offsets(%dma_start3A_163 : memref<128xi32, #tpu.memory_space<vmem>>) semaphore(%arg11 : memref<!tpu.dma_semaphore, #tpu.memory_space<semaphore_mem>>)
      %add3A_167 = arith.constant 1 : i32
      %add3A_168 = arith.addi %mul3A_86, %add3A_167 : i32
      %dma_wait3A_169 = arith.constant 1 : i32
      %dma_wait3A_170 = arith.constant 0 : i32
      %dma_wait3A_171 = arith.constant 0 : i32
      %dma_wait3A_172 = tpu.memref_slice %arg9[%dma_wait3A_169, %dma_wait3A_170, %dma_wait3A_171] : memref<2x128x128xf32, #tpu.memory_space<vmem>> -> memref<1x128x128xf32, #tpu.memory_space<vmem>>
      %dma_wait3A_173 = tpu.memref_squeeze %dma_wait3A_172 : memref<1x128x128xf32, #tpu.memory_space<vmem>> -> memref<128x128xf32, #tpu.memory_space<vmem>>
      %dma_wait3A_174 = arith.constant 0 : i32
      %dma_wait3A_175 = tpu.memref_slice %arg8[%add3A_168, %dma_wait3A_174] : memref<4x128xi32, #tpu.memory_space<vmem>> -> memref<1x128xi32, #tpu.memory_space<vmem>>
      %dma_wait3A_176 = tpu.memref_squeeze %dma_wait3A_175 : memref<1x128xi32, #tpu.memory_space<vmem>> -> memref<128xi32, #tpu.memory_space<vmem>>
      %dma_wait3A_177 = arith.constant 0 : i32
      %dma_wait3A_178 = arith.constant 0 : i32
      %dma_wait3A_179 = tpu.memref_slice %arg10[%dma_wait3A_177, %dma_wait3A_178] : memref<10112x128xf32, #tpu.memory_space<vmem_shared>> -> memref<10112x128xf32, #tpu.memory_space<vmem_shared>>
      tpu.wait_indirect_dma semaphore(%arg16 : memref<!tpu.dma_semaphore, #tpu.memory_space<semaphore_mem>>) src(%dma_wait3A_173 : memref<128x128xf32, #tpu.memory_space<vmem>>) dst(%dma_wait3A_179 : memref<10112x128xf32, #tpu.memory_space<vmem_shared>>)
      %add3A_180 = arith.constant 2 : i32
      %add3A_181 = arith.addi %mul3A_86, %add3A_180 : i32
      %add3A_182 = arith.constant 1 : i32
      %add3A_183 = arith.addi %add3A_181, %add3A_182 : i32
      %dma_start3A_184 = arith.constant 1 : i32
      %dma_start3A_185 = arith.constant 0 : i32
      %dma_start3A_186 = arith.constant 0 : i32
      %dma_start3A_187 = tpu.memref_slice %arg9[%dma_start3A_184, %dma_start3A_185, %dma_start3A_186] : memref<2x128x128xf32, #tpu.memory_space<vmem>> -> memref<1x128x128xf32, #tpu.memory_space<vmem>>
      %dma_start3A_188 = tpu.memref_squeeze %dma_start3A_187 : memref<1x128x128xf32, #tpu.memory_space<vmem>> -> memref<128x128xf32, #tpu.memory_space<vmem>>
      %dma_start3A_189 = arith.constant 0 : i32
      %dma_start3A_190 = tpu.memref_slice %arg7[%add3A_183, %dma_start3A_189] : memref<4x128xi32, #tpu.memory_space<vmem>> -> memref<1x128xi32, #tpu.memory_space<vmem>>
      %dma_start3A_191 = tpu.memref_squeeze %dma_start3A_190 : memref<1x128xi32, #tpu.memory_space<vmem>> -> memref<128xi32, #tpu.memory_space<vmem>>
      %dma_start3A_192 = arith.constant 0 : i32
      %dma_start3A_193 = arith.constant 0 : i32
      %dma_start3A_194 = tpu.memref_slice %arg2[%dma_start3A_192, %dma_start3A_193] : memref<10000x128xf32, #tpu.memory_space<hbm>> -> memref<10000x128xf32, #tpu.memory_space<hbm>>
      tpu.enqueue_indirect_dma source(%dma_start3A_194 : memref<10000x128xf32, #tpu.memory_space<hbm>>) target(%dma_start3A_188 : memref<128x128xf32, #tpu.memory_space<vmem>>) offsets(%dma_start3A_191 : memref<128xi32, #tpu.memory_space<vmem>>) semaphore(%arg12 : memref<!tpu.dma_semaphore, #tpu.memory_space<semaphore_mem>>)
      %scan3A_195 = arith.constant 1 : i32
      %dma_wait3A_196 = arith.constant 2 : i32
      %dma_wait3A_197 = arith.constant 0 : i32
      %dma_wait3A_198 = arith.constant 0 : i32
      %dma_wait3A_199 = arith.constant 0 : i32
      %dma_wait3A_200 = tpu.memref_slice %arg9[%dma_wait3A_197, %dma_wait3A_198, %dma_wait3A_199] : memref<2x128x128xf32, #tpu.memory_space<vmem>> -> memref<1x128x128xf32, #tpu.memory_space<vmem>>
      %dma_wait3A_201 = tpu.memref_squeeze %dma_wait3A_200 : memref<1x128x128xf32, #tpu.memory_space<vmem>> -> memref<128x128xf32, #tpu.memory_space<vmem>>
      %dma_wait3A_202 = arith.constant 0 : i32
      %dma_wait3A_203 = tpu.memref_slice %arg7[%dma_wait3A_196, %dma_wait3A_202] : memref<4x128xi32, #tpu.memory_space<vmem>> -> memref<1x128xi32, #tpu.memory_space<vmem>>
      %dma_wait3A_204 = tpu.memref_squeeze %dma_wait3A_203 : memref<1x128xi32, #tpu.memory_space<vmem>> -> memref<128xi32, #tpu.memory_space<vmem>>
      %dma_wait3A_205 = arith.constant 0 : i32
      %dma_wait3A_206 = arith.constant 0 : i32
      %dma_wait3A_207 = tpu.memref_slice %arg2[%dma_wait3A_205, %dma_wait3A_206] : memref<10000x128xf32, #tpu.memory_space<hbm>> -> memref<10000x128xf32, #tpu.memory_space<hbm>>
      tpu.wait_indirect_dma semaphore(%arg11 : memref<!tpu.dma_semaphore, #tpu.memory_space<semaphore_mem>>) src(%dma_wait3A_207 : memref<10000x128xf32, #tpu.memory_space<hbm>>) dst(%dma_wait3A_201 : memref<128x128xf32, #tpu.memory_space<vmem>>)
      %dma_start3A_208 = arith.constant 0 : i32
      %dma_start3A_209 = arith.constant 2 : i32
      %dma_start3A_210 = arith.constant 0 : i32
      %dma_start3A_211 = arith.constant 0 : i32
      %dma_start3A_212 = tpu.memref_slice %arg9[%dma_start3A_208, %dma_start3A_210, %dma_start3A_211] : memref<2x128x128xf32, #tpu.memory_space<vmem>> -> memref<1x128x128xf32, #tpu.memory_space<vmem>>
      %dma_start3A_213 = tpu.memref_squeeze %dma_start3A_212 : memref<1x128x128xf32, #tpu.memory_space<vmem>> -> memref<128x128xf32, #tpu.memory_space<vmem>>
      %dma_start3A_214 = arith.constant 0 : i32
      %dma_start3A_215 = tpu.memref_slice %arg8[%dma_start3A_209, %dma_start3A_214] : memref<4x128xi32, #tpu.memory_space<vmem>> -> memref<1x128xi32, #tpu.memory_space<vmem>>
      %dma_start3A_216 = tpu.memref_squeeze %dma_start3A_215 : memref<1x128xi32, #tpu.memory_space<vmem>> -> memref<128xi32, #tpu.memory_space<vmem>>
      %dma_start3A_217 = arith.constant 0 : i32
      %dma_start3A_218 = arith.constant 0 : i32
      %dma_start3A_219 = tpu.memref_slice %arg10[%dma_start3A_217, %dma_start3A_218] : memref<10112x128xf32, #tpu.memory_space<vmem_shared>> -> memref<10112x128xf32, #tpu.memory_space<vmem_shared>>
      tpu.enqueue_indirect_dma source(%dma_start3A_213 : memref<128x128xf32, #tpu.memory_space<vmem>>) target(%dma_start3A_219 : memref<10112x128xf32, #tpu.memory_space<vmem_shared>>) offsets(%dma_start3A_216 : memref<128xi32, #tpu.memory_space<vmem>>) semaphore(%arg15 : memref<!tpu.dma_semaphore, #tpu.memory_space<semaphore_mem>>) {add = true}
      %dma_wait3A_220 = arith.constant 3 : i32
      %dma_wait3A_221 = arith.constant 1 : i32
      %dma_wait3A_222 = arith.constant 0 : i32
      %dma_wait3A_223 = arith.constant 0 : i32
      %dma_wait3A_224 = tpu.memref_slice %arg9[%dma_wait3A_221, %dma_wait3A_222, %dma_wait3A_223] : memref<2x128x128xf32, #tpu.memory_space<vmem>> -> memref<1x128x128xf32, #tpu.memory_space<vmem>>
      %dma_wait3A_225 = tpu.memref_squeeze %dma_wait3A_224 : memref<1x128x128xf32, #tpu.memory_space<vmem>> -> memref<128x128xf32, #tpu.memory_space<vmem>>
      %dma_wait3A_226 = arith.constant 0 : i32
      %dma_wait3A_227 = tpu.memref_slice %arg7[%dma_wait3A_220, %dma_wait3A_226] : memref<4x128xi32, #tpu.memory_space<vmem>> -> memref<1x128xi32, #tpu.memory_space<vmem>>
      %dma_wait3A_228 = tpu.memref_squeeze %dma_wait3A_227 : memref<1x128xi32, #tpu.memory_space<vmem>> -> memref<128xi32, #tpu.memory_space<vmem>>
      %dma_wait3A_229 = arith.constant 0 : i32
      %dma_wait3A_230 = arith.constant 0 : i32
      %dma_wait3A_231 = tpu.memref_slice %arg2[%dma_wait3A_229, %dma_wait3A_230] : memref<10000x128xf32, #tpu.memory_space<hbm>> -> memref<10000x128xf32, #tpu.memory_space<hbm>>
      tpu.wait_indirect_dma semaphore(%arg12 : memref<!tpu.dma_semaphore, #tpu.memory_space<semaphore_mem>>) src(%dma_wait3A_231 : memref<10000x128xf32, #tpu.memory_space<hbm>>) dst(%dma_wait3A_225 : memref<128x128xf32, #tpu.memory_space<vmem>>)
      %dma_start3A_232 = arith.constant 1 : i32
      %dma_start3A_233 = arith.constant 3 : i32
      %dma_start3A_234 = arith.constant 0 : i32
      %dma_start3A_235 = arith.constant 0 : i32
      %dma_start3A_236 = tpu.memref_slice %arg9[%dma_start3A_232, %dma_start3A_234, %dma_start3A_235] : memref<2x128x128xf32, #tpu.memory_space<vmem>> -> memref<1x128x128xf32, #tpu.memory_space<vmem>>
      %dma_start3A_237 = tpu.memref_squeeze %dma_start3A_236 : memref<1x128x128xf32, #tpu.memory_space<vmem>> -> memref<128x128xf32, #tpu.memory_space<vmem>>
      %dma_start3A_238 = arith.constant 0 : i32
      %dma_start3A_239 = tpu.memref_slice %arg8[%dma_start3A_233, %dma_start3A_238] : memref<4x128xi32, #tpu.memory_space<vmem>> -> memref<1x128xi32, #tpu.memory_space<vmem>>
      %dma_start3A_240 = tpu.memref_squeeze %dma_start3A_239 : memref<1x128xi32, #tpu.memory_space<vmem>> -> memref<128xi32, #tpu.memory_space<vmem>>
      %dma_start3A_241 = arith.constant 0 : i32
      %dma_start3A_242 = arith.constant 0 : i32
      %dma_start3A_243 = tpu.memref_slice %arg10[%dma_start3A_241, %dma_start3A_242] : memref<10112x128xf32, #tpu.memory_space<vmem_shared>> -> memref<10112x128xf32, #tpu.memory_space<vmem_shared>>
      tpu.enqueue_indirect_dma source(%dma_start3A_237 : memref<128x128xf32, #tpu.memory_space<vmem>>) target(%dma_start3A_243 : memref<10112x128xf32, #tpu.memory_space<vmem_shared>>) offsets(%dma_start3A_240 : memref<128xi32, #tpu.memory_space<vmem>>) semaphore(%arg16 : memref<!tpu.dma_semaphore, #tpu.memory_space<semaphore_mem>>) {add = true}
      %dma_wait3A_244 = arith.constant 0 : i32
      %dma_wait3A_245 = arith.constant 2 : i32
      %dma_wait3A_246 = arith.constant 0 : i32
      %dma_wait3A_247 = arith.constant 0 : i32
      %dma_wait3A_248 = tpu.memref_slice %arg9[%dma_wait3A_244, %dma_wait3A_246, %dma_wait3A_247] : memref<2x128x128xf32, #tpu.memory_space<vmem>> -> memref<1x128x128xf32, #tpu.memory_space<vmem>>
      %dma_wait3A_249 = tpu.memref_squeeze %dma_wait3A_248 : memref<1x128x128xf32, #tpu.memory_space<vmem>> -> memref<128x128xf32, #tpu.memory_space<vmem>>
      %dma_wait3A_250 = arith.constant 0 : i32
      %dma_wait3A_251 = tpu.memref_slice %arg8[%dma_wait3A_245, %dma_wait3A_250] : memref<4x128xi32, #tpu.memory_space<vmem>> -> memref<1x128xi32, #tpu.memory_space<vmem>>
      %dma_wait3A_252 = tpu.memref_squeeze %dma_wait3A_251 : memref<1x128xi32, #tpu.memory_space<vmem>> -> memref<128xi32, #tpu.memory_space<vmem>>
      %dma_wait3A_253 = arith.constant 0 : i32
      %dma_wait3A_254 = arith.constant 0 : i32
      %dma_wait3A_255 = tpu.memref_slice %arg10[%dma_wait3A_253, %dma_wait3A_254] : memref<10112x128xf32, #tpu.memory_space<vmem_shared>> -> memref<10112x128xf32, #tpu.memory_space<vmem_shared>>
      tpu.wait_indirect_dma semaphore(%arg15 : memref<!tpu.dma_semaphore, #tpu.memory_space<semaphore_mem>>) src(%dma_wait3A_249 : memref<128x128xf32, #tpu.memory_space<vmem>>) dst(%dma_wait3A_255 : memref<10112x128xf32, #tpu.memory_space<vmem_shared>>)
      %dma_wait3A_256 = arith.constant 1 : i32
      %dma_wait3A_257 = arith.constant 3 : i32
      %dma_wait3A_258 = arith.constant 0 : i32
      %dma_wait3A_259 = arith.constant 0 : i32
      %dma_wait3A_260 = tpu.memref_slice %arg9[%dma_wait3A_256, %dma_wait3A_258, %dma_wait3A_259] : memref<2x128x128xf32, #tpu.memory_space<vmem>> -> memref<1x128x128xf32, #tpu.memory_space<vmem>>
      %dma_wait3A_261 = tpu.memref_squeeze %dma_wait3A_260 : memref<1x128x128xf32, #tpu.memory_space<vmem>> -> memref<128x128xf32, #tpu.memory_space<vmem>>
      %dma_wait3A_262 = arith.constant 0 : i32
      %dma_wait3A_263 = tpu.memref_slice %arg8[%dma_wait3A_257, %dma_wait3A_262] : memref<4x128xi32, #tpu.memory_space<vmem>> -> memref<1x128xi32, #tpu.memory_space<vmem>>
      %dma_wait3A_264 = tpu.memref_squeeze %dma_wait3A_263 : memref<1x128xi32, #tpu.memory_space<vmem>> -> memref<128xi32, #tpu.memory_space<vmem>>
      %dma_wait3A_265 = arith.constant 0 : i32
      %dma_wait3A_266 = arith.constant 0 : i32
      %dma_wait3A_267 = tpu.memref_slice %arg10[%dma_wait3A_265, %dma_wait3A_266] : memref<10112x128xf32, #tpu.memory_space<vmem_shared>> -> memref<10112x128xf32, #tpu.memory_space<vmem_shared>>
      tpu.wait_indirect_dma semaphore(%arg16 : memref<!tpu.dma_semaphore, #tpu.memory_space<semaphore_mem>>) src(%dma_wait3A_261 : memref<128x128xf32, #tpu.memory_space<vmem>>) dst(%dma_wait3A_267 : memref<10112x128xf32, #tpu.memory_space<vmem_shared>>)
    }
    %while3A_30 = arith.constant 1 : i32
    scf.for %while3A_35 = %while3A_28 to %while3A_24 step %while3A_30  : i32 {
      %mul3A_36 = arith.muli %while3A_35, %while3A : i32
      %add3A_37 = arith.addi %while3A_21, %mul3A_36 : i32
      %mul3A_38 = arith.constant 4 : i32
      %mul3A_39 = arith.muli %add3A_37, %mul3A_38 : i32
      %add3A_40 = arith.addi %select_n3A_6, %mul3A_39 : i32
      %dma_start3A_41 = arith.constant 0 : i32
      %dma_start3A_42 = tpu.memref_slice %arg3[%add3A_40, %dma_start3A_41] : memref<2560x128xi32, #tpu.memory_space<hbm>> -> memref<4x128xi32, #tpu.memory_space<hbm>>
      %dma_start3A_43 = arith.constant 0 : i32
      %dma_start3A_44 = tpu.memref_slice %arg3[%add3A_40, %dma_start3A_43] : memref<2560x128xi32, #tpu.memory_space<hbm>> -> memref<4x128xi32, #tpu.memory_space<hbm>>
      tpu.enqueue_dma source(%dma_start3A_44 : memref<4x128xi32, #tpu.memory_space<hbm>>) target(%arg7 : memref<4x128xi32, #tpu.memory_space<vmem>>) target_semaphore(%arg19 : memref<!tpu.dma_semaphore, #tpu.memory_space<semaphore_mem>>)
      %dma_start3A_45 = arith.constant 0 : i32
      %dma_start3A_46 = tpu.memref_slice %arg4[%add3A_40, %dma_start3A_45] : memref<2560x128xi32, #tpu.memory_space<hbm>> -> memref<4x128xi32, #tpu.memory_space<hbm>>
      %dma_start3A_47 = arith.constant 0 : i32
      %dma_start3A_48 = tpu.memref_slice %arg4[%add3A_40, %dma_start3A_47] : memref<2560x128xi32, #tpu.memory_space<hbm>> -> memref<4x128xi32, #tpu.memory_space<hbm>>
      tpu.enqueue_dma source(%dma_start3A_48 : memref<4x128xi32, #tpu.memory_space<hbm>>) target(%arg8 : memref<4x128xi32, #tpu.memory_space<vmem>>) target_semaphore(%arg19 : memref<!tpu.dma_semaphore, #tpu.memory_space<semaphore_mem>>)
      %dma_wait3A_49 = arith.constant 0 : i32
      %dma_wait3A_50 = tpu.memref_slice %arg3[%add3A_40, %dma_wait3A_49] : memref<2560x128xi32, #tpu.memory_space<hbm>> -> memref<4x128xi32, #tpu.memory_space<hbm>>
      %dma_wait3A_51 = arith.constant 0 : i32
      %dma_wait3A_52 = tpu.memref_slice %arg3[%add3A_40, %dma_wait3A_51] : memref<2560x128xi32, #tpu.memory_space<hbm>> -> memref<4x128xi32, #tpu.memory_space<hbm>>
      tpu.wait_dma2 semaphore(%arg19 : memref<!tpu.dma_semaphore, #tpu.memory_space<semaphore_mem>>) src(%dma_wait3A_52 : memref<4x128xi32, #tpu.memory_space<hbm>>) dst(%arg7 : memref<4x128xi32, #tpu.memory_space<vmem>>)
      %dma_wait3A_53 = arith.constant 0 : i32
      %dma_wait3A_54 = tpu.memref_slice %arg4[%add3A_40, %dma_wait3A_53] : memref<2560x128xi32, #tpu.memory_space<hbm>> -> memref<4x128xi32, #tpu.memory_space<hbm>>
      %dma_wait3A_55 = arith.constant 0 : i32
      %dma_wait3A_56 = tpu.memref_slice %arg4[%add3A_40, %dma_wait3A_55] : memref<2560x128xi32, #tpu.memory_space<hbm>> -> memref<4x128xi32, #tpu.memory_space<hbm>>
      tpu.wait_dma2 semaphore(%arg19 : memref<!tpu.dma_semaphore, #tpu.memory_space<semaphore_mem>>) src(%dma_wait3A_56 : memref<4x128xi32, #tpu.memory_space<hbm>>) dst(%arg8 : memref<4x128xi32, #tpu.memory_space<vmem>>)
      %dma_start3A_57 = arith.constant 0 : i32
      %dma_start3A_58 = arith.constant 0 : i32
      %dma_start3A_59 = arith.constant 0 : i32
      %dma_start3A_60 = arith.constant 0 : i32
      %dma_start3A_61 = tpu.memref_slice %arg9[%dma_start3A_58, %dma_start3A_59, %dma_start3A_60] : memref<2x128x128xf32, #tpu.memory_space<vmem>> -> memref<1x128x128xf32, #tpu.memory_space<vmem>>
      %dma_start3A_62 = tpu.memref_squeeze %dma_start3A_61 : memref<1x128x128xf32, #tpu.memory_space<vmem>> -> memref<128x128xf32, #tpu.memory_space<vmem>>
      %dma_start3A_63 = arith.constant 0 : i32
      %dma_start3A_64 = tpu.memref_slice %arg7[%dma_start3A_57, %dma_start3A_63] : memref<4x128xi32, #tpu.memory_space<vmem>> -> memref<1x128xi32, #tpu.memory_space<vmem>>
      %dma_start3A_65 = tpu.memref_squeeze %dma_start3A_64 : memref<1x128xi32, #tpu.memory_space<vmem>> -> memref<128xi32, #tpu.memory_space<vmem>>
      %dma_start3A_66 = arith.constant 0 : i32
      %dma_start3A_67 = arith.constant 0 : i32
      %dma_start3A_68 = tpu.memref_slice %arg2[%dma_start3A_66, %dma_start3A_67] : memref<10000x128xf32, #tpu.memory_space<hbm>> -> memref<10000x128xf32, #tpu.memory_space<hbm>>
      tpu.enqueue_indirect_dma source(%dma_start3A_68 : memref<10000x128xf32, #tpu.memory_space<hbm>>) target(%dma_start3A_62 : memref<128x128xf32, #tpu.memory_space<vmem>>) offsets(%dma_start3A_65 : memref<128xi32, #tpu.memory_space<vmem>>) semaphore(%arg11 : memref<!tpu.dma_semaphore, #tpu.memory_space<semaphore_mem>>)
      %dma_start3A_69 = arith.constant 1 : i32
      %dma_start3A_70 = arith.constant 1 : i32
      %dma_start3A_71 = arith.constant 0 : i32
      %dma_start3A_72 = arith.constant 0 : i32
      %dma_start3A_73 = tpu.memref_slice %arg9[%dma_start3A_70, %dma_start3A_71, %dma_start3A_72] : memref<2x128x128xf32, #tpu.memory_space<vmem>> -> memref<1x128x128xf32, #tpu.memory_space<vmem>>
      %dma_start3A_74 = tpu.memref_squeeze %dma_start3A_73 : memref<1x128x128xf32, #tpu.memory_space<vmem>> -> memref<128x128xf32, #tpu.memory_space<vmem>>
      %dma_start3A_75 = arith.constant 0 : i32
      %dma_start3A_76 = tpu.memref_slice %arg7[%dma_start3A_69, %dma_start3A_75] : memref<4x128xi32, #tpu.memory_space<vmem>> -> memref<1x128xi32, #tpu.memory_space<vmem>>
      %dma_start3A_77 = tpu.memref_squeeze %dma_start3A_76 : memref<1x128xi32, #tpu.memory_space<vmem>> -> memref<128xi32, #tpu.memory_space<vmem>>
      %dma_start3A_78 = arith.constant 0 : i32
      %dma_start3A_79 = arith.constant 0 : i32
      %dma_start3A_80 = tpu.memref_slice %arg2[%dma_start3A_78, %dma_start3A_79] : memref<10000x128xf32, #tpu.memory_space<hbm>> -> memref<10000x128xf32, #tpu.memory_space<hbm>>
      tpu.enqueue_indirect_dma source(%dma_start3A_80 : memref<10000x128xf32, #tpu.memory_space<hbm>>) target(%dma_start3A_74 : memref<128x128xf32, #tpu.memory_space<vmem>>) offsets(%dma_start3A_77 : memref<128xi32, #tpu.memory_space<vmem>>) semaphore(%arg12 : memref<!tpu.dma_semaphore, #tpu.memory_space<semaphore_mem>>)
      %scan3A = arith.constant 0 : i32
      %mul3A_81 = arith.constant 1 : i32
      %mul3A_82 = arith.muli %scan3A, %mul3A_81 : i32
      %add3A_83 = arith.constant 0 : i32
      %add3A_84 = arith.addi %add3A_83, %mul3A_82 : i32
      %mul3A_85 = arith.constant 2 : i32
      %mul3A_86 = arith.muli %add3A_84, %mul3A_85 : i32
      %add3A_87 = arith.constant 0 : i32
      %add3A_88 = arith.addi %mul3A_86, %add3A_87 : i32
      %dma_wait3A_89 = arith.constant 0 : i32
      %dma_wait3A_90 = arith.constant 0 : i32
      %dma_wait3A_91 = arith.constant 0 : i32
      %dma_wait3A_92 = tpu.memref_slice %arg9[%dma_wait3A_89, %dma_wait3A_90, %dma_wait3A_91] : memref<2x128x128xf32, #tpu.memory_space<vmem>> -> memref<1x128x128xf32, #tpu.memory_space<vmem>>
      %dma_wait3A_93 = tpu.memref_squeeze %dma_wait3A_92 : memref<1x128x128xf32, #tpu.memory_space<vmem>> -> memref<128x128xf32, #tpu.memory_space<vmem>>
      %dma_wait3A_94 = arith.constant 0 : i32
      %dma_wait3A_95 = tpu.memref_slice %arg7[%add3A_88, %dma_wait3A_94] : memref<4x128xi32, #tpu.memory_space<vmem>> -> memref<1x128xi32, #tpu.memory_space<vmem>>
      %dma_wait3A_96 = tpu.memref_squeeze %dma_wait3A_95 : memref<1x128xi32, #tpu.memory_space<vmem>> -> memref<128xi32, #tpu.memory_space<vmem>>
      %dma_wait3A_97 = arith.constant 0 : i32
      %dma_wait3A_98 = arith.constant 0 : i32
      %dma_wait3A_99 = tpu.memref_slice %arg2[%dma_wait3A_97, %dma_wait3A_98] : memref<10000x128xf32, #tpu.memory_space<hbm>> -> memref<10000x128xf32, #tpu.memory_space<hbm>>
      tpu.wait_indirect_dma semaphore(%arg11 : memref<!tpu.dma_semaphore, #tpu.memory_space<semaphore_mem>>) src(%dma_wait3A_99 : memref<10000x128xf32, #tpu.memory_space<hbm>>) dst(%dma_wait3A_93 : memref<128x128xf32, #tpu.memory_space<vmem>>)
      %add3A_100 = arith.constant 0 : i32
      %add3A_101 = arith.addi %mul3A_86, %add3A_100 : i32
      %dma_start3A_102 = arith.constant 0 : i32
      %dma_start3A_103 = arith.constant 0 : i32
      %dma_start3A_104 = arith.constant 0 : i32
      %dma_start3A_105 = tpu.memref_slice %arg9[%dma_start3A_102, %dma_start3A_103, %dma_start3A_104] : memref<2x128x128xf32, #tpu.memory_space<vmem>> -> memref<1x128x128xf32, #tpu.memory_space<vmem>>
      %dma_start3A_106 = tpu.memref_squeeze %dma_start3A_105 : memref<1x128x128xf32, #tpu.memory_space<vmem>> -> memref<128x128xf32, #tpu.memory_space<vmem>>
      %dma_start3A_107 = arith.constant 0 : i32
      %dma_start3A_108 = tpu.memref_slice %arg8[%add3A_101, %dma_start3A_107] : memref<4x128xi32, #tpu.memory_space<vmem>> -> memref<1x128xi32, #tpu.memory_space<vmem>>
      %dma_start3A_109 = tpu.memref_squeeze %dma_start3A_108 : memref<1x128xi32, #tpu.memory_space<vmem>> -> memref<128xi32, #tpu.memory_space<vmem>>
      %dma_start3A_110 = arith.constant 0 : i32
      %dma_start3A_111 = arith.constant 0 : i32
      %dma_start3A_112 = tpu.memref_slice %arg10[%dma_start3A_110, %dma_start3A_111] : memref<10112x128xf32, #tpu.memory_space<vmem_shared>> -> memref<10112x128xf32, #tpu.memory_space<vmem_shared>>
      tpu.enqueue_indirect_dma source(%dma_start3A_106 : memref<128x128xf32, #tpu.memory_space<vmem>>) target(%dma_start3A_112 : memref<10112x128xf32, #tpu.memory_space<vmem_shared>>) offsets(%dma_start3A_109 : memref<128xi32, #tpu.memory_space<vmem>>) semaphore(%arg15 : memref<!tpu.dma_semaphore, #tpu.memory_space<semaphore_mem>>) {add = true}
      %add3A_113 = arith.constant 1 : i32
      %add3A_114 = arith.addi %mul3A_86, %add3A_113 : i32
      %dma_wait3A_115 = arith.constant 1 : i32
      %dma_wait3A_116 = arith.constant 0 : i32
      %dma_wait3A_117 = arith.constant 0 : i32
      %dma_wait3A_118 = tpu.memref_slice %arg9[%dma_wait3A_115, %dma_wait3A_116, %dma_wait3A_117] : memref<2x128x128xf32, #tpu.memory_space<vmem>> -> memref<1x128x128xf32, #tpu.memory_space<vmem>>
      %dma_wait3A_119 = tpu.memref_squeeze %dma_wait3A_118 : memref<1x128x128xf32, #tpu.memory_space<vmem>> -> memref<128x128xf32, #tpu.memory_space<vmem>>
      %dma_wait3A_120 = arith.constant 0 : i32
      %dma_wait3A_121 = tpu.memref_slice %arg7[%add3A_114, %dma_wait3A_120] : memref<4x128xi32, #tpu.memory_space<vmem>> -> memref<1x128xi32, #tpu.memory_space<vmem>>
      %dma_wait3A_122 = tpu.memref_squeeze %dma_wait3A_121 : memref<1x128xi32, #tpu.memory_space<vmem>> -> memref<128xi32, #tpu.memory_space<vmem>>
      %dma_wait3A_123 = arith.constant 0 : i32
      %dma_wait3A_124 = arith.constant 0 : i32
      %dma_wait3A_125 = tpu.memref_slice %arg2[%dma_wait3A_123, %dma_wait3A_124] : memref<10000x128xf32, #tpu.memory_space<hbm>> -> memref<10000x128xf32, #tpu.memory_space<hbm>>
      tpu.wait_indirect_dma semaphore(%arg12 : memref<!tpu.dma_semaphore, #tpu.memory_space<semaphore_mem>>) src(%dma_wait3A_125 : memref<10000x128xf32, #tpu.memory_space<hbm>>) dst(%dma_wait3A_119 : memref<128x128xf32, #tpu.memory_space<vmem>>)
      %add3A_126 = arith.constant 1 : i32
      %add3A_127 = arith.addi %mul3A_86, %add3A_126 : i32
      %dma_start3A_128 = arith.constant 1 : i32
      %dma_start3A_129 = arith.constant 0 : i32
      %dma_start3A_130 = arith.constant 0 : i32
      %dma_start3A_131 = tpu.memref_slice %arg9[%dma_start3A_128, %dma_start3A_129, %dma_start3A_130] : memref<2x128x128xf32, #tpu.memory_space<vmem>> -> memref<1x128x128xf32, #tpu.memory_space<vmem>>
      %dma_start3A_132 = tpu.memref_squeeze %dma_start3A_131 : memref<1x128x128xf32, #tpu.memory_space<vmem>> -> memref<128x128xf32, #tpu.memory_space<vmem>>
      %dma_start3A_133 = arith.constant 0 : i32
      %dma_start3A_134 = tpu.memref_slice %arg8[%add3A_127, %dma_start3A_133] : memref<4x128xi32, #tpu.memory_space<vmem>> -> memref<1x128xi32, #tpu.memory_space<vmem>>
      %dma_start3A_135 = tpu.memref_squeeze %dma_start3A_134 : memref<1x128xi32, #tpu.memory_space<vmem>> -> memref<128xi32, #tpu.memory_space<vmem>>
      %dma_start3A_136 = arith.constant 0 : i32
      %dma_start3A_137 = arith.constant 0 : i32
      %dma_start3A_138 = tpu.memref_slice %arg10[%dma_start3A_136, %dma_start3A_137] : memref<10112x128xf32, #tpu.memory_space<vmem_shared>> -> memref<10112x128xf32, #tpu.memory_space<vmem_shared>>
      tpu.enqueue_indirect_dma source(%dma_start3A_132 : memref<128x128xf32, #tpu.memory_space<vmem>>) target(%dma_start3A_138 : memref<10112x128xf32, #tpu.memory_space<vmem_shared>>) offsets(%dma_start3A_135 : memref<128xi32, #tpu.memory_space<vmem>>) semaphore(%arg16 : memref<!tpu.dma_semaphore, #tpu.memory_space<semaphore_mem>>) {add = true}
      %add3A_139 = arith.constant 0 : i32
      %add3A_140 = arith.addi %mul3A_86, %add3A_139 : i32
      %dma_wait3A_141 = arith.constant 0 : i32
      %dma_wait3A_142 = arith.constant 0 : i32
      %dma_wait3A_143 = arith.constant 0 : i32
      %dma_wait3A_144 = tpu.memref_slice %arg9[%dma_wait3A_141, %dma_wait3A_142, %dma_wait3A_143] : memref<2x128x128xf32, #tpu.memory_space<vmem>> -> memref<1x128x128xf32, #tpu.memory_space<vmem>>
      %dma_wait3A_145 = tpu.memref_squeeze %dma_wait3A_144 : memref<1x128x128xf32, #tpu.memory_space<vmem>> -> memref<128x128xf32, #tpu.memory_space<vmem>>
      %dma_wait3A_146 = arith.constant 0 : i32
      %dma_wait3A_147 = tpu.memref_slice %arg8[%add3A_140, %dma_wait3A_146] : memref<4x128xi32, #tpu.memory_space<vmem>> -> memref<1x128xi32, #tpu.memory_space<vmem>>
      %dma_wait3A_148 = tpu.memref_squeeze %dma_wait3A_147 : memref<1x128xi32, #tpu.memory_space<vmem>> -> memref<128xi32, #tpu.memory_space<vmem>>
      %dma_wait3A_149 = arith.constant 0 : i32
      %dma_wait3A_150 = arith.constant 0 : i32
      %dma_wait3A_151 = tpu.memref_slice %arg10[%dma_wait3A_149, %dma_wait3A_150] : memref<10112x128xf32, #tpu.memory_space<vmem_shared>> -> memref<10112x128xf32, #tpu.memory_space<vmem_shared>>
      tpu.wait_indirect_dma semaphore(%arg15 : memref<!tpu.dma_semaphore, #tpu.memory_space<semaphore_mem>>) src(%dma_wait3A_145 : memref<128x128xf32, #tpu.memory_space<vmem>>) dst(%dma_wait3A_151 : memref<10112x128xf32, #tpu.memory_space<vmem_shared>>)
      %add3A_152 = arith.constant 2 : i32
      %add3A_153 = arith.addi %mul3A_86, %add3A_152 : i32
      %add3A_154 = arith.constant 0 : i32
      %add3A_155 = arith.addi %add3A_153, %add3A_154 : i32
      %dma_start3A_156 = arith.constant 0 : i32
      %dma_start3A_157 = arith.constant 0 : i32
      %dma_start3A_158 = arith.constant 0 : i32
      %dma_start3A_159 = tpu.memref_slice %arg9[%dma_start3A_156, %dma_start3A_157, %dma_start3A_158] : memref<2x128x128xf32, #tpu.memory_space<vmem>> -> memref<1x128x128xf32, #tpu.memory_space<vmem>>
      %dma_start3A_160 = tpu.memref_squeeze %dma_start3A_159 : memref<1x128x128xf32, #tpu.memory_space<vmem>> -> memref<128x128xf32, #tpu.memory_space<vmem>>
      %dma_start3A_161 = arith.constant 0 : i32
      %dma_start3A_162 = tpu.memref_slice %arg7[%add3A_155, %dma_start3A_161] : memref<4x128xi32, #tpu.memory_space<vmem>> -> memref<1x128xi32, #tpu.memory_space<vmem>>
      %dma_start3A_163 = tpu.memref_squeeze %dma_start3A_162 : memref<1x128xi32, #tpu.memory_space<vmem>> -> memref<128xi32, #tpu.memory_space<vmem>>
      %dma_start3A_164 = arith.constant 0 : i32
      %dma_start3A_165 = arith.constant 0 : i32
      %dma_start3A_166 = tpu.memref_slice %arg2[%dma_start3A_164, %dma_start3A_165] : memref<10000x128xf32, #tpu.memory_space<hbm>> -> memref<10000x128xf32, #tpu.memory_space<hbm>>
      tpu.enqueue_indirect_dma source(%dma_start3A_166 : memref<10000x128xf32, #tpu.memory_space<hbm>>) target(%dma_start3A_160 : memref<128x128xf32, #tpu.memory_space<vmem>>) offsets(%dma_start3A_163 : memref<128xi32, #tpu.memory_space<vmem>>) semaphore(%arg11 : memref<!tpu.dma_semaphore, #tpu.memory_space<semaphore_mem>>)
      %add3A_167 = arith.constant 1 : i32
      %add3A_168 = arith.addi %mul3A_86, %add3A_167 : i32
      %dma_wait3A_169 = arith.constant 1 : i32
      %dma_wait3A_170 = arith.constant 0 : i32
      %dma_wait3A_171 = arith.constant 0 : i32
      %dma_wait3A_172 = tpu.memref_slice %arg9[%dma_wait3A_169, %dma_wait3A_170, %dma_wait3A_171] : memref<2x128x128xf32, #tpu.memory_space<vmem>> -> memref<1x128x128xf32, #tpu.memory_space<vmem>>
      %dma_wait3A_173 = tpu.memref_squeeze %dma_wait3A_172 : memref<1x128x128xf32, #tpu.memory_space<vmem>> -> memref<128x128xf32, #tpu.memory_space<vmem>>
      %dma_wait3A_174 = arith.constant 0 : i32
      %dma_wait3A_175 = tpu.memref_slice %arg8[%add3A_168, %dma_wait3A_174] : memref<4x128xi32, #tpu.memory_space<vmem>> -> memref<1x128xi32, #tpu.memory_space<vmem>>
      %dma_wait3A_176 = tpu.memref_squeeze %dma_wait3A_175 : memref<1x128xi32, #tpu.memory_space<vmem>> -> memref<128xi32, #tpu.memory_space<vmem>>
      %dma_wait3A_177 = arith.constant 0 : i32
      %dma_wait3A_178 = arith.constant 0 : i32
      %dma_wait3A_179 = tpu.memref_slice %arg10[%dma_wait3A_177, %dma_wait3A_178] : memref<10112x128xf32, #tpu.memory_space<vmem_shared>> -> memref<10112x128xf32, #tpu.memory_space<vmem_shared>>
      tpu.wait_indirect_dma semaphore(%arg16 : memref<!tpu.dma_semaphore, #tpu.memory_space<semaphore_mem>>) src(%dma_wait3A_173 : memref<128x128xf32, #tpu.memory_space<vmem>>) dst(%dma_wait3A_179 : memref<10112x128xf32, #tpu.memory_space<vmem_shared>>)
      %add3A_180 = arith.constant 2 : i32
      %add3A_181 = arith.addi %mul3A_86, %add3A_180 : i32
      %add3A_182 = arith.constant 1 : i32
      %add3A_183 = arith.addi %add3A_181, %add3A_182 : i32
      %dma_start3A_184 = arith.constant 1 : i32
      %dma_start3A_185 = arith.constant 0 : i32
      %dma_start3A_186 = arith.constant 0 : i32
      %dma_start3A_187 = tpu.memref_slice %arg9[%dma_start3A_184, %dma_start3A_185, %dma_start3A_186] : memref<2x128x128xf32, #tpu.memory_space<vmem>> -> memref<1x128x128xf32, #tpu.memory_space<vmem>>
      %dma_start3A_188 = tpu.memref_squeeze %dma_start3A_187 : memref<1x128x128xf32, #tpu.memory_space<vmem>> -> memref<128x128xf32, #tpu.memory_space<vmem>>
      %dma_start3A_189 = arith.constant 0 : i32
      %dma_start3A_190 = tpu.memref_slice %arg7[%add3A_183, %dma_start3A_189] : memref<4x128xi32, #tpu.memory_space<vmem>> -> memref<1x128xi32, #tpu.memory_space<vmem>>
      %dma_start3A_191 = tpu.memref_squeeze %dma_start3A_190 : memref<1x128xi32, #tpu.memory_space<vmem>> -> memref<128xi32, #tpu.memory_space<vmem>>
      %dma_start3A_192 = arith.constant 0 : i32
      %dma_start3A_193 = arith.constant 0 : i32
      %dma_start3A_194 = tpu.memref_slice %arg2[%dma_start3A_192, %dma_start3A_193] : memref<10000x128xf32, #tpu.memory_space<hbm>> -> memref<10000x128xf32, #tpu.memory_space<hbm>>
      tpu.enqueue_indirect_dma source(%dma_start3A_194 : memref<10000x128xf32, #tpu.memory_space<hbm>>) target(%dma_start3A_188 : memref<128x128xf32, #tpu.memory_space<vmem>>) offsets(%dma_start3A_191 : memref<128xi32, #tpu.memory_space<vmem>>) semaphore(%arg12 : memref<!tpu.dma_semaphore, #tpu.memory_space<semaphore_mem>>)
      %scan3A_195 = arith.constant 1 : i32
      %dma_wait3A_196 = arith.constant 2 : i32
      %dma_wait3A_197 = arith.constant 0 : i32
      %dma_wait3A_198 = arith.constant 0 : i32
      %dma_wait3A_199 = arith.constant 0 : i32
      %dma_wait3A_200 = tpu.memref_slice %arg9[%dma_wait3A_197, %dma_wait3A_198, %dma_wait3A_199] : memref<2x128x128xf32, #tpu.memory_space<vmem>> -> memref<1x128x128xf32, #tpu.memory_space<vmem>>
      %dma_wait3A_201 = tpu.memref_squeeze %dma_wait3A_200 : memref<1x128x128xf32, #tpu.memory_space<vmem>> -> memref<128x128xf32, #tpu.memory_space<vmem>>
      %dma_wait3A_202 = arith.constant 0 : i32
      %dma_wait3A_203 = tpu.memref_slice %arg7[%dma_wait3A_196, %dma_wait3A_202] : memref<4x128xi32, #tpu.memory_space<vmem>> -> memref<1x128xi32, #tpu.memory_space<vmem>>
      %dma_wait3A_204 = tpu.memref_squeeze %dma_wait3A_203 : memref<1x128xi32, #tpu.memory_space<vmem>> -> memref<128xi32, #tpu.memory_space<vmem>>
      %dma_wait3A_205 = arith.constant 0 : i32
      %dma_wait3A_206 = arith.constant 0 : i32
      %dma_wait3A_207 = tpu.memref_slice %arg2[%dma_wait3A_205, %dma_wait3A_206] : memref<10000x128xf32, #tpu.memory_space<hbm>> -> memref<10000x128xf32, #tpu.memory_space<hbm>>
      tpu.wait_indirect_dma semaphore(%arg11 : memref<!tpu.dma_semaphore, #tpu.memory_space<semaphore_mem>>) src(%dma_wait3A_207 : memref<10000x128xf32, #tpu.memory_space<hbm>>) dst(%dma_wait3A_201 : memref<128x128xf32, #tpu.memory_space<vmem>>)
      %dma_start3A_208 = arith.constant 0 : i32
      %dma_start3A_209 = arith.constant 2 : i32
      %dma_start3A_210 = arith.constant 0 : i32
      %dma_start3A_211 = arith.constant 0 : i32
      %dma_start3A_212 = tpu.memref_slice %arg9[%dma_start3A_208, %dma_start3A_210, %dma_start3A_211] : memref<2x128x128xf32, #tpu.memory_space<vmem>> -> memref<1x128x128xf32, #tpu.memory_space<vmem>>
      %dma_start3A_213 = tpu.memref_squeeze %dma_start3A_212 : memref<1x128x128xf32, #tpu.memory_space<vmem>> -> memref<128x128xf32, #tpu.memory_space<vmem>>
      %dma_start3A_214 = arith.constant 0 : i32
      %dma_start3A_215 = tpu.memref_slice %arg8[%dma_start3A_209, %dma_start3A_214] : memref<4x128xi32, #tpu.memory_space<vmem>> -> memref<1x128xi32, #tpu.memory_space<vmem>>
      %dma_start3A_216 = tpu.memref_squeeze %dma_start3A_215 : memref<1x128xi32, #tpu.memory_space<vmem>> -> memref<128xi32, #tpu.memory_space<vmem>>
      %dma_start3A_217 = arith.constant 0 : i32
      %dma_start3A_218 = arith.constant 0 : i32
      %dma_start3A_219 = tpu.memref_slice %arg10[%dma_start3A_217, %dma_start3A_218] : memref<10112x128xf32, #tpu.memory_space<vmem_shared>> -> memref<10112x128xf32, #tpu.memory_space<vmem_shared>>
      tpu.enqueue_indirect_dma source(%dma_start3A_213 : memref<128x128xf32, #tpu.memory_space<vmem>>) target(%dma_start3A_219 : memref<10112x128xf32, #tpu.memory_space<vmem_shared>>) offsets(%dma_start3A_216 : memref<128xi32, #tpu.memory_space<vmem>>) semaphore(%arg15 : memref<!tpu.dma_semaphore, #tpu.memory_space<semaphore_mem>>) {add = true}
      %dma_wait3A_220 = arith.constant 3 : i32
      %dma_wait3A_221 = arith.constant 1 : i32
      %dma_wait3A_222 = arith.constant 0 : i32
      %dma_wait3A_223 = arith.constant 0 : i32
      %dma_wait3A_224 = tpu.memref_slice %arg9[%dma_wait3A_221, %dma_wait3A_222, %dma_wait3A_223] : memref<2x128x128xf32, #tpu.memory_space<vmem>> -> memref<1x128x128xf32, #tpu.memory_space<vmem>>
      %dma_wait3A_225 = tpu.memref_squeeze %dma_wait3A_224 : memref<1x128x128xf32, #tpu.memory_space<vmem>> -> memref<128x128xf32, #tpu.memory_space<vmem>>
      %dma_wait3A_226 = arith.constant 0 : i32
      %dma_wait3A_227 = tpu.memref_slice %arg7[%dma_wait3A_220, %dma_wait3A_226] : memref<4x128xi32, #tpu.memory_space<vmem>> -> memref<1x128xi32, #tpu.memory_space<vmem>>
      %dma_wait3A_228 = tpu.memref_squeeze %dma_wait3A_227 : memref<1x128xi32, #tpu.memory_space<vmem>> -> memref<128xi32, #tpu.memory_space<vmem>>
      %dma_wait3A_229 = arith.constant 0 : i32
      %dma_wait3A_230 = arith.constant 0 : i32
      %dma_wait3A_231 = tpu.memref_slice %arg2[%dma_wait3A_229, %dma_wait3A_230] : memref<10000x128xf32, #tpu.memory_space<hbm>> -> memref<10000x128xf32, #tpu.memory_space<hbm>>
      tpu.wait_indirect_dma semaphore(%arg12 : memref<!tpu.dma_semaphore, #tpu.memory_space<semaphore_mem>>) src(%dma_wait3A_231 : memref<10000x128xf32, #tpu.memory_space<hbm>>) dst(%dma_wait3A_225 : memref<128x128xf32, #tpu.memory_space<vmem>>)
      %dma_start3A_232 = arith.constant 1 : i32
      %dma_start3A_233 = arith.constant 3 : i32
      %dma_start3A_234 = arith.constant 0 : i32
      %dma_start3A_235 = arith.constant 0 : i32
      %dma_start3A_236 = tpu.memref_slice %arg9[%dma_start3A_232, %dma_start3A_234, %dma_start3A_235] : memref<2x128x128xf32, #tpu.memory_space<vmem>> -> memref<1x128x128xf32, #tpu.memory_space<vmem>>
      %dma_start3A_237 = tpu.memref_squeeze %dma_start3A_236 : memref<1x128x128xf32, #tpu.memory_space<vmem>> -> memref<128x128xf32, #tpu.memory_space<vmem>>
      %dma_start3A_238 = arith.constant 0 : i32
      %dma_start3A_239 = tpu.memref_slice %arg8[%dma_start3A_233, %dma_start3A_238] : memref<4x128xi32, #tpu.memory_space<vmem>> -> memref<1x128xi32, #tpu.memory_space<vmem>>
      %dma_start3A_240 = tpu.memref_squeeze %dma_start3A_239 : memref<1x128xi32, #tpu.memory_space<vmem>> -> memref<128xi32, #tpu.memory_space<vmem>>
      %dma_start3A_241 = arith.constant 0 : i32
      %dma_start3A_242 = arith.constant 0 : i32
      %dma_start3A_243 = tpu.memref_slice %arg10[%dma_start3A_241, %dma_start3A_242] : memref<10112x128xf32, #tpu.memory_space<vmem_shared>> -> memref<10112x128xf32, #tpu.memory_space<vmem_shared>>
      tpu.enqueue_indirect_dma source(%dma_start3A_237 : memref<128x128xf32, #tpu.memory_space<vmem>>) target(%dma_start3A_243 : memref<10112x128xf32, #tpu.memory_space<vmem_shared>>) offsets(%dma_start3A_240 : memref<128xi32, #tpu.memory_space<vmem>>) semaphore(%arg16 : memref<!tpu.dma_semaphore, #tpu.memory_space<semaphore_mem>>) {add = true}
      %dma_wait3A_244 = arith.constant 0 : i32
      %dma_wait3A_245 = arith.constant 2 : i32
      %dma_wait3A_246 = arith.constant 0 : i32
      %dma_wait3A_247 = arith.constant 0 : i32
      %dma_wait3A_248 = tpu.memref_slice %arg9[%dma_wait3A_244, %dma_wait3A_246, %dma_wait3A_247] : memref<2x128x128xf32, #tpu.memory_space<vmem>> -> memref<1x128x128xf32, #tpu.memory_space<vmem>>
      %dma_wait3A_249 = tpu.memref_squeeze %dma_wait3A_248 : memref<1x128x128xf32, #tpu.memory_space<vmem>> -> memref<128x128xf32, #tpu.memory_space<vmem>>
      %dma_wait3A_250 = arith.constant 0 : i32
      %dma_wait3A_251 = tpu.memref_slice %arg8[%dma_wait3A_245, %dma_wait3A_250] : memref<4x128xi32, #tpu.memory_space<vmem>> -> memref<1x128xi32, #tpu.memory_space<vmem>>
      %dma_wait3A_252 = tpu.memref_squeeze %dma_wait3A_251 : memref<1x128xi32, #tpu.memory_space<vmem>> -> memref<128xi32, #tpu.memory_space<vmem>>
      %dma_wait3A_253 = arith.constant 0 : i32
      %dma_wait3A_254 = arith.constant 0 : i32
      %dma_wait3A_255 = tpu.memref_slice %arg10[%dma_wait3A_253, %dma_wait3A_254] : memref<10112x128xf32, #tpu.memory_space<vmem_shared>> -> memref<10112x128xf32, #tpu.memory_space<vmem_shared>>
      tpu.wait_indirect_dma semaphore(%arg15 : memref<!tpu.dma_semaphore, #tpu.memory_space<semaphore_mem>>) src(%dma_wait3A_249 : memref<128x128xf32, #tpu.memory_space<vmem>>) dst(%dma_wait3A_255 : memref<10112x128xf32, #tpu.memory_space<vmem_shared>>)
      %dma_wait3A_256 = arith.constant 1 : i32
      %dma_wait3A_257 = arith.constant 3 : i32
      %dma_wait3A_258 = arith.constant 0 : i32
      %dma_wait3A_259 = arith.constant 0 : i32
      %dma_wait3A_260 = tpu.memref_slice %arg9[%dma_wait3A_256, %dma_wait3A_258, %dma_wait3A_259] : memref<2x128x128xf32, #tpu.memory_space<vmem>> -> memref<1x128x128xf32, #tpu.memory_space<vmem>>
      %dma_wait3A_261 = tpu.memref_squeeze %dma_wait3A_260 : memref<1x128x128xf32, #tpu.memory_space<vmem>> -> memref<128x128xf32, #tpu.memory_space<vmem>>
      %dma_wait3A_262 = arith.constant 0 : i32
      %dma_wait3A_263 = tpu.memref_slice %arg8[%dma_wait3A_257, %dma_wait3A_262] : memref<4x128xi32, #tpu.memory_space<vmem>> -> memref<1x128xi32, #tpu.memory_space<vmem>>
      %dma_wait3A_264 = tpu.memref_squeeze %dma_wait3A_263 : memref<1x128xi32, #tpu.memory_space<vmem>> -> memref<128xi32, #tpu.memory_space<vmem>>
      %dma_wait3A_265 = arith.constant 0 : i32
      %dma_wait3A_266 = arith.constant 0 : i32
      %dma_wait3A_267 = tpu.memref_slice %arg10[%dma_wait3A_265, %dma_wait3A_266] : memref<10112x128xf32, #tpu.memory_space<vmem_shared>> -> memref<10112x128xf32, #tpu.memory_space<vmem_shared>>
      tpu.wait_indirect_dma semaphore(%arg16 : memref<!tpu.dma_semaphore, #tpu.memory_space<semaphore_mem>>) src(%dma_wait3A_261 : memref<128x128xf32, #tpu.memory_space<vmem>>) dst(%dma_wait3A_267 : memref<10112x128xf32, #tpu.memory_space<vmem_shared>>)
    }
    %barrier3A_31 = arith.constant 0 : index
    tpu.barrier barrier_id(%barrier3A_31)
    %mul3A_32 = arith.constant 10112 : i32
    %mul3A_33 = arith.muli %arg0, %mul3A_32 : i32
    %add3A_34 = arith.addi %mul3A_33, %mul3A_8 : i32
    "tpu.region"() ({
      %run_scoped3A = tpu.sem_alloc : memref<!tpu.dma_semaphore, #tpu.memory_space<semaphore_mem>>
      %dma_start3A_35 = arith.constant 0 : i32
      %dma_start3A_36 = tpu.memref_slice %arg6[%add3A_34, %dma_start3A_35] : memref<20224x128xf32, #tpu.memory_space<hbm>> -> memref<632x128xf32, #tpu.memory_space<hbm>>
      %dma_start3A_37 = arith.constant 0 : i32
      %dma_start3A_38 = tpu.memref_slice %arg10[%mul3A_8, %dma_start3A_37] : memref<10112x128xf32, #tpu.memory_space<vmem_shared>> -> memref<632x128xf32, #tpu.memory_space<vmem_shared>>
      tpu.enqueue_dma source(%dma_start3A_38 : memref<632x128xf32, #tpu.memory_space<vmem_shared>>) target(%dma_start3A_36 : memref<632x128xf32, #tpu.memory_space<hbm>>) target_semaphore(%run_scoped3A : memref<!tpu.dma_semaphore, #tpu.memory_space<semaphore_mem>>)
      %dma_wait3A_39 = arith.constant 0 : i32
      %dma_wait3A_40 = tpu.memref_slice %arg6[%add3A_34, %dma_wait3A_39] : memref<20224x128xf32, #tpu.memory_space<hbm>> -> memref<632x128xf32, #tpu.memory_space<hbm>>
      %dma_wait3A_41 = arith.constant 0 : i32
      %dma_wait3A_42 = tpu.memref_slice %arg10[%mul3A_8, %dma_wait3A_41] : memref<10112x128xf32, #tpu.memory_space<vmem_shared>> -> memref<632x128xf32, #tpu.memory_space<vmem_shared>>
      tpu.wait_dma2 semaphore(%run_scoped3A : memref<!tpu.dma_semaphore, #tpu.memory_space<semaphore_mem>>) src(%dma_wait3A_42 : memref<632x128xf32, #tpu.memory_space<vmem_shared>>) dst(%dma_wait3A_40 : memref<632x128xf32, #tpu.memory_space<hbm>>)
      tpu.yield
    }) : () -> ()
    return
  }
}

#map = affine_map<(d0, d1) -> (0, 0)>
module attributes {stable_mosaic.version = 14 : i64} {
  func.func @_sc_agg(%arg0: i32, %arg1: i32, %arg2: memref<10000x128xf32, #tpu.memory_space<hbm>>, %arg3: memref<2560x128xi32, #tpu.memory_space<hbm>>, %arg4: memref<2560x128xi32, #tpu.memory_space<hbm>>, %arg5: memref<10112x128xf32, #tpu.memory_space<hbm>>, %arg6: memref<20224x128xf32, #tpu.memory_space<hbm>>, %arg7: memref<4x128xi32, #tpu.memory_space<vmem>>, %arg8: memref<4x128xi32, #tpu.memory_space<vmem>>, %arg9: memref<2x128x128xf32, #tpu.memory_space<vmem>>, %arg10: memref<10112x128xf32, #tpu.memory_space<vmem_shared>>, %arg11: memref<!tpu.dma_semaphore, #tpu.memory_space<semaphore_mem>>, %arg12: memref<!tpu.dma_semaphore, #tpu.memory_space<semaphore_mem>>, %arg13: memref<!tpu.dma_semaphore, #tpu.memory_space<semaphore_mem>>, %arg14: memref<!tpu.dma_semaphore, #tpu.memory_space<semaphore_mem>>, %arg15: memref<!tpu.dma_semaphore, #tpu.memory_space<semaphore_mem>>, %arg16: memref<!tpu.dma_semaphore, #tpu.memory_space<semaphore_mem>>, %arg17: memref<!tpu.dma_semaphore, #tpu.memory_space<semaphore_mem>>, %arg18: memref<!tpu.dma_semaphore, #tpu.memory_space<semaphore_mem>>, %arg19: memref<!tpu.dma_semaphore, #tpu.memory_space<semaphore_mem>>) attributes {dimension_semantics = [#tpu.dimension_semantics<core_parallel>, #tpu.dimension_semantics<subcore_parallel>], iteration_bounds = array<i64: 2, 16>, scalar_prefetch = 0 : i64, scratch_operands = 13 : i64, tpu.core_type = #tpu.core_type<sc_vector_subcore>, window_params = [{transform_indices = #map}, {transform_indices = #map}, {transform_indices = #map}, {transform_indices = #map}, {transform_indices = #map}]} {
    %eq3A = arith.constant 0 : i32
    %eq3A_0 = arith.cmpi eq, %arg0, %eq3A : i32
    %jit3A = arith.constant 39 : i32
    %jit3A_1 = arith.constant 1 : i32
    %select_n3A = arith.select %eq3A_0, %jit3A, %jit3A_1 : i32
    %mul3A = arith.constant 156 : i32
    %mul3A_2 = arith.muli %arg1, %mul3A : i32
    %mul3A_3 = arith.constant 4 : i32
    %mul3A_4 = arith.muli %arg1, %mul3A_3 : i32
    %add3A = arith.constant 2496 : i32
    %add3A_5 = arith.addi %add3A, %mul3A_4 : i32
    %select_n3A_6 = arith.select %eq3A_0, %mul3A_2, %add3A_5 : i32
    %mul3A_7 = arith.constant 632 : i32
    %mul3A_8 = arith.muli %arg1, %mul3A_7 : i32
    %dma_start3A = arith.constant 0 : i32
    %dma_start3A_9 = tpu.memref_slice %arg10[%mul3A_8, %dma_start3A] : memref<10112x128xf32, #tpu.memory_space<vmem_shared>> -> memref<632x128xf32, #tpu.memory_space<vmem_shared>>
    %dma_start3A_10 = arith.constant 0 : i32
    %dma_start3A_11 = tpu.memref_slice %arg5[%mul3A_8, %dma_start3A_10] : memref<10112x128xf32, #tpu.memory_space<hbm>> -> memref<632x128xf32, #tpu.memory_space<hbm>>
    tpu.enqueue_dma source(%dma_start3A_11 : memref<632x128xf32, #tpu.memory_space<hbm>>) target(%dma_start3A_9 : memref<632x128xf32, #tpu.memory_space<vmem_shared>>) target_semaphore(%arg19 : memref<!tpu.dma_semaphore, #tpu.memory_space<semaphore_mem>>)
    %dma_wait3A = arith.constant 0 : i32
    %dma_wait3A_12 = tpu.memref_slice %arg10[%mul3A_8, %dma_wait3A] : memref<10112x128xf32, #tpu.memory_space<vmem_shared>> -> memref<632x128xf32, #tpu.memory_space<vmem_shared>>
    %dma_wait3A_13 = arith.constant 0 : i32
    %dma_wait3A_14 = tpu.memref_slice %arg5[%mul3A_8, %dma_wait3A_13] : memref<10112x128xf32, #tpu.memory_space<hbm>> -> memref<632x128xf32, #tpu.memory_space<hbm>>
    tpu.wait_dma2 semaphore(%arg19 : memref<!tpu.dma_semaphore, #tpu.memory_space<semaphore_mem>>) src(%dma_wait3A_14 : memref<632x128xf32, #tpu.memory_space<hbm>>) dst(%dma_wait3A_12 : memref<632x128xf32, #tpu.memory_space<vmem_shared>>)
    %barrier3A = arith.constant 0 : index
    tpu.barrier barrier_id(%barrier3A)
    %sub3A = arith.constant 0 : i32
    %sub3A_15 = arith.subi %select_n3A, %sub3A : i32
    %sub3A_16 = arith.constant 1 : i32
    %sub3A_17 = arith.constant 1 : i32
    %sub3A_18 = arith.subi %sub3A_16, %sub3A_17 : i32
    %add3A_19 = arith.addi %sub3A_15, %sub3A_18 : i32
    %div3A = arith.constant 1 : i32
    %div3A_20 = arith.divsi %add3A_19, %div3A : i32
    %while3A = arith.constant 1 : i32
    %while3A_21 = arith.constant 0 : i32
    %while3A_22 = arith.constant 0 : i32
    %while3A_23 = arith.subi %div3A_20, %while3A_22 : i32
    %while3A_24 = arith.addi %while3A_22, %while3A_23 : i32
    %while3A_25 = arith.constant 1 : i32
    %while3A_26 = arith.divsi %while3A_23, %while3A_25 : i32
    %while3A_27 = arith.muli %while3A_26, %while3A_25 : i32
    %while3A_28 = arith.addi %while3A_22, %while3A_27 : i32
    %while3A_29 = arith.constant 1 : i32
    scf.for %while3A_35 = %while3A_22 to %while3A_28 step %while3A_29  : i32 {
      %mul3A_36 = arith.muli %while3A_35, %while3A : i32
      %add3A_37 = arith.addi %while3A_21, %mul3A_36 : i32
      %mul3A_38 = arith.constant 4 : i32
      %mul3A_39 = arith.muli %add3A_37, %mul3A_38 : i32
      %add3A_40 = arith.addi %select_n3A_6, %mul3A_39 : i32
      %dma_start3A_41 = arith.constant 0 : i32
      %dma_start3A_42 = tpu.memref_slice %arg3[%add3A_40, %dma_start3A_41] : memref<2560x128xi32, #tpu.memory_space<hbm>> -> memref<4x128xi32, #tpu.memory_space<hbm>>
      %dma_start3A_43 = arith.constant 0 : i32
      %dma_start3A_44 = tpu.memref_slice %arg3[%add3A_40, %dma_start3A_43] : memref<2560x128xi32, #tpu.memory_space<hbm>> -> memref<4x128xi32, #tpu.memory_space<hbm>>
      tpu.enqueue_dma source(%dma_start3A_44 : memref<4x128xi32, #tpu.memory_space<hbm>>) target(%arg7 : memref<4x128xi32, #tpu.memory_space<vmem>>) target_semaphore(%arg19 : memref<!tpu.dma_semaphore, #tpu.memory_space<semaphore_mem>>)
      %dma_start3A_45 = arith.constant 0 : i32
      %dma_start3A_46 = tpu.memref_slice %arg4[%add3A_40, %dma_start3A_45] : memref<2560x128xi32, #tpu.memory_space<hbm>> -> memref<4x128xi32, #tpu.memory_space<hbm>>
      %dma_start3A_47 = arith.constant 0 : i32
      %dma_start3A_48 = tpu.memref_slice %arg4[%add3A_40, %dma_start3A_47] : memref<2560x128xi32, #tpu.memory_space<hbm>> -> memref<4x128xi32, #tpu.memory_space<hbm>>
      tpu.enqueue_dma source(%dma_start3A_48 : memref<4x128xi32, #tpu.memory_space<hbm>>) target(%arg8 : memref<4x128xi32, #tpu.memory_space<vmem>>) target_semaphore(%arg19 : memref<!tpu.dma_semaphore, #tpu.memory_space<semaphore_mem>>)
      %dma_wait3A_49 = arith.constant 0 : i32
      %dma_wait3A_50 = tpu.memref_slice %arg3[%add3A_40, %dma_wait3A_49] : memref<2560x128xi32, #tpu.memory_space<hbm>> -> memref<4x128xi32, #tpu.memory_space<hbm>>
      %dma_wait3A_51 = arith.constant 0 : i32
      %dma_wait3A_52 = tpu.memref_slice %arg3[%add3A_40, %dma_wait3A_51] : memref<2560x128xi32, #tpu.memory_space<hbm>> -> memref<4x128xi32, #tpu.memory_space<hbm>>
      tpu.wait_dma2 semaphore(%arg19 : memref<!tpu.dma_semaphore, #tpu.memory_space<semaphore_mem>>) src(%dma_wait3A_52 : memref<4x128xi32, #tpu.memory_space<hbm>>) dst(%arg7 : memref<4x128xi32, #tpu.memory_space<vmem>>)
      %dma_wait3A_53 = arith.constant 0 : i32
      %dma_wait3A_54 = tpu.memref_slice %arg4[%add3A_40, %dma_wait3A_53] : memref<2560x128xi32, #tpu.memory_space<hbm>> -> memref<4x128xi32, #tpu.memory_space<hbm>>
      %dma_wait3A_55 = arith.constant 0 : i32
      %dma_wait3A_56 = tpu.memref_slice %arg4[%add3A_40, %dma_wait3A_55] : memref<2560x128xi32, #tpu.memory_space<hbm>> -> memref<4x128xi32, #tpu.memory_space<hbm>>
      tpu.wait_dma2 semaphore(%arg19 : memref<!tpu.dma_semaphore, #tpu.memory_space<semaphore_mem>>) src(%dma_wait3A_56 : memref<4x128xi32, #tpu.memory_space<hbm>>) dst(%arg8 : memref<4x128xi32, #tpu.memory_space<vmem>>)
      %dma_start3A_57 = arith.constant 0 : i32
      %dma_start3A_58 = arith.constant 0 : i32
      %dma_start3A_59 = arith.constant 0 : i32
      %dma_start3A_60 = arith.constant 0 : i32
      %dma_start3A_61 = tpu.memref_slice %arg9[%dma_start3A_58, %dma_start3A_59, %dma_start3A_60] : memref<2x128x128xf32, #tpu.memory_space<vmem>> -> memref<1x128x128xf32, #tpu.memory_space<vmem>>
      %dma_start3A_62 = tpu.memref_squeeze %dma_start3A_61 : memref<1x128x128xf32, #tpu.memory_space<vmem>> -> memref<128x128xf32, #tpu.memory_space<vmem>>
      %dma_start3A_63 = arith.constant 0 : i32
      %dma_start3A_64 = tpu.memref_slice %arg7[%dma_start3A_57, %dma_start3A_63] : memref<4x128xi32, #tpu.memory_space<vmem>> -> memref<1x128xi32, #tpu.memory_space<vmem>>
      %dma_start3A_65 = tpu.memref_squeeze %dma_start3A_64 : memref<1x128xi32, #tpu.memory_space<vmem>> -> memref<128xi32, #tpu.memory_space<vmem>>
      %dma_start3A_66 = arith.constant 0 : i32
      %dma_start3A_67 = arith.constant 0 : i32
      %dma_start3A_68 = tpu.memref_slice %arg2[%dma_start3A_66, %dma_start3A_67] : memref<10000x128xf32, #tpu.memory_space<hbm>> -> memref<10000x128xf32, #tpu.memory_space<hbm>>
      tpu.enqueue_indirect_dma source(%dma_start3A_68 : memref<10000x128xf32, #tpu.memory_space<hbm>>) target(%dma_start3A_62 : memref<128x128xf32, #tpu.memory_space<vmem>>) offsets(%dma_start3A_65 : memref<128xi32, #tpu.memory_space<vmem>>) semaphore(%arg11 : memref<!tpu.dma_semaphore, #tpu.memory_space<semaphore_mem>>)
      %dma_start3A_69 = arith.constant 1 : i32
      %dma_start3A_70 = arith.constant 1 : i32
      %dma_start3A_71 = arith.constant 0 : i32
      %dma_start3A_72 = arith.constant 0 : i32
      %dma_start3A_73 = tpu.memref_slice %arg9[%dma_start3A_70, %dma_start3A_71, %dma_start3A_72] : memref<2x128x128xf32, #tpu.memory_space<vmem>> -> memref<1x128x128xf32, #tpu.memory_space<vmem>>
      %dma_start3A_74 = tpu.memref_squeeze %dma_start3A_73 : memref<1x128x128xf32, #tpu.memory_space<vmem>> -> memref<128x128xf32, #tpu.memory_space<vmem>>
      %dma_start3A_75 = arith.constant 0 : i32
      %dma_start3A_76 = tpu.memref_slice %arg7[%dma_start3A_69, %dma_start3A_75] : memref<4x128xi32, #tpu.memory_space<vmem>> -> memref<1x128xi32, #tpu.memory_space<vmem>>
      %dma_start3A_77 = tpu.memref_squeeze %dma_start3A_76 : memref<1x128xi32, #tpu.memory_space<vmem>> -> memref<128xi32, #tpu.memory_space<vmem>>
      %dma_start3A_78 = arith.constant 0 : i32
      %dma_start3A_79 = arith.constant 0 : i32
      %dma_start3A_80 = tpu.memref_slice %arg2[%dma_start3A_78, %dma_start3A_79] : memref<10000x128xf32, #tpu.memory_space<hbm>> -> memref<10000x128xf32, #tpu.memory_space<hbm>>
      tpu.enqueue_indirect_dma source(%dma_start3A_80 : memref<10000x128xf32, #tpu.memory_space<hbm>>) target(%dma_start3A_74 : memref<128x128xf32, #tpu.memory_space<vmem>>) offsets(%dma_start3A_77 : memref<128xi32, #tpu.memory_space<vmem>>) semaphore(%arg12 : memref<!tpu.dma_semaphore, #tpu.memory_space<semaphore_mem>>)
      %scan3A = arith.constant 0 : i32
      %mul3A_81 = arith.constant 1 : i32
      %mul3A_82 = arith.muli %scan3A, %mul3A_81 : i32
      %add3A_83 = arith.constant 0 : i32
      %add3A_84 = arith.addi %add3A_83, %mul3A_82 : i32
      %mul3A_85 = arith.constant 2 : i32
      %mul3A_86 = arith.muli %add3A_84, %mul3A_85 : i32
      %add3A_87 = arith.constant 0 : i32
      %add3A_88 = arith.addi %mul3A_86, %add3A_87 : i32
      %dma_wait3A_89 = arith.constant 0 : i32
      %dma_wait3A_90 = arith.constant 0 : i32
      %dma_wait3A_91 = arith.constant 0 : i32
      %dma_wait3A_92 = tpu.memref_slice %arg9[%dma_wait3A_89, %dma_wait3A_90, %dma_wait3A_91] : memref<2x128x128xf32, #tpu.memory_space<vmem>> -> memref<1x128x128xf32, #tpu.memory_space<vmem>>
      %dma_wait3A_93 = tpu.memref_squeeze %dma_wait3A_92 : memref<1x128x128xf32, #tpu.memory_space<vmem>> -> memref<128x128xf32, #tpu.memory_space<vmem>>
      %dma_wait3A_94 = arith.constant 0 : i32
      %dma_wait3A_95 = tpu.memref_slice %arg7[%add3A_88, %dma_wait3A_94] : memref<4x128xi32, #tpu.memory_space<vmem>> -> memref<1x128xi32, #tpu.memory_space<vmem>>
      %dma_wait3A_96 = tpu.memref_squeeze %dma_wait3A_95 : memref<1x128xi32, #tpu.memory_space<vmem>> -> memref<128xi32, #tpu.memory_space<vmem>>
      %dma_wait3A_97 = arith.constant 0 : i32
      %dma_wait3A_98 = arith.constant 0 : i32
      %dma_wait3A_99 = tpu.memref_slice %arg2[%dma_wait3A_97, %dma_wait3A_98] : memref<10000x128xf32, #tpu.memory_space<hbm>> -> memref<10000x128xf32, #tpu.memory_space<hbm>>
      tpu.wait_indirect_dma semaphore(%arg11 : memref<!tpu.dma_semaphore, #tpu.memory_space<semaphore_mem>>) src(%dma_wait3A_99 : memref<10000x128xf32, #tpu.memory_space<hbm>>) dst(%dma_wait3A_93 : memref<128x128xf32, #tpu.memory_space<vmem>>)
      %add3A_100 = arith.constant 0 : i32
      %add3A_101 = arith.addi %mul3A_86, %add3A_100 : i32
      %dma_start3A_102 = arith.constant 0 : i32
      %dma_start3A_103 = arith.constant 0 : i32
      %dma_start3A_104 = arith.constant 0 : i32
      %dma_start3A_105 = tpu.memref_slice %arg9[%dma_start3A_102, %dma_start3A_103, %dma_start3A_104] : memref<2x128x128xf32, #tpu.memory_space<vmem>> -> memref<1x128x128xf32, #tpu.memory_space<vmem>>
      %dma_start3A_106 = tpu.memref_squeeze %dma_start3A_105 : memref<1x128x128xf32, #tpu.memory_space<vmem>> -> memref<128x128xf32, #tpu.memory_space<vmem>>
      %dma_start3A_107 = arith.constant 0 : i32
      %dma_start3A_108 = tpu.memref_slice %arg8[%add3A_101, %dma_start3A_107] : memref<4x128xi32, #tpu.memory_space<vmem>> -> memref<1x128xi32, #tpu.memory_space<vmem>>
      %dma_start3A_109 = tpu.memref_squeeze %dma_start3A_108 : memref<1x128xi32, #tpu.memory_space<vmem>> -> memref<128xi32, #tpu.memory_space<vmem>>
      %dma_start3A_110 = arith.constant 0 : i32
      %dma_start3A_111 = arith.constant 0 : i32
      %dma_start3A_112 = tpu.memref_slice %arg10[%dma_start3A_110, %dma_start3A_111] : memref<10112x128xf32, #tpu.memory_space<vmem_shared>> -> memref<10112x128xf32, #tpu.memory_space<vmem_shared>>
      tpu.enqueue_indirect_dma source(%dma_start3A_106 : memref<128x128xf32, #tpu.memory_space<vmem>>) target(%dma_start3A_112 : memref<10112x128xf32, #tpu.memory_space<vmem_shared>>) offsets(%dma_start3A_109 : memref<128xi32, #tpu.memory_space<vmem>>) semaphore(%arg15 : memref<!tpu.dma_semaphore, #tpu.memory_space<semaphore_mem>>) {add = true}
      %add3A_113 = arith.constant 1 : i32
      %add3A_114 = arith.addi %mul3A_86, %add3A_113 : i32
      %dma_wait3A_115 = arith.constant 1 : i32
      %dma_wait3A_116 = arith.constant 0 : i32
      %dma_wait3A_117 = arith.constant 0 : i32
      %dma_wait3A_118 = tpu.memref_slice %arg9[%dma_wait3A_115, %dma_wait3A_116, %dma_wait3A_117] : memref<2x128x128xf32, #tpu.memory_space<vmem>> -> memref<1x128x128xf32, #tpu.memory_space<vmem>>
      %dma_wait3A_119 = tpu.memref_squeeze %dma_wait3A_118 : memref<1x128x128xf32, #tpu.memory_space<vmem>> -> memref<128x128xf32, #tpu.memory_space<vmem>>
      %dma_wait3A_120 = arith.constant 0 : i32
      %dma_wait3A_121 = tpu.memref_slice %arg7[%add3A_114, %dma_wait3A_120] : memref<4x128xi32, #tpu.memory_space<vmem>> -> memref<1x128xi32, #tpu.memory_space<vmem>>
      %dma_wait3A_122 = tpu.memref_squeeze %dma_wait3A_121 : memref<1x128xi32, #tpu.memory_space<vmem>> -> memref<128xi32, #tpu.memory_space<vmem>>
      %dma_wait3A_123 = arith.constant 0 : i32
      %dma_wait3A_124 = arith.constant 0 : i32
      %dma_wait3A_125 = tpu.memref_slice %arg2[%dma_wait3A_123, %dma_wait3A_124] : memref<10000x128xf32, #tpu.memory_space<hbm>> -> memref<10000x128xf32, #tpu.memory_space<hbm>>
      tpu.wait_indirect_dma semaphore(%arg12 : memref<!tpu.dma_semaphore, #tpu.memory_space<semaphore_mem>>) src(%dma_wait3A_125 : memref<10000x128xf32, #tpu.memory_space<hbm>>) dst(%dma_wait3A_119 : memref<128x128xf32, #tpu.memory_space<vmem>>)
      %add3A_126 = arith.constant 1 : i32
      %add3A_127 = arith.addi %mul3A_86, %add3A_126 : i32
      %dma_start3A_128 = arith.constant 1 : i32
      %dma_start3A_129 = arith.constant 0 : i32
      %dma_start3A_130 = arith.constant 0 : i32
      %dma_start3A_131 = tpu.memref_slice %arg9[%dma_start3A_128, %dma_start3A_129, %dma_start3A_130] : memref<2x128x128xf32, #tpu.memory_space<vmem>> -> memref<1x128x128xf32, #tpu.memory_space<vmem>>
      %dma_start3A_132 = tpu.memref_squeeze %dma_start3A_131 : memref<1x128x128xf32, #tpu.memory_space<vmem>> -> memref<128x128xf32, #tpu.memory_space<vmem>>
      %dma_start3A_133 = arith.constant 0 : i32
      %dma_start3A_134 = tpu.memref_slice %arg8[%add3A_127, %dma_start3A_133] : memref<4x128xi32, #tpu.memory_space<vmem>> -> memref<1x128xi32, #tpu.memory_space<vmem>>
      %dma_start3A_135 = tpu.memref_squeeze %dma_start3A_134 : memref<1x128xi32, #tpu.memory_space<vmem>> -> memref<128xi32, #tpu.memory_space<vmem>>
      %dma_start3A_136 = arith.constant 0 : i32
      %dma_start3A_137 = arith.constant 0 : i32
      %dma_start3A_138 = tpu.memref_slice %arg10[%dma_start3A_136, %dma_start3A_137] : memref<10112x128xf32, #tpu.memory_space<vmem_shared>> -> memref<10112x128xf32, #tpu.memory_space<vmem_shared>>
      tpu.enqueue_indirect_dma source(%dma_start3A_132 : memref<128x128xf32, #tpu.memory_space<vmem>>) target(%dma_start3A_138 : memref<10112x128xf32, #tpu.memory_space<vmem_shared>>) offsets(%dma_start3A_135 : memref<128xi32, #tpu.memory_space<vmem>>) semaphore(%arg16 : memref<!tpu.dma_semaphore, #tpu.memory_space<semaphore_mem>>) {add = true}
      %add3A_139 = arith.constant 0 : i32
      %add3A_140 = arith.addi %mul3A_86, %add3A_139 : i32
      %dma_wait3A_141 = arith.constant 0 : i32
      %dma_wait3A_142 = arith.constant 0 : i32
      %dma_wait3A_143 = arith.constant 0 : i32
      %dma_wait3A_144 = tpu.memref_slice %arg9[%dma_wait3A_141, %dma_wait3A_142, %dma_wait3A_143] : memref<2x128x128xf32, #tpu.memory_space<vmem>> -> memref<1x128x128xf32, #tpu.memory_space<vmem>>
      %dma_wait3A_145 = tpu.memref_squeeze %dma_wait3A_144 : memref<1x128x128xf32, #tpu.memory_space<vmem>> -> memref<128x128xf32, #tpu.memory_space<vmem>>
      %dma_wait3A_146 = arith.constant 0 : i32
      %dma_wait3A_147 = tpu.memref_slice %arg8[%add3A_140, %dma_wait3A_146] : memref<4x128xi32, #tpu.memory_space<vmem>> -> memref<1x128xi32, #tpu.memory_space<vmem>>
      %dma_wait3A_148 = tpu.memref_squeeze %dma_wait3A_147 : memref<1x128xi32, #tpu.memory_space<vmem>> -> memref<128xi32, #tpu.memory_space<vmem>>
      %dma_wait3A_149 = arith.constant 0 : i32
      %dma_wait3A_150 = arith.constant 0 : i32
      %dma_wait3A_151 = tpu.memref_slice %arg10[%dma_wait3A_149, %dma_wait3A_150] : memref<10112x128xf32, #tpu.memory_space<vmem_shared>> -> memref<10112x128xf32, #tpu.memory_space<vmem_shared>>
      tpu.wait_indirect_dma semaphore(%arg15 : memref<!tpu.dma_semaphore, #tpu.memory_space<semaphore_mem>>) src(%dma_wait3A_145 : memref<128x128xf32, #tpu.memory_space<vmem>>) dst(%dma_wait3A_151 : memref<10112x128xf32, #tpu.memory_space<vmem_shared>>)
      %add3A_152 = arith.constant 2 : i32
      %add3A_153 = arith.addi %mul3A_86, %add3A_152 : i32
      %add3A_154 = arith.constant 0 : i32
      %add3A_155 = arith.addi %add3A_153, %add3A_154 : i32
      %dma_start3A_156 = arith.constant 0 : i32
      %dma_start3A_157 = arith.constant 0 : i32
      %dma_start3A_158 = arith.constant 0 : i32
      %dma_start3A_159 = tpu.memref_slice %arg9[%dma_start3A_156, %dma_start3A_157, %dma_start3A_158] : memref<2x128x128xf32, #tpu.memory_space<vmem>> -> memref<1x128x128xf32, #tpu.memory_space<vmem>>
      %dma_start3A_160 = tpu.memref_squeeze %dma_start3A_159 : memref<1x128x128xf32, #tpu.memory_space<vmem>> -> memref<128x128xf32, #tpu.memory_space<vmem>>
      %dma_start3A_161 = arith.constant 0 : i32
      %dma_start3A_162 = tpu.memref_slice %arg7[%add3A_155, %dma_start3A_161] : memref<4x128xi32, #tpu.memory_space<vmem>> -> memref<1x128xi32, #tpu.memory_space<vmem>>
      %dma_start3A_163 = tpu.memref_squeeze %dma_start3A_162 : memref<1x128xi32, #tpu.memory_space<vmem>> -> memref<128xi32, #tpu.memory_space<vmem>>
      %dma_start3A_164 = arith.constant 0 : i32
      %dma_start3A_165 = arith.constant 0 : i32
      %dma_start3A_166 = tpu.memref_slice %arg2[%dma_start3A_164, %dma_start3A_165] : memref<10000x128xf32, #tpu.memory_space<hbm>> -> memref<10000x128xf32, #tpu.memory_space<hbm>>
      tpu.enqueue_indirect_dma source(%dma_start3A_166 : memref<10000x128xf32, #tpu.memory_space<hbm>>) target(%dma_start3A_160 : memref<128x128xf32, #tpu.memory_space<vmem>>) offsets(%dma_start3A_163 : memref<128xi32, #tpu.memory_space<vmem>>) semaphore(%arg11 : memref<!tpu.dma_semaphore, #tpu.memory_space<semaphore_mem>>)
      %add3A_167 = arith.constant 1 : i32
      %add3A_168 = arith.addi %mul3A_86, %add3A_167 : i32
      %dma_wait3A_169 = arith.constant 1 : i32
      %dma_wait3A_170 = arith.constant 0 : i32
      %dma_wait3A_171 = arith.constant 0 : i32
      %dma_wait3A_172 = tpu.memref_slice %arg9[%dma_wait3A_169, %dma_wait3A_170, %dma_wait3A_171] : memref<2x128x128xf32, #tpu.memory_space<vmem>> -> memref<1x128x128xf32, #tpu.memory_space<vmem>>
      %dma_wait3A_173 = tpu.memref_squeeze %dma_wait3A_172 : memref<1x128x128xf32, #tpu.memory_space<vmem>> -> memref<128x128xf32, #tpu.memory_space<vmem>>
      %dma_wait3A_174 = arith.constant 0 : i32
      %dma_wait3A_175 = tpu.memref_slice %arg8[%add3A_168, %dma_wait3A_174] : memref<4x128xi32, #tpu.memory_space<vmem>> -> memref<1x128xi32, #tpu.memory_space<vmem>>
      %dma_wait3A_176 = tpu.memref_squeeze %dma_wait3A_175 : memref<1x128xi32, #tpu.memory_space<vmem>> -> memref<128xi32, #tpu.memory_space<vmem>>
      %dma_wait3A_177 = arith.constant 0 : i32
      %dma_wait3A_178 = arith.constant 0 : i32
      %dma_wait3A_179 = tpu.memref_slice %arg10[%dma_wait3A_177, %dma_wait3A_178] : memref<10112x128xf32, #tpu.memory_space<vmem_shared>> -> memref<10112x128xf32, #tpu.memory_space<vmem_shared>>
      tpu.wait_indirect_dma semaphore(%arg16 : memref<!tpu.dma_semaphore, #tpu.memory_space<semaphore_mem>>) src(%dma_wait3A_173 : memref<128x128xf32, #tpu.memory_space<vmem>>) dst(%dma_wait3A_179 : memref<10112x128xf32, #tpu.memory_space<vmem_shared>>)
      %add3A_180 = arith.constant 2 : i32
      %add3A_181 = arith.addi %mul3A_86, %add3A_180 : i32
      %add3A_182 = arith.constant 1 : i32
      %add3A_183 = arith.addi %add3A_181, %add3A_182 : i32
      %dma_start3A_184 = arith.constant 1 : i32
      %dma_start3A_185 = arith.constant 0 : i32
      %dma_start3A_186 = arith.constant 0 : i32
      %dma_start3A_187 = tpu.memref_slice %arg9[%dma_start3A_184, %dma_start3A_185, %dma_start3A_186] : memref<2x128x128xf32, #tpu.memory_space<vmem>> -> memref<1x128x128xf32, #tpu.memory_space<vmem>>
      %dma_start3A_188 = tpu.memref_squeeze %dma_start3A_187 : memref<1x128x128xf32, #tpu.memory_space<vmem>> -> memref<128x128xf32, #tpu.memory_space<vmem>>
      %dma_start3A_189 = arith.constant 0 : i32
      %dma_start3A_190 = tpu.memref_slice %arg7[%add3A_183, %dma_start3A_189] : memref<4x128xi32, #tpu.memory_space<vmem>> -> memref<1x128xi32, #tpu.memory_space<vmem>>
      %dma_start3A_191 = tpu.memref_squeeze %dma_start3A_190 : memref<1x128xi32, #tpu.memory_space<vmem>> -> memref<128xi32, #tpu.memory_space<vmem>>
      %dma_start3A_192 = arith.constant 0 : i32
      %dma_start3A_193 = arith.constant 0 : i32
      %dma_start3A_194 = tpu.memref_slice %arg2[%dma_start3A_192, %dma_start3A_193] : memref<10000x128xf32, #tpu.memory_space<hbm>> -> memref<10000x128xf32, #tpu.memory_space<hbm>>
      tpu.enqueue_indirect_dma source(%dma_start3A_194 : memref<10000x128xf32, #tpu.memory_space<hbm>>) target(%dma_start3A_188 : memref<128x128xf32, #tpu.memory_space<vmem>>) offsets(%dma_start3A_191 : memref<128xi32, #tpu.memory_space<vmem>>) semaphore(%arg12 : memref<!tpu.dma_semaphore, #tpu.memory_space<semaphore_mem>>)
      %scan3A_195 = arith.constant 1 : i32
      %dma_wait3A_196 = arith.constant 2 : i32
      %dma_wait3A_197 = arith.constant 0 : i32
      %dma_wait3A_198 = arith.constant 0 : i32
      %dma_wait3A_199 = arith.constant 0 : i32
      %dma_wait3A_200 = tpu.memref_slice %arg9[%dma_wait3A_197, %dma_wait3A_198, %dma_wait3A_199] : memref<2x128x128xf32, #tpu.memory_space<vmem>> -> memref<1x128x128xf32, #tpu.memory_space<vmem>>
      %dma_wait3A_201 = tpu.memref_squeeze %dma_wait3A_200 : memref<1x128x128xf32, #tpu.memory_space<vmem>> -> memref<128x128xf32, #tpu.memory_space<vmem>>
      %dma_wait3A_202 = arith.constant 0 : i32
      %dma_wait3A_203 = tpu.memref_slice %arg7[%dma_wait3A_196, %dma_wait3A_202] : memref<4x128xi32, #tpu.memory_space<vmem>> -> memref<1x128xi32, #tpu.memory_space<vmem>>
      %dma_wait3A_204 = tpu.memref_squeeze %dma_wait3A_203 : memref<1x128xi32, #tpu.memory_space<vmem>> -> memref<128xi32, #tpu.memory_space<vmem>>
      %dma_wait3A_205 = arith.constant 0 : i32
      %dma_wait3A_206 = arith.constant 0 : i32
      %dma_wait3A_207 = tpu.memref_slice %arg2[%dma_wait3A_205, %dma_wait3A_206] : memref<10000x128xf32, #tpu.memory_space<hbm>> -> memref<10000x128xf32, #tpu.memory_space<hbm>>
      tpu.wait_indirect_dma semaphore(%arg11 : memref<!tpu.dma_semaphore, #tpu.memory_space<semaphore_mem>>) src(%dma_wait3A_207 : memref<10000x128xf32, #tpu.memory_space<hbm>>) dst(%dma_wait3A_201 : memref<128x128xf32, #tpu.memory_space<vmem>>)
      %dma_start3A_208 = arith.constant 0 : i32
      %dma_start3A_209 = arith.constant 2 : i32
      %dma_start3A_210 = arith.constant 0 : i32
      %dma_start3A_211 = arith.constant 0 : i32
      %dma_start3A_212 = tpu.memref_slice %arg9[%dma_start3A_208, %dma_start3A_210, %dma_start3A_211] : memref<2x128x128xf32, #tpu.memory_space<vmem>> -> memref<1x128x128xf32, #tpu.memory_space<vmem>>
      %dma_start3A_213 = tpu.memref_squeeze %dma_start3A_212 : memref<1x128x128xf32, #tpu.memory_space<vmem>> -> memref<128x128xf32, #tpu.memory_space<vmem>>
      %dma_start3A_214 = arith.constant 0 : i32
      %dma_start3A_215 = tpu.memref_slice %arg8[%dma_start3A_209, %dma_start3A_214] : memref<4x128xi32, #tpu.memory_space<vmem>> -> memref<1x128xi32, #tpu.memory_space<vmem>>
      %dma_start3A_216 = tpu.memref_squeeze %dma_start3A_215 : memref<1x128xi32, #tpu.memory_space<vmem>> -> memref<128xi32, #tpu.memory_space<vmem>>
      %dma_start3A_217 = arith.constant 0 : i32
      %dma_start3A_218 = arith.constant 0 : i32
      %dma_start3A_219 = tpu.memref_slice %arg10[%dma_start3A_217, %dma_start3A_218] : memref<10112x128xf32, #tpu.memory_space<vmem_shared>> -> memref<10112x128xf32, #tpu.memory_space<vmem_shared>>
      tpu.enqueue_indirect_dma source(%dma_start3A_213 : memref<128x128xf32, #tpu.memory_space<vmem>>) target(%dma_start3A_219 : memref<10112x128xf32, #tpu.memory_space<vmem_shared>>) offsets(%dma_start3A_216 : memref<128xi32, #tpu.memory_space<vmem>>) semaphore(%arg15 : memref<!tpu.dma_semaphore, #tpu.memory_space<semaphore_mem>>) {add = true}
      %dma_wait3A_220 = arith.constant 3 : i32
      %dma_wait3A_221 = arith.constant 1 : i32
      %dma_wait3A_222 = arith.constant 0 : i32
      %dma_wait3A_223 = arith.constant 0 : i32
      %dma_wait3A_224 = tpu.memref_slice %arg9[%dma_wait3A_221, %dma_wait3A_222, %dma_wait3A_223] : memref<2x128x128xf32, #tpu.memory_space<vmem>> -> memref<1x128x128xf32, #tpu.memory_space<vmem>>
      %dma_wait3A_225 = tpu.memref_squeeze %dma_wait3A_224 : memref<1x128x128xf32, #tpu.memory_space<vmem>> -> memref<128x128xf32, #tpu.memory_space<vmem>>
      %dma_wait3A_226 = arith.constant 0 : i32
      %dma_wait3A_227 = tpu.memref_slice %arg7[%dma_wait3A_220, %dma_wait3A_226] : memref<4x128xi32, #tpu.memory_space<vmem>> -> memref<1x128xi32, #tpu.memory_space<vmem>>
      %dma_wait3A_228 = tpu.memref_squeeze %dma_wait3A_227 : memref<1x128xi32, #tpu.memory_space<vmem>> -> memref<128xi32, #tpu.memory_space<vmem>>
      %dma_wait3A_229 = arith.constant 0 : i32
      %dma_wait3A_230 = arith.constant 0 : i32
      %dma_wait3A_231 = tpu.memref_slice %arg2[%dma_wait3A_229, %dma_wait3A_230] : memref<10000x128xf32, #tpu.memory_space<hbm>> -> memref<10000x128xf32, #tpu.memory_space<hbm>>
      tpu.wait_indirect_dma semaphore(%arg12 : memref<!tpu.dma_semaphore, #tpu.memory_space<semaphore_mem>>) src(%dma_wait3A_231 : memref<10000x128xf32, #tpu.memory_space<hbm>>) dst(%dma_wait3A_225 : memref<128x128xf32, #tpu.memory_space<vmem>>)
      %dma_start3A_232 = arith.constant 1 : i32
      %dma_start3A_233 = arith.constant 3 : i32
      %dma_start3A_234 = arith.constant 0 : i32
      %dma_start3A_235 = arith.constant 0 : i32
      %dma_start3A_236 = tpu.memref_slice %arg9[%dma_start3A_232, %dma_start3A_234, %dma_start3A_235] : memref<2x128x128xf32, #tpu.memory_space<vmem>> -> memref<1x128x128xf32, #tpu.memory_space<vmem>>
      %dma_start3A_237 = tpu.memref_squeeze %dma_start3A_236 : memref<1x128x128xf32, #tpu.memory_space<vmem>> -> memref<128x128xf32, #tpu.memory_space<vmem>>
      %dma_start3A_238 = arith.constant 0 : i32
      %dma_start3A_239 = tpu.memref_slice %arg8[%dma_start3A_233, %dma_start3A_238] : memref<4x128xi32, #tpu.memory_space<vmem>> -> memref<1x128xi32, #tpu.memory_space<vmem>>
      %dma_start3A_240 = tpu.memref_squeeze %dma_start3A_239 : memref<1x128xi32, #tpu.memory_space<vmem>> -> memref<128xi32, #tpu.memory_space<vmem>>
      %dma_start3A_241 = arith.constant 0 : i32
      %dma_start3A_242 = arith.constant 0 : i32
      %dma_start3A_243 = tpu.memref_slice %arg10[%dma_start3A_241, %dma_start3A_242] : memref<10112x128xf32, #tpu.memory_space<vmem_shared>> -> memref<10112x128xf32, #tpu.memory_space<vmem_shared>>
      tpu.enqueue_indirect_dma source(%dma_start3A_237 : memref<128x128xf32, #tpu.memory_space<vmem>>) target(%dma_start3A_243 : memref<10112x128xf32, #tpu.memory_space<vmem_shared>>) offsets(%dma_start3A_240 : memref<128xi32, #tpu.memory_space<vmem>>) semaphore(%arg16 : memref<!tpu.dma_semaphore, #tpu.memory_space<semaphore_mem>>) {add = true}
      %dma_wait3A_244 = arith.constant 0 : i32
      %dma_wait3A_245 = arith.constant 2 : i32
      %dma_wait3A_246 = arith.constant 0 : i32
      %dma_wait3A_247 = arith.constant 0 : i32
      %dma_wait3A_248 = tpu.memref_slice %arg9[%dma_wait3A_244, %dma_wait3A_246, %dma_wait3A_247] : memref<2x128x128xf32, #tpu.memory_space<vmem>> -> memref<1x128x128xf32, #tpu.memory_space<vmem>>
      %dma_wait3A_249 = tpu.memref_squeeze %dma_wait3A_248 : memref<1x128x128xf32, #tpu.memory_space<vmem>> -> memref<128x128xf32, #tpu.memory_space<vmem>>
      %dma_wait3A_250 = arith.constant 0 : i32
      %dma_wait3A_251 = tpu.memref_slice %arg8[%dma_wait3A_245, %dma_wait3A_250] : memref<4x128xi32, #tpu.memory_space<vmem>> -> memref<1x128xi32, #tpu.memory_space<vmem>>
      %dma_wait3A_252 = tpu.memref_squeeze %dma_wait3A_251 : memref<1x128xi32, #tpu.memory_space<vmem>> -> memref<128xi32, #tpu.memory_space<vmem>>
      %dma_wait3A_253 = arith.constant 0 : i32
      %dma_wait3A_254 = arith.constant 0 : i32
      %dma_wait3A_255 = tpu.memref_slice %arg10[%dma_wait3A_253, %dma_wait3A_254] : memref<10112x128xf32, #tpu.memory_space<vmem_shared>> -> memref<10112x128xf32, #tpu.memory_space<vmem_shared>>
      tpu.wait_indirect_dma semaphore(%arg15 : memref<!tpu.dma_semaphore, #tpu.memory_space<semaphore_mem>>) src(%dma_wait3A_249 : memref<128x128xf32, #tpu.memory_space<vmem>>) dst(%dma_wait3A_255 : memref<10112x128xf32, #tpu.memory_space<vmem_shared>>)
      %dma_wait3A_256 = arith.constant 1 : i32
      %dma_wait3A_257 = arith.constant 3 : i32
      %dma_wait3A_258 = arith.constant 0 : i32
      %dma_wait3A_259 = arith.constant 0 : i32
      %dma_wait3A_260 = tpu.memref_slice %arg9[%dma_wait3A_256, %dma_wait3A_258, %dma_wait3A_259] : memref<2x128x128xf32, #tpu.memory_space<vmem>> -> memref<1x128x128xf32, #tpu.memory_space<vmem>>
      %dma_wait3A_261 = tpu.memref_squeeze %dma_wait3A_260 : memref<1x128x128xf32, #tpu.memory_space<vmem>> -> memref<128x128xf32, #tpu.memory_space<vmem>>
      %dma_wait3A_262 = arith.constant 0 : i32
      %dma_wait3A_263 = tpu.memref_slice %arg8[%dma_wait3A_257, %dma_wait3A_262] : memref<4x128xi32, #tpu.memory_space<vmem>> -> memref<1x128xi32, #tpu.memory_space<vmem>>
      %dma_wait3A_264 = tpu.memref_squeeze %dma_wait3A_263 : memref<1x128xi32, #tpu.memory_space<vmem>> -> memref<128xi32, #tpu.memory_space<vmem>>
      %dma_wait3A_265 = arith.constant 0 : i32
      %dma_wait3A_266 = arith.constant 0 : i32
      %dma_wait3A_267 = tpu.memref_slice %arg10[%dma_wait3A_265, %dma_wait3A_266] : memref<10112x128xf32, #tpu.memory_space<vmem_shared>> -> memref<10112x128xf32, #tpu.memory_space<vmem_shared>>
      tpu.wait_indirect_dma semaphore(%arg16 : memref<!tpu.dma_semaphore, #tpu.memory_space<semaphore_mem>>) src(%dma_wait3A_261 : memref<128x128xf32, #tpu.memory_space<vmem>>) dst(%dma_wait3A_267 : memref<10112x128xf32, #tpu.memory_space<vmem_shared>>)
    }
    %while3A_30 = arith.constant 1 : i32
    scf.for %while3A_35 = %while3A_28 to %while3A_24 step %while3A_30  : i32 {
      %mul3A_36 = arith.muli %while3A_35, %while3A : i32
      %add3A_37 = arith.addi %while3A_21, %mul3A_36 : i32
      %mul3A_38 = arith.constant 4 : i32
      %mul3A_39 = arith.muli %add3A_37, %mul3A_38 : i32
      %add3A_40 = arith.addi %select_n3A_6, %mul3A_39 : i32
      %dma_start3A_41 = arith.constant 0 : i32
      %dma_start3A_42 = tpu.memref_slice %arg3[%add3A_40, %dma_start3A_41] : memref<2560x128xi32, #tpu.memory_space<hbm>> -> memref<4x128xi32, #tpu.memory_space<hbm>>
      %dma_start3A_43 = arith.constant 0 : i32
      %dma_start3A_44 = tpu.memref_slice %arg3[%add3A_40, %dma_start3A_43] : memref<2560x128xi32, #tpu.memory_space<hbm>> -> memref<4x128xi32, #tpu.memory_space<hbm>>
      tpu.enqueue_dma source(%dma_start3A_44 : memref<4x128xi32, #tpu.memory_space<hbm>>) target(%arg7 : memref<4x128xi32, #tpu.memory_space<vmem>>) target_semaphore(%arg19 : memref<!tpu.dma_semaphore, #tpu.memory_space<semaphore_mem>>)
      %dma_start3A_45 = arith.constant 0 : i32
      %dma_start3A_46 = tpu.memref_slice %arg4[%add3A_40, %dma_start3A_45] : memref<2560x128xi32, #tpu.memory_space<hbm>> -> memref<4x128xi32, #tpu.memory_space<hbm>>
      %dma_start3A_47 = arith.constant 0 : i32
      %dma_start3A_48 = tpu.memref_slice %arg4[%add3A_40, %dma_start3A_47] : memref<2560x128xi32, #tpu.memory_space<hbm>> -> memref<4x128xi32, #tpu.memory_space<hbm>>
      tpu.enqueue_dma source(%dma_start3A_48 : memref<4x128xi32, #tpu.memory_space<hbm>>) target(%arg8 : memref<4x128xi32, #tpu.memory_space<vmem>>) target_semaphore(%arg19 : memref<!tpu.dma_semaphore, #tpu.memory_space<semaphore_mem>>)
      %dma_wait3A_49 = arith.constant 0 : i32
      %dma_wait3A_50 = tpu.memref_slice %arg3[%add3A_40, %dma_wait3A_49] : memref<2560x128xi32, #tpu.memory_space<hbm>> -> memref<4x128xi32, #tpu.memory_space<hbm>>
      %dma_wait3A_51 = arith.constant 0 : i32
      %dma_wait3A_52 = tpu.memref_slice %arg3[%add3A_40, %dma_wait3A_51] : memref<2560x128xi32, #tpu.memory_space<hbm>> -> memref<4x128xi32, #tpu.memory_space<hbm>>
      tpu.wait_dma2 semaphore(%arg19 : memref<!tpu.dma_semaphore, #tpu.memory_space<semaphore_mem>>) src(%dma_wait3A_52 : memref<4x128xi32, #tpu.memory_space<hbm>>) dst(%arg7 : memref<4x128xi32, #tpu.memory_space<vmem>>)
      %dma_wait3A_53 = arith.constant 0 : i32
      %dma_wait3A_54 = tpu.memref_slice %arg4[%add3A_40, %dma_wait3A_53] : memref<2560x128xi32, #tpu.memory_space<hbm>> -> memref<4x128xi32, #tpu.memory_space<hbm>>
      %dma_wait3A_55 = arith.constant 0 : i32
      %dma_wait3A_56 = tpu.memref_slice %arg4[%add3A_40, %dma_wait3A_55] : memref<2560x128xi32, #tpu.memory_space<hbm>> -> memref<4x128xi32, #tpu.memory_space<hbm>>
      tpu.wait_dma2 semaphore(%arg19 : memref<!tpu.dma_semaphore, #tpu.memory_space<semaphore_mem>>) src(%dma_wait3A_56 : memref<4x128xi32, #tpu.memory_space<hbm>>) dst(%arg8 : memref<4x128xi32, #tpu.memory_space<vmem>>)
      %dma_start3A_57 = arith.constant 0 : i32
      %dma_start3A_58 = arith.constant 0 : i32
      %dma_start3A_59 = arith.constant 0 : i32
      %dma_start3A_60 = arith.constant 0 : i32
      %dma_start3A_61 = tpu.memref_slice %arg9[%dma_start3A_58, %dma_start3A_59, %dma_start3A_60] : memref<2x128x128xf32, #tpu.memory_space<vmem>> -> memref<1x128x128xf32, #tpu.memory_space<vmem>>
      %dma_start3A_62 = tpu.memref_squeeze %dma_start3A_61 : memref<1x128x128xf32, #tpu.memory_space<vmem>> -> memref<128x128xf32, #tpu.memory_space<vmem>>
      %dma_start3A_63 = arith.constant 0 : i32
      %dma_start3A_64 = tpu.memref_slice %arg7[%dma_start3A_57, %dma_start3A_63] : memref<4x128xi32, #tpu.memory_space<vmem>> -> memref<1x128xi32, #tpu.memory_space<vmem>>
      %dma_start3A_65 = tpu.memref_squeeze %dma_start3A_64 : memref<1x128xi32, #tpu.memory_space<vmem>> -> memref<128xi32, #tpu.memory_space<vmem>>
      %dma_start3A_66 = arith.constant 0 : i32
      %dma_start3A_67 = arith.constant 0 : i32
      %dma_start3A_68 = tpu.memref_slice %arg2[%dma_start3A_66, %dma_start3A_67] : memref<10000x128xf32, #tpu.memory_space<hbm>> -> memref<10000x128xf32, #tpu.memory_space<hbm>>
      tpu.enqueue_indirect_dma source(%dma_start3A_68 : memref<10000x128xf32, #tpu.memory_space<hbm>>) target(%dma_start3A_62 : memref<128x128xf32, #tpu.memory_space<vmem>>) offsets(%dma_start3A_65 : memref<128xi32, #tpu.memory_space<vmem>>) semaphore(%arg11 : memref<!tpu.dma_semaphore, #tpu.memory_space<semaphore_mem>>)
      %dma_start3A_69 = arith.constant 1 : i32
      %dma_start3A_70 = arith.constant 1 : i32
      %dma_start3A_71 = arith.constant 0 : i32
      %dma_start3A_72 = arith.constant 0 : i32
      %dma_start3A_73 = tpu.memref_slice %arg9[%dma_start3A_70, %dma_start3A_71, %dma_start3A_72] : memref<2x128x128xf32, #tpu.memory_space<vmem>> -> memref<1x128x128xf32, #tpu.memory_space<vmem>>
      %dma_start3A_74 = tpu.memref_squeeze %dma_start3A_73 : memref<1x128x128xf32, #tpu.memory_space<vmem>> -> memref<128x128xf32, #tpu.memory_space<vmem>>
      %dma_start3A_75 = arith.constant 0 : i32
      %dma_start3A_76 = tpu.memref_slice %arg7[%dma_start3A_69, %dma_start3A_75] : memref<4x128xi32, #tpu.memory_space<vmem>> -> memref<1x128xi32, #tpu.memory_space<vmem>>
      %dma_start3A_77 = tpu.memref_squeeze %dma_start3A_76 : memref<1x128xi32, #tpu.memory_space<vmem>> -> memref<128xi32, #tpu.memory_space<vmem>>
      %dma_start3A_78 = arith.constant 0 : i32
      %dma_start3A_79 = arith.constant 0 : i32
      %dma_start3A_80 = tpu.memref_slice %arg2[%dma_start3A_78, %dma_start3A_79] : memref<10000x128xf32, #tpu.memory_space<hbm>> -> memref<10000x128xf32, #tpu.memory_space<hbm>>
      tpu.enqueue_indirect_dma source(%dma_start3A_80 : memref<10000x128xf32, #tpu.memory_space<hbm>>) target(%dma_start3A_74 : memref<128x128xf32, #tpu.memory_space<vmem>>) offsets(%dma_start3A_77 : memref<128xi32, #tpu.memory_space<vmem>>) semaphore(%arg12 : memref<!tpu.dma_semaphore, #tpu.memory_space<semaphore_mem>>)
      %scan3A = arith.constant 0 : i32
      %mul3A_81 = arith.constant 1 : i32
      %mul3A_82 = arith.muli %scan3A, %mul3A_81 : i32
      %add3A_83 = arith.constant 0 : i32
      %add3A_84 = arith.addi %add3A_83, %mul3A_82 : i32
      %mul3A_85 = arith.constant 2 : i32
      %mul3A_86 = arith.muli %add3A_84, %mul3A_85 : i32
      %add3A_87 = arith.constant 0 : i32
      %add3A_88 = arith.addi %mul3A_86, %add3A_87 : i32
      %dma_wait3A_89 = arith.constant 0 : i32
      %dma_wait3A_90 = arith.constant 0 : i32
      %dma_wait3A_91 = arith.constant 0 : i32
      %dma_wait3A_92 = tpu.memref_slice %arg9[%dma_wait3A_89, %dma_wait3A_90, %dma_wait3A_91] : memref<2x128x128xf32, #tpu.memory_space<vmem>> -> memref<1x128x128xf32, #tpu.memory_space<vmem>>
      %dma_wait3A_93 = tpu.memref_squeeze %dma_wait3A_92 : memref<1x128x128xf32, #tpu.memory_space<vmem>> -> memref<128x128xf32, #tpu.memory_space<vmem>>
      %dma_wait3A_94 = arith.constant 0 : i32
      %dma_wait3A_95 = tpu.memref_slice %arg7[%add3A_88, %dma_wait3A_94] : memref<4x128xi32, #tpu.memory_space<vmem>> -> memref<1x128xi32, #tpu.memory_space<vmem>>
      %dma_wait3A_96 = tpu.memref_squeeze %dma_wait3A_95 : memref<1x128xi32, #tpu.memory_space<vmem>> -> memref<128xi32, #tpu.memory_space<vmem>>
      %dma_wait3A_97 = arith.constant 0 : i32
      %dma_wait3A_98 = arith.constant 0 : i32
      %dma_wait3A_99 = tpu.memref_slice %arg2[%dma_wait3A_97, %dma_wait3A_98] : memref<10000x128xf32, #tpu.memory_space<hbm>> -> memref<10000x128xf32, #tpu.memory_space<hbm>>
      tpu.wait_indirect_dma semaphore(%arg11 : memref<!tpu.dma_semaphore, #tpu.memory_space<semaphore_mem>>) src(%dma_wait3A_99 : memref<10000x128xf32, #tpu.memory_space<hbm>>) dst(%dma_wait3A_93 : memref<128x128xf32, #tpu.memory_space<vmem>>)
      %add3A_100 = arith.constant 0 : i32
      %add3A_101 = arith.addi %mul3A_86, %add3A_100 : i32
      %dma_start3A_102 = arith.constant 0 : i32
      %dma_start3A_103 = arith.constant 0 : i32
      %dma_start3A_104 = arith.constant 0 : i32
      %dma_start3A_105 = tpu.memref_slice %arg9[%dma_start3A_102, %dma_start3A_103, %dma_start3A_104] : memref<2x128x128xf32, #tpu.memory_space<vmem>> -> memref<1x128x128xf32, #tpu.memory_space<vmem>>
      %dma_start3A_106 = tpu.memref_squeeze %dma_start3A_105 : memref<1x128x128xf32, #tpu.memory_space<vmem>> -> memref<128x128xf32, #tpu.memory_space<vmem>>
      %dma_start3A_107 = arith.constant 0 : i32
      %dma_start3A_108 = tpu.memref_slice %arg8[%add3A_101, %dma_start3A_107] : memref<4x128xi32, #tpu.memory_space<vmem>> -> memref<1x128xi32, #tpu.memory_space<vmem>>
      %dma_start3A_109 = tpu.memref_squeeze %dma_start3A_108 : memref<1x128xi32, #tpu.memory_space<vmem>> -> memref<128xi32, #tpu.memory_space<vmem>>
      %dma_start3A_110 = arith.constant 0 : i32
      %dma_start3A_111 = arith.constant 0 : i32
      %dma_start3A_112 = tpu.memref_slice %arg10[%dma_start3A_110, %dma_start3A_111] : memref<10112x128xf32, #tpu.memory_space<vmem_shared>> -> memref<10112x128xf32, #tpu.memory_space<vmem_shared>>
      tpu.enqueue_indirect_dma source(%dma_start3A_106 : memref<128x128xf32, #tpu.memory_space<vmem>>) target(%dma_start3A_112 : memref<10112x128xf32, #tpu.memory_space<vmem_shared>>) offsets(%dma_start3A_109 : memref<128xi32, #tpu.memory_space<vmem>>) semaphore(%arg15 : memref<!tpu.dma_semaphore, #tpu.memory_space<semaphore_mem>>) {add = true}
      %add3A_113 = arith.constant 1 : i32
      %add3A_114 = arith.addi %mul3A_86, %add3A_113 : i32
      %dma_wait3A_115 = arith.constant 1 : i32
      %dma_wait3A_116 = arith.constant 0 : i32
      %dma_wait3A_117 = arith.constant 0 : i32
      %dma_wait3A_118 = tpu.memref_slice %arg9[%dma_wait3A_115, %dma_wait3A_116, %dma_wait3A_117] : memref<2x128x128xf32, #tpu.memory_space<vmem>> -> memref<1x128x128xf32, #tpu.memory_space<vmem>>
      %dma_wait3A_119 = tpu.memref_squeeze %dma_wait3A_118 : memref<1x128x128xf32, #tpu.memory_space<vmem>> -> memref<128x128xf32, #tpu.memory_space<vmem>>
      %dma_wait3A_120 = arith.constant 0 : i32
      %dma_wait3A_121 = tpu.memref_slice %arg7[%add3A_114, %dma_wait3A_120] : memref<4x128xi32, #tpu.memory_space<vmem>> -> memref<1x128xi32, #tpu.memory_space<vmem>>
      %dma_wait3A_122 = tpu.memref_squeeze %dma_wait3A_121 : memref<1x128xi32, #tpu.memory_space<vmem>> -> memref<128xi32, #tpu.memory_space<vmem>>
      %dma_wait3A_123 = arith.constant 0 : i32
      %dma_wait3A_124 = arith.constant 0 : i32
      %dma_wait3A_125 = tpu.memref_slice %arg2[%dma_wait3A_123, %dma_wait3A_124] : memref<10000x128xf32, #tpu.memory_space<hbm>> -> memref<10000x128xf32, #tpu.memory_space<hbm>>
      tpu.wait_indirect_dma semaphore(%arg12 : memref<!tpu.dma_semaphore, #tpu.memory_space<semaphore_mem>>) src(%dma_wait3A_125 : memref<10000x128xf32, #tpu.memory_space<hbm>>) dst(%dma_wait3A_119 : memref<128x128xf32, #tpu.memory_space<vmem>>)
      %add3A_126 = arith.constant 1 : i32
      %add3A_127 = arith.addi %mul3A_86, %add3A_126 : i32
      %dma_start3A_128 = arith.constant 1 : i32
      %dma_start3A_129 = arith.constant 0 : i32
      %dma_start3A_130 = arith.constant 0 : i32
      %dma_start3A_131 = tpu.memref_slice %arg9[%dma_start3A_128, %dma_start3A_129, %dma_start3A_130] : memref<2x128x128xf32, #tpu.memory_space<vmem>> -> memref<1x128x128xf32, #tpu.memory_space<vmem>>
      %dma_start3A_132 = tpu.memref_squeeze %dma_start3A_131 : memref<1x128x128xf32, #tpu.memory_space<vmem>> -> memref<128x128xf32, #tpu.memory_space<vmem>>
      %dma_start3A_133 = arith.constant 0 : i32
      %dma_start3A_134 = tpu.memref_slice %arg8[%add3A_127, %dma_start3A_133] : memref<4x128xi32, #tpu.memory_space<vmem>> -> memref<1x128xi32, #tpu.memory_space<vmem>>
      %dma_start3A_135 = tpu.memref_squeeze %dma_start3A_134 : memref<1x128xi32, #tpu.memory_space<vmem>> -> memref<128xi32, #tpu.memory_space<vmem>>
      %dma_start3A_136 = arith.constant 0 : i32
      %dma_start3A_137 = arith.constant 0 : i32
      %dma_start3A_138 = tpu.memref_slice %arg10[%dma_start3A_136, %dma_start3A_137] : memref<10112x128xf32, #tpu.memory_space<vmem_shared>> -> memref<10112x128xf32, #tpu.memory_space<vmem_shared>>
      tpu.enqueue_indirect_dma source(%dma_start3A_132 : memref<128x128xf32, #tpu.memory_space<vmem>>) target(%dma_start3A_138 : memref<10112x128xf32, #tpu.memory_space<vmem_shared>>) offsets(%dma_start3A_135 : memref<128xi32, #tpu.memory_space<vmem>>) semaphore(%arg16 : memref<!tpu.dma_semaphore, #tpu.memory_space<semaphore_mem>>) {add = true}
      %add3A_139 = arith.constant 0 : i32
      %add3A_140 = arith.addi %mul3A_86, %add3A_139 : i32
      %dma_wait3A_141 = arith.constant 0 : i32
      %dma_wait3A_142 = arith.constant 0 : i32
      %dma_wait3A_143 = arith.constant 0 : i32
      %dma_wait3A_144 = tpu.memref_slice %arg9[%dma_wait3A_141, %dma_wait3A_142, %dma_wait3A_143] : memref<2x128x128xf32, #tpu.memory_space<vmem>> -> memref<1x128x128xf32, #tpu.memory_space<vmem>>
      %dma_wait3A_145 = tpu.memref_squeeze %dma_wait3A_144 : memref<1x128x128xf32, #tpu.memory_space<vmem>> -> memref<128x128xf32, #tpu.memory_space<vmem>>
      %dma_wait3A_146 = arith.constant 0 : i32
      %dma_wait3A_147 = tpu.memref_slice %arg8[%add3A_140, %dma_wait3A_146] : memref<4x128xi32, #tpu.memory_space<vmem>> -> memref<1x128xi32, #tpu.memory_space<vmem>>
      %dma_wait3A_148 = tpu.memref_squeeze %dma_wait3A_147 : memref<1x128xi32, #tpu.memory_space<vmem>> -> memref<128xi32, #tpu.memory_space<vmem>>
      %dma_wait3A_149 = arith.constant 0 : i32
      %dma_wait3A_150 = arith.constant 0 : i32
      %dma_wait3A_151 = tpu.memref_slice %arg10[%dma_wait3A_149, %dma_wait3A_150] : memref<10112x128xf32, #tpu.memory_space<vmem_shared>> -> memref<10112x128xf32, #tpu.memory_space<vmem_shared>>
      tpu.wait_indirect_dma semaphore(%arg15 : memref<!tpu.dma_semaphore, #tpu.memory_space<semaphore_mem>>) src(%dma_wait3A_145 : memref<128x128xf32, #tpu.memory_space<vmem>>) dst(%dma_wait3A_151 : memref<10112x128xf32, #tpu.memory_space<vmem_shared>>)
      %add3A_152 = arith.constant 2 : i32
      %add3A_153 = arith.addi %mul3A_86, %add3A_152 : i32
      %add3A_154 = arith.constant 0 : i32
      %add3A_155 = arith.addi %add3A_153, %add3A_154 : i32
      %dma_start3A_156 = arith.constant 0 : i32
      %dma_start3A_157 = arith.constant 0 : i32
      %dma_start3A_158 = arith.constant 0 : i32
      %dma_start3A_159 = tpu.memref_slice %arg9[%dma_start3A_156, %dma_start3A_157, %dma_start3A_158] : memref<2x128x128xf32, #tpu.memory_space<vmem>> -> memref<1x128x128xf32, #tpu.memory_space<vmem>>
      %dma_start3A_160 = tpu.memref_squeeze %dma_start3A_159 : memref<1x128x128xf32, #tpu.memory_space<vmem>> -> memref<128x128xf32, #tpu.memory_space<vmem>>
      %dma_start3A_161 = arith.constant 0 : i32
      %dma_start3A_162 = tpu.memref_slice %arg7[%add3A_155, %dma_start3A_161] : memref<4x128xi32, #tpu.memory_space<vmem>> -> memref<1x128xi32, #tpu.memory_space<vmem>>
      %dma_start3A_163 = tpu.memref_squeeze %dma_start3A_162 : memref<1x128xi32, #tpu.memory_space<vmem>> -> memref<128xi32, #tpu.memory_space<vmem>>
      %dma_start3A_164 = arith.constant 0 : i32
      %dma_start3A_165 = arith.constant 0 : i32
      %dma_start3A_166 = tpu.memref_slice %arg2[%dma_start3A_164, %dma_start3A_165] : memref<10000x128xf32, #tpu.memory_space<hbm>> -> memref<10000x128xf32, #tpu.memory_space<hbm>>
      tpu.enqueue_indirect_dma source(%dma_start3A_166 : memref<10000x128xf32, #tpu.memory_space<hbm>>) target(%dma_start3A_160 : memref<128x128xf32, #tpu.memory_space<vmem>>) offsets(%dma_start3A_163 : memref<128xi32, #tpu.memory_space<vmem>>) semaphore(%arg11 : memref<!tpu.dma_semaphore, #tpu.memory_space<semaphore_mem>>)
      %add3A_167 = arith.constant 1 : i32
      %add3A_168 = arith.addi %mul3A_86, %add3A_167 : i32
      %dma_wait3A_169 = arith.constant 1 : i32
      %dma_wait3A_170 = arith.constant 0 : i32
      %dma_wait3A_171 = arith.constant 0 : i32
      %dma_wait3A_172 = tpu.memref_slice %arg9[%dma_wait3A_169, %dma_wait3A_170, %dma_wait3A_171] : memref<2x128x128xf32, #tpu.memory_space<vmem>> -> memref<1x128x128xf32, #tpu.memory_space<vmem>>
      %dma_wait3A_173 = tpu.memref_squeeze %dma_wait3A_172 : memref<1x128x128xf32, #tpu.memory_space<vmem>> -> memref<128x128xf32, #tpu.memory_space<vmem>>
      %dma_wait3A_174 = arith.constant 0 : i32
      %dma_wait3A_175 = tpu.memref_slice %arg8[%add3A_168, %dma_wait3A_174] : memref<4x128xi32, #tpu.memory_space<vmem>> -> memref<1x128xi32, #tpu.memory_space<vmem>>
      %dma_wait3A_176 = tpu.memref_squeeze %dma_wait3A_175 : memref<1x128xi32, #tpu.memory_space<vmem>> -> memref<128xi32, #tpu.memory_space<vmem>>
      %dma_wait3A_177 = arith.constant 0 : i32
      %dma_wait3A_178 = arith.constant 0 : i32
      %dma_wait3A_179 = tpu.memref_slice %arg10[%dma_wait3A_177, %dma_wait3A_178] : memref<10112x128xf32, #tpu.memory_space<vmem_shared>> -> memref<10112x128xf32, #tpu.memory_space<vmem_shared>>
      tpu.wait_indirect_dma semaphore(%arg16 : memref<!tpu.dma_semaphore, #tpu.memory_space<semaphore_mem>>) src(%dma_wait3A_173 : memref<128x128xf32, #tpu.memory_space<vmem>>) dst(%dma_wait3A_179 : memref<10112x128xf32, #tpu.memory_space<vmem_shared>>)
      %add3A_180 = arith.constant 2 : i32
      %add3A_181 = arith.addi %mul3A_86, %add3A_180 : i32
      %add3A_182 = arith.constant 1 : i32
      %add3A_183 = arith.addi %add3A_181, %add3A_182 : i32
      %dma_start3A_184 = arith.constant 1 : i32
      %dma_start3A_185 = arith.constant 0 : i32
      %dma_start3A_186 = arith.constant 0 : i32
      %dma_start3A_187 = tpu.memref_slice %arg9[%dma_start3A_184, %dma_start3A_185, %dma_start3A_186] : memref<2x128x128xf32, #tpu.memory_space<vmem>> -> memref<1x128x128xf32, #tpu.memory_space<vmem>>
      %dma_start3A_188 = tpu.memref_squeeze %dma_start3A_187 : memref<1x128x128xf32, #tpu.memory_space<vmem>> -> memref<128x128xf32, #tpu.memory_space<vmem>>
      %dma_start3A_189 = arith.constant 0 : i32
      %dma_start3A_190 = tpu.memref_slice %arg7[%add3A_183, %dma_start3A_189] : memref<4x128xi32, #tpu.memory_space<vmem>> -> memref<1x128xi32, #tpu.memory_space<vmem>>
      %dma_start3A_191 = tpu.memref_squeeze %dma_start3A_190 : memref<1x128xi32, #tpu.memory_space<vmem>> -> memref<128xi32, #tpu.memory_space<vmem>>
      %dma_start3A_192 = arith.constant 0 : i32
      %dma_start3A_193 = arith.constant 0 : i32
      %dma_start3A_194 = tpu.memref_slice %arg2[%dma_start3A_192, %dma_start3A_193] : memref<10000x128xf32, #tpu.memory_space<hbm>> -> memref<10000x128xf32, #tpu.memory_space<hbm>>
      tpu.enqueue_indirect_dma source(%dma_start3A_194 : memref<10000x128xf32, #tpu.memory_space<hbm>>) target(%dma_start3A_188 : memref<128x128xf32, #tpu.memory_space<vmem>>) offsets(%dma_start3A_191 : memref<128xi32, #tpu.memory_space<vmem>>) semaphore(%arg12 : memref<!tpu.dma_semaphore, #tpu.memory_space<semaphore_mem>>)
      %scan3A_195 = arith.constant 1 : i32
      %dma_wait3A_196 = arith.constant 2 : i32
      %dma_wait3A_197 = arith.constant 0 : i32
      %dma_wait3A_198 = arith.constant 0 : i32
      %dma_wait3A_199 = arith.constant 0 : i32
      %dma_wait3A_200 = tpu.memref_slice %arg9[%dma_wait3A_197, %dma_wait3A_198, %dma_wait3A_199] : memref<2x128x128xf32, #tpu.memory_space<vmem>> -> memref<1x128x128xf32, #tpu.memory_space<vmem>>
      %dma_wait3A_201 = tpu.memref_squeeze %dma_wait3A_200 : memref<1x128x128xf32, #tpu.memory_space<vmem>> -> memref<128x128xf32, #tpu.memory_space<vmem>>
      %dma_wait3A_202 = arith.constant 0 : i32
      %dma_wait3A_203 = tpu.memref_slice %arg7[%dma_wait3A_196, %dma_wait3A_202] : memref<4x128xi32, #tpu.memory_space<vmem>> -> memref<1x128xi32, #tpu.memory_space<vmem>>
      %dma_wait3A_204 = tpu.memref_squeeze %dma_wait3A_203 : memref<1x128xi32, #tpu.memory_space<vmem>> -> memref<128xi32, #tpu.memory_space<vmem>>
      %dma_wait3A_205 = arith.constant 0 : i32
      %dma_wait3A_206 = arith.constant 0 : i32
      %dma_wait3A_207 = tpu.memref_slice %arg2[%dma_wait3A_205, %dma_wait3A_206] : memref<10000x128xf32, #tpu.memory_space<hbm>> -> memref<10000x128xf32, #tpu.memory_space<hbm>>
      tpu.wait_indirect_dma semaphore(%arg11 : memref<!tpu.dma_semaphore, #tpu.memory_space<semaphore_mem>>) src(%dma_wait3A_207 : memref<10000x128xf32, #tpu.memory_space<hbm>>) dst(%dma_wait3A_201 : memref<128x128xf32, #tpu.memory_space<vmem>>)
      %dma_start3A_208 = arith.constant 0 : i32
      %dma_start3A_209 = arith.constant 2 : i32
      %dma_start3A_210 = arith.constant 0 : i32
      %dma_start3A_211 = arith.constant 0 : i32
      %dma_start3A_212 = tpu.memref_slice %arg9[%dma_start3A_208, %dma_start3A_210, %dma_start3A_211] : memref<2x128x128xf32, #tpu.memory_space<vmem>> -> memref<1x128x128xf32, #tpu.memory_space<vmem>>
      %dma_start3A_213 = tpu.memref_squeeze %dma_start3A_212 : memref<1x128x128xf32, #tpu.memory_space<vmem>> -> memref<128x128xf32, #tpu.memory_space<vmem>>
      %dma_start3A_214 = arith.constant 0 : i32
      %dma_start3A_215 = tpu.memref_slice %arg8[%dma_start3A_209, %dma_start3A_214] : memref<4x128xi32, #tpu.memory_space<vmem>> -> memref<1x128xi32, #tpu.memory_space<vmem>>
      %dma_start3A_216 = tpu.memref_squeeze %dma_start3A_215 : memref<1x128xi32, #tpu.memory_space<vmem>> -> memref<128xi32, #tpu.memory_space<vmem>>
      %dma_start3A_217 = arith.constant 0 : i32
      %dma_start3A_218 = arith.constant 0 : i32
      %dma_start3A_219 = tpu.memref_slice %arg10[%dma_start3A_217, %dma_start3A_218] : memref<10112x128xf32, #tpu.memory_space<vmem_shared>> -> memref<10112x128xf32, #tpu.memory_space<vmem_shared>>
      tpu.enqueue_indirect_dma source(%dma_start3A_213 : memref<128x128xf32, #tpu.memory_space<vmem>>) target(%dma_start3A_219 : memref<10112x128xf32, #tpu.memory_space<vmem_shared>>) offsets(%dma_start3A_216 : memref<128xi32, #tpu.memory_space<vmem>>) semaphore(%arg15 : memref<!tpu.dma_semaphore, #tpu.memory_space<semaphore_mem>>) {add = true}
      %dma_wait3A_220 = arith.constant 3 : i32
      %dma_wait3A_221 = arith.constant 1 : i32
      %dma_wait3A_222 = arith.constant 0 : i32
      %dma_wait3A_223 = arith.constant 0 : i32
      %dma_wait3A_224 = tpu.memref_slice %arg9[%dma_wait3A_221, %dma_wait3A_222, %dma_wait3A_223] : memref<2x128x128xf32, #tpu.memory_space<vmem>> -> memref<1x128x128xf32, #tpu.memory_space<vmem>>
      %dma_wait3A_225 = tpu.memref_squeeze %dma_wait3A_224 : memref<1x128x128xf32, #tpu.memory_space<vmem>> -> memref<128x128xf32, #tpu.memory_space<vmem>>
      %dma_wait3A_226 = arith.constant 0 : i32
      %dma_wait3A_227 = tpu.memref_slice %arg7[%dma_wait3A_220, %dma_wait3A_226] : memref<4x128xi32, #tpu.memory_space<vmem>> -> memref<1x128xi32, #tpu.memory_space<vmem>>
      %dma_wait3A_228 = tpu.memref_squeeze %dma_wait3A_227 : memref<1x128xi32, #tpu.memory_space<vmem>> -> memref<128xi32, #tpu.memory_space<vmem>>
      %dma_wait3A_229 = arith.constant 0 : i32
      %dma_wait3A_230 = arith.constant 0 : i32
      %dma_wait3A_231 = tpu.memref_slice %arg2[%dma_wait3A_229, %dma_wait3A_230] : memref<10000x128xf32, #tpu.memory_space<hbm>> -> memref<10000x128xf32, #tpu.memory_space<hbm>>
      tpu.wait_indirect_dma semaphore(%arg12 : memref<!tpu.dma_semaphore, #tpu.memory_space<semaphore_mem>>) src(%dma_wait3A_231 : memref<10000x128xf32, #tpu.memory_space<hbm>>) dst(%dma_wait3A_225 : memref<128x128xf32, #tpu.memory_space<vmem>>)
      %dma_start3A_232 = arith.constant 1 : i32
      %dma_start3A_233 = arith.constant 3 : i32
      %dma_start3A_234 = arith.constant 0 : i32
      %dma_start3A_235 = arith.constant 0 : i32
      %dma_start3A_236 = tpu.memref_slice %arg9[%dma_start3A_232, %dma_start3A_234, %dma_start3A_235] : memref<2x128x128xf32, #tpu.memory_space<vmem>> -> memref<1x128x128xf32, #tpu.memory_space<vmem>>
      %dma_start3A_237 = tpu.memref_squeeze %dma_start3A_236 : memref<1x128x128xf32, #tpu.memory_space<vmem>> -> memref<128x128xf32, #tpu.memory_space<vmem>>
      %dma_start3A_238 = arith.constant 0 : i32
      %dma_start3A_239 = tpu.memref_slice %arg8[%dma_start3A_233, %dma_start3A_238] : memref<4x128xi32, #tpu.memory_space<vmem>> -> memref<1x128xi32, #tpu.memory_space<vmem>>
      %dma_start3A_240 = tpu.memref_squeeze %dma_start3A_239 : memref<1x128xi32, #tpu.memory_space<vmem>> -> memref<128xi32, #tpu.memory_space<vmem>>
      %dma_start3A_241 = arith.constant 0 : i32
      %dma_start3A_242 = arith.constant 0 : i32
      %dma_start3A_243 = tpu.memref_slice %arg10[%dma_start3A_241, %dma_start3A_242] : memref<10112x128xf32, #tpu.memory_space<vmem_shared>> -> memref<10112x128xf32, #tpu.memory_space<vmem_shared>>
      tpu.enqueue_indirect_dma source(%dma_start3A_237 : memref<128x128xf32, #tpu.memory_space<vmem>>) target(%dma_start3A_243 : memref<10112x128xf32, #tpu.memory_space<vmem_shared>>) offsets(%dma_start3A_240 : memref<128xi32, #tpu.memory_space<vmem>>) semaphore(%arg16 : memref<!tpu.dma_semaphore, #tpu.memory_space<semaphore_mem>>) {add = true}
      %dma_wait3A_244 = arith.constant 0 : i32
      %dma_wait3A_245 = arith.constant 2 : i32
      %dma_wait3A_246 = arith.constant 0 : i32
      %dma_wait3A_247 = arith.constant 0 : i32
      %dma_wait3A_248 = tpu.memref_slice %arg9[%dma_wait3A_244, %dma_wait3A_246, %dma_wait3A_247] : memref<2x128x128xf32, #tpu.memory_space<vmem>> -> memref<1x128x128xf32, #tpu.memory_space<vmem>>
      %dma_wait3A_249 = tpu.memref_squeeze %dma_wait3A_248 : memref<1x128x128xf32, #tpu.memory_space<vmem>> -> memref<128x128xf32, #tpu.memory_space<vmem>>
      %dma_wait3A_250 = arith.constant 0 : i32
      %dma_wait3A_251 = tpu.memref_slice %arg8[%dma_wait3A_245, %dma_wait3A_250] : memref<4x128xi32, #tpu.memory_space<vmem>> -> memref<1x128xi32, #tpu.memory_space<vmem>>
      %dma_wait3A_252 = tpu.memref_squeeze %dma_wait3A_251 : memref<1x128xi32, #tpu.memory_space<vmem>> -> memref<128xi32, #tpu.memory_space<vmem>>
      %dma_wait3A_253 = arith.constant 0 : i32
      %dma_wait3A_254 = arith.constant 0 : i32
      %dma_wait3A_255 = tpu.memref_slice %arg10[%dma_wait3A_253, %dma_wait3A_254] : memref<10112x128xf32, #tpu.memory_space<vmem_shared>> -> memref<10112x128xf32, #tpu.memory_space<vmem_shared>>
      tpu.wait_indirect_dma semaphore(%arg15 : memref<!tpu.dma_semaphore, #tpu.memory_space<semaphore_mem>>) src(%dma_wait3A_249 : memref<128x128xf32, #tpu.memory_space<vmem>>) dst(%dma_wait3A_255 : memref<10112x128xf32, #tpu.memory_space<vmem_shared>>)
      %dma_wait3A_256 = arith.constant 1 : i32
      %dma_wait3A_257 = arith.constant 3 : i32
      %dma_wait3A_258 = arith.constant 0 : i32
      %dma_wait3A_259 = arith.constant 0 : i32
      %dma_wait3A_260 = tpu.memref_slice %arg9[%dma_wait3A_256, %dma_wait3A_258, %dma_wait3A_259] : memref<2x128x128xf32, #tpu.memory_space<vmem>> -> memref<1x128x128xf32, #tpu.memory_space<vmem>>
      %dma_wait3A_261 = tpu.memref_squeeze %dma_wait3A_260 : memref<1x128x128xf32, #tpu.memory_space<vmem>> -> memref<128x128xf32, #tpu.memory_space<vmem>>
      %dma_wait3A_262 = arith.constant 0 : i32
      %dma_wait3A_263 = tpu.memref_slice %arg8[%dma_wait3A_257, %dma_wait3A_262] : memref<4x128xi32, #tpu.memory_space<vmem>> -> memref<1x128xi32, #tpu.memory_space<vmem>>
      %dma_wait3A_264 = tpu.memref_squeeze %dma_wait3A_263 : memref<1x128xi32, #tpu.memory_space<vmem>> -> memref<128xi32, #tpu.memory_space<vmem>>
      %dma_wait3A_265 = arith.constant 0 : i32
      %dma_wait3A_266 = arith.constant 0 : i32
      %dma_wait3A_267 = tpu.memref_slice %arg10[%dma_wait3A_265, %dma_wait3A_266] : memref<10112x128xf32, #tpu.memory_space<vmem_shared>> -> memref<10112x128xf32, #tpu.memory_space<vmem_shared>>
      tpu.wait_indirect_dma semaphore(%arg16 : memref<!tpu.dma_semaphore, #tpu.memory_space<semaphore_mem>>) src(%dma_wait3A_261 : memref<128x128xf32, #tpu.memory_space<vmem>>) dst(%dma_wait3A_267 : memref<10112x128xf32, #tpu.memory_space<vmem_shared>>)
    }
    %barrier3A_31 = arith.constant 0 : index
    tpu.barrier barrier_id(%barrier3A_31)
    %mul3A_32 = arith.constant 10112 : i32
    %mul3A_33 = arith.muli %arg0, %mul3A_32 : i32
    %add3A_34 = arith.addi %mul3A_33, %mul3A_8 : i32
    "tpu.region"() ({
      %run_scoped3A = tpu.sem_alloc : memref<!tpu.dma_semaphore, #tpu.memory_space<semaphore_mem>>
      %dma_start3A_35 = arith.constant 0 : i32
      %dma_start3A_36 = tpu.memref_slice %arg6[%add3A_34, %dma_start3A_35] : memref<20224x128xf32, #tpu.memory_space<hbm>> -> memref<632x128xf32, #tpu.memory_space<hbm>>
      %dma_start3A_37 = arith.constant 0 : i32
      %dma_start3A_38 = tpu.memref_slice %arg10[%mul3A_8, %dma_start3A_37] : memref<10112x128xf32, #tpu.memory_space<vmem_shared>> -> memref<632x128xf32, #tpu.memory_space<vmem_shared>>
      tpu.enqueue_dma source(%dma_start3A_38 : memref<632x128xf32, #tpu.memory_space<vmem_shared>>) target(%dma_start3A_36 : memref<632x128xf32, #tpu.memory_space<hbm>>) target_semaphore(%run_scoped3A : memref<!tpu.dma_semaphore, #tpu.memory_space<semaphore_mem>>)
      %dma_wait3A_39 = arith.constant 0 : i32
      %dma_wait3A_40 = tpu.memref_slice %arg6[%add3A_34, %dma_wait3A_39] : memref<20224x128xf32, #tpu.memory_space<hbm>> -> memref<632x128xf32, #tpu.memory_space<hbm>>
      %dma_wait3A_41 = arith.constant 0 : i32
      %dma_wait3A_42 = tpu.memref_slice %arg10[%mul3A_8, %dma_wait3A_41] : memref<10112x128xf32, #tpu.memory_space<vmem_shared>> -> memref<632x128xf32, #tpu.memory_space<vmem_shared>>
      tpu.wait_dma2 semaphore(%run_scoped3A : memref<!tpu.dma_semaphore, #tpu.memory_space<semaphore_mem>>) src(%dma_wait3A_42 : memref<632x128xf32, #tpu.memory_space<vmem_shared>>) dst(%dma_wait3A_40 : memref<632x128xf32, #tpu.memory_space<hbm>>)
      tpu.yield
    }) : () -> ()
    return
  }
}

module attributes {stable_mosaic.version = 14 : i64} {
  func.func @_fc1_body(%arg0: i32, %arg1: memref<1000x128xf32, #tpu.memory_space<vmem>>, %arg2: memref<128x128xf32, #tpu.memory_space<vmem>>, %arg3: memref<1x128xf32, #tpu.memory_space<vmem>>, %arg4: memref<1000x128xf32, #tpu.memory_space<vmem>>) attributes {dimension_semantics = [#tpu.dimension_semantics<arbitrary>], iteration_bounds = array<i64: 10>, scalar_prefetch = 0 : i64, scratch_operands = 0 : i64, tpu.core_type = #tpu.core_type<tc>, window_params = [{transform_indices = @transform_0, window_bounds = array<i64: 1000, 128>}, {pipeline_mode = #tpu.pipeline_mode<synchronous>, transform_indices = @transform_1, window_bounds = array<i64: 128, 128>}, {pipeline_mode = #tpu.pipeline_mode<synchronous>, transform_indices = @transform_2, window_bounds = array<i64: 1, 128>}, {transform_indices = @transform_3, window_bounds = array<i64: 1000, 128>}]} {
    %get3A = arith.constant 0 : index
    %get3A_0 = arith.constant 0 : index
    %get3A_1 = vector.load %arg1[%get3A, %get3A_0] : memref<1000x128xf32, #tpu.memory_space<vmem>>, vector<1000x128xf32>
    %get3A_2 = arith.constant 0 : index
    %get3A_3 = arith.constant 0 : index
    %get3A_4 = vector.load %arg2[%get3A_2, %get3A_3] : memref<128x128xf32, #tpu.memory_space<vmem>>, vector<128x128xf32>
    %dot_general3A = arith.constant dense<0.000000e+00> : vector<1000x128xf32>
    %dot_general3A_5 = tpu.matmul %get3A_1, %get3A_4, %dot_general3A {dimension_numbers = #tpu.dot_dimension_numbers<[1], [0], [0], [1], [0, 0, 1, 1], [], []>, precision = #tpu.contract_precision<fp32>, transpose_lhs_hint = false} : vector<1000x128xf32>, vector<128x128xf32>, vector<1000x128xf32> -> vector<1000x128xf32>
    %get3A_6 = arith.constant 0 : index
    %get3A_7 = arith.constant 0 : index
    %get3A_8 = vector.load %arg3[%get3A_6, %get3A_7] : memref<1x128xf32, #tpu.memory_space<vmem>>, vector<1x128xf32>
    %add3A = vector.broadcast %get3A_8 : vector<1x128xf32> to vector<1000x128xf32>
    %add3A_9 = arith.addf %dot_general3A_5, %add3A : vector<1000x128xf32>
    %max3A = arith.constant 0.000000e+00 : f32
    %max3A_10 = vector.broadcast %max3A : f32 to vector<1000x128xf32>
    %max3A_11 = arith.maximumf %add3A_9, %max3A_10 : vector<1000x128xf32>
    %swap3A = arith.constant 0 : index
    %swap3A_12 = arith.constant 0 : index
    %swap3A_13 = vector.load %arg4[%swap3A, %swap3A_12] : memref<1000x128xf32, #tpu.memory_space<vmem>>, vector<1000x128xf32>
    tpu.vector_store %arg4[%swap3A, %swap3A_12], %max3A_11 {strides = array<i32>} : memref<1000x128xf32, #tpu.memory_space<vmem>>, vector<1000x128xf32>,
    return
  }
  func.func @transform_0(%arg0: i32) -> (i32, i32) {
    %c0_i32 = arith.constant 0 : i32
    %c0_i32_0 = arith.constant 0 : i32
    return %arg0, %c0_i32 : i32, i32
  }
  func.func @transform_1(%arg0: i32) -> (i32, i32) {
    %c0_i32 = arith.constant 0 : i32
    %c0_i32_0 = arith.constant 0 : i32
    %c0_i32_1 = arith.constant 0 : i32
    return %c0_i32, %c0_i32_0 : i32, i32
  }
  func.func @transform_2(%arg0: i32) -> (i32, i32) {
    %c0_i32 = arith.constant 0 : i32
    %c0_i32_0 = arith.constant 0 : i32
    %c0_i32_1 = arith.constant 0 : i32
    return %c0_i32, %c0_i32_0 : i32, i32
  }
  func.func @transform_3(%arg0: i32) -> (i32, i32) {
    %c0_i32 = arith.constant 0 : i32
    %c0_i32_0 = arith.constant 0 : i32
    return %arg0, %c0_i32 : i32, i32
  }
}

module attributes {stable_mosaic.version = 14 : i64} {
  func.func @_post_body(%arg0: memref<20224x128xf32, #tpu.memory_space<vmem>>, %arg1: memref<20224x128xf32, #tpu.memory_space<vmem>>, %arg2: memref<10000x128xf32, #tpu.memory_space<vmem>>, %arg3: memref<128x128xf32, #tpu.memory_space<vmem>>, %arg4: memref<1x128xf32, #tpu.memory_space<vmem>>, %arg5: memref<128x128xf32, #tpu.memory_space<vmem>>, %arg6: memref<1x128xf32, #tpu.memory_space<vmem>>, %arg7: memref<1x128xf32, #tpu.memory_space<vmem>>, %arg8: memref<128x16xf32, #tpu.memory_space<vmem>>, %arg9: memref<1x16xf32, #tpu.memory_space<vmem>>, %arg10: memref<10000x128xf32, #tpu.memory_space<vmem>>, %arg11: memref<10000x128xf32, #tpu.memory_space<vmem>>) attributes {dimension_semantics = [], scalar_prefetch = 0 : i64, scratch_operands = 1 : i64, tpu.core_type = #tpu.core_type<tc>} {
    %broadcast_in_dim3A = arith.constant 0.000000e+00 : f32
    %broadcast_in_dim3A_0 = vector.broadcast %broadcast_in_dim3A : f32 to vector<1x128xf32>
    %broadcast_in_dim3A_1 = arith.constant 0.000000e+00 : f32
    %broadcast_in_dim3A_2 = vector.broadcast %broadcast_in_dim3A_1 : f32 to vector<1x128xf32>
    %scan3A = arith.constant 0 : i32
    %scan3A_3 = arith.constant 10 : i32
    %scan3A_4 = arith.addi %scan3A, %scan3A_3 : i32
    %scan3A_5 = arith.constant 1 : i32
    %scan3A_6:2 = scf.for %scan3A_28 = %scan3A to %scan3A_4 step %scan3A_5 iter_args(%scan3A_29 = %broadcast_in_dim3A_0, %scan3A_30 = %broadcast_in_dim3A_2) -> (vector<1x128xf32>, vector<1x128xf32>)  : i32 {
      %mul3A_31 = arith.constant 1000 : i32
      %mul3A_32 = arith.muli %scan3A_28, %mul3A_31 : i32
      %mul3A_33 = arith.constant 1000 : i32
      %mul3A_34 = arith.muli %scan3A_28, %mul3A_33 : i32
      %add3A_35 = arith.constant 10112 : i32
      %add3A_36 = arith.addi %add3A_35, %mul3A_34 : i32
      %get3A_37 = arith.index_cast %mul3A_32 : i32 to index
      %get3A_38 = arith.constant 0 : index
      %get3A_39 = vector.load %arg1[%get3A_37, %get3A_38] : memref<20224x128xf32, #tpu.memory_space<vmem>>, vector<1000x1xf32>
      %get3A_40 = arith.index_cast %add3A_36 : i32 to index
      %get3A_41 = arith.constant 0 : index
      %get3A_42 = vector.load %arg1[%get3A_40, %get3A_41] : memref<20224x128xf32, #tpu.memory_space<vmem>>, vector<1000x1xf32>
      %add3A_43 = arith.addf %get3A_39, %get3A_42 : vector<1000x1xf32>
      %max3A = arith.constant 1.000000e+00 : f32
      %max3A_44 = vector.broadcast %max3A : f32 to vector<1000x1xf32>
      %max3A_45 = arith.maximumf %add3A_43, %max3A_44 : vector<1000x1xf32>
      %get3A_46 = arith.index_cast %mul3A_32 : i32 to index
      %get3A_47 = arith.constant 0 : index
      %get3A_48 = vector.load %arg0[%get3A_46, %get3A_47] : memref<20224x128xf32, #tpu.memory_space<vmem>>, vector<1000x128xf32>
      %get3A_49 = arith.index_cast %add3A_36 : i32 to index
      %get3A_50 = arith.constant 0 : index
      %get3A_51 = vector.load %arg0[%get3A_49, %get3A_50] : memref<20224x128xf32, #tpu.memory_space<vmem>>, vector<1000x128xf32>
      %add3A_52 = arith.addf %get3A_48, %get3A_51 : vector<1000x128xf32>
      %div3A_53 = vector.broadcast %max3A_45 : vector<1000x1xf32> to vector<1000x128xf32>
      %div3A_54 = arith.divf %add3A_52, %div3A_53 : vector<1000x128xf32>
      %get3A_55 = arith.constant 0 : index
      %get3A_56 = arith.constant 0 : index
      %get3A_57 = vector.load %arg3[%get3A_55, %get3A_56] : memref<128x128xf32, #tpu.memory_space<vmem>>, vector<128x128xf32>
      %dot_general3A = arith.constant dense<0.000000e+00> : vector<1000x128xf32>
      %dot_general3A_58 = tpu.matmul %div3A_54, %get3A_57, %dot_general3A {dimension_numbers = #tpu.dot_dimension_numbers<[1], [0], [0], [1], [0, 0, 1, 1], [], []>, precision = #tpu.contract_precision<fp32>, transpose_lhs_hint = false} : vector<1000x128xf32>, vector<128x128xf32>, vector<1000x128xf32> -> vector<1000x128xf32>
      %get3A_59 = arith.constant 0 : index
      %get3A_60 = arith.constant 0 : index
      %get3A_61 = vector.load %arg4[%get3A_59, %get3A_60] : memref<1x128xf32, #tpu.memory_space<vmem>>, vector<1x128xf32>
      %add3A_62 = vector.broadcast %get3A_61 : vector<1x128xf32> to vector<1000x128xf32>
      %add3A_63 = arith.addf %dot_general3A_58, %add3A_62 : vector<1000x128xf32>
      %get3A_64 = arith.index_cast %mul3A_32 : i32 to index
      %get3A_65 = arith.constant 0 : index
      %get3A_66 = vector.load %arg2[%get3A_64, %get3A_65] : memref<10000x128xf32, #tpu.memory_space<vmem>>, vector<1000x128xf32>
      %get3A_67 = arith.constant 0 : index
      %get3A_68 = arith.constant 0 : index
      %get3A_69 = vector.load %arg5[%get3A_67, %get3A_68] : memref<128x128xf32, #tpu.memory_space<vmem>>, vector<128x128xf32>
      %dot_general3A_70 = arith.constant dense<0.000000e+00> : vector<1000x128xf32>
      %dot_general3A_71 = tpu.matmul %get3A_66, %get3A_69, %dot_general3A_70 {dimension_numbers = #tpu.dot_dimension_numbers<[1], [0], [0], [1], [0, 0, 1, 1], [], []>, precision = #tpu.contract_precision<fp32>, transpose_lhs_hint = false} : vector<1000x128xf32>, vector<128x128xf32>, vector<1000x128xf32> -> vector<1000x128xf32>
      %add3A_72 = arith.addf %add3A_63, %dot_general3A_71 : vector<1000x128xf32>
      %swap3A = arith.index_cast %mul3A_32 : i32 to index
      %swap3A_73 = arith.constant 0 : index
      %swap3A_74 = vector.load %arg11[%swap3A, %swap3A_73] : memref<10000x128xf32, #tpu.memory_space<vmem>>, vector<1000x128xf32>
      tpu.vector_store %arg11[%swap3A, %swap3A_73], %add3A_72 {strides = array<i32>} : memref<10000x128xf32, #tpu.memory_space<vmem>>, vector<1000x128xf32>,
      %reduce_sum3A = arith.constant dense<0.000000e+00> : vector<128xf32>
      %reduce_sum3A_75 = vector.multi_reduction <add>, %add3A_72, %reduce_sum3A [0] : vector<1000x128xf32> to vector<128xf32>
      %broadcast_in_dim3A_76 = vector.shape_cast %reduce_sum3A_75 : vector<128xf32> to vector<1x128xf32>
      %add3A_77 = arith.addf %scan3A_29, %broadcast_in_dim3A_76 : vector<1x128xf32>
      %mul3A_78 = arith.mulf %add3A_72, %add3A_72 : vector<1000x128xf32>
      %reduce_sum3A_79 = arith.constant dense<0.000000e+00> : vector<128xf32>
      %reduce_sum3A_80 = vector.multi_reduction <add>, %mul3A_78, %reduce_sum3A_79 [0] : vector<1000x128xf32> to vector<128xf32>
      %broadcast_in_dim3A_81 = vector.shape_cast %reduce_sum3A_80 : vector<128xf32> to vector<1x128xf32>
      %add3A_82 = arith.addf %scan3A_30, %broadcast_in_dim3A_81 : vector<1x128xf32>
      scf.yield %add3A_77, %add3A_82 : vector<1x128xf32>, vector<1x128xf32>
    }
    %scan3A_7 = arith.constant 10 : i32
    %div3A = arith.constant 1.000000e+04 : f32
    %div3A_8 = vector.broadcast %div3A : f32 to vector<1x128xf32>
    %div3A_9 = arith.divf %scan3A_6#0, %div3A_8 : vector<1x128xf32>
    %div3A_10 = arith.constant 1.000000e+04 : f32
    %div3A_11 = vector.broadcast %div3A_10 : f32 to vector<1x128xf32>
    %div3A_12 = arith.divf %scan3A_6#1, %div3A_11 : vector<1x128xf32>
    %mul3A = arith.mulf %div3A_9, %div3A_9 : vector<1x128xf32>
    %sub3A = arith.subf %div3A_12, %mul3A : vector<1x128xf32>
    %get3A = arith.constant 0 : index
    %get3A_13 = arith.constant 0 : index
    %get3A_14 = vector.load %arg6[%get3A, %get3A_13] : memref<1x128xf32, #tpu.memory_space<vmem>>, vector<1x128xf32>
    %add3A = arith.constant 9.99999974E-6 : f32
    %add3A_15 = vector.broadcast %add3A : f32 to vector<1x128xf32>
    %add3A_16 = arith.addf %sub3A, %add3A_15 : vector<1x128xf32>
    %rsqrt3A = math.rsqrt %add3A_16 : vector<1x128xf32>
    %mul3A_17 = arith.mulf %get3A_14, %rsqrt3A : vector<1x128xf32>
    %get3A_18 = arith.constant 0 : index
    %get3A_19 = arith.constant 0 : index
    %get3A_20 = vector.load %arg7[%get3A_18, %get3A_19] : memref<1x128xf32, #tpu.memory_space<vmem>>, vector<1x128xf32>
    %mul3A_21 = arith.mulf %div3A_9, %mul3A_17 : vector<1x128xf32>
    %sub3A_22 = arith.subf %get3A_20, %mul3A_21 : vector<1x128xf32>
    %scan3A_23 = arith.constant 0 : i32
    %scan3A_24 = arith.constant 10 : i32
    %scan3A_25 = arith.addi %scan3A_23, %scan3A_24 : i32
    %scan3A_26 = arith.constant 1 : i32
    scf.for %scan3A_28 = %scan3A_23 to %scan3A_25 step %scan3A_26  : i32 {
      %mul3A_29 = arith.constant 1 : i32
      %mul3A_30 = arith.muli %scan3A_28, %mul3A_29 : i32
      %add3A_31 = arith.constant 0 : i32
      %add3A_32 = arith.addi %add3A_31, %mul3A_30 : i32
      %mul3A_33 = arith.constant 1000 : i32
      %mul3A_34 = arith.muli %add3A_32, %mul3A_33 : i32
      %get3A_35 = arith.index_cast %mul3A_34 : i32 to index
      %get3A_36 = arith.constant 0 : index
      %get3A_37 = vector.load %arg11[%get3A_35, %get3A_36] : memref<10000x128xf32, #tpu.memory_space<vmem>>, vector<1000x128xf32>
      %mul3A_38 = vector.broadcast %mul3A_17 : vector<1x128xf32> to vector<1000x128xf32>
      %mul3A_39 = arith.mulf %get3A_37, %mul3A_38 : vector<1000x128xf32>
      %add3A_40 = vector.broadcast %sub3A_22 : vector<1x128xf32> to vector<1000x128xf32>
      %add3A_41 = arith.addf %mul3A_39, %add3A_40 : vector<1000x128xf32>
      %max3A = arith.constant 0.000000e+00 : f32
      %max3A_42 = vector.broadcast %max3A : f32 to vector<1000x128xf32>
      %max3A_43 = arith.maximumf %add3A_41, %max3A_42 : vector<1000x128xf32>
      %swap3A = arith.index_cast %mul3A_34 : i32 to index
      %swap3A_44 = arith.constant 0 : index
      %swap3A_45 = vector.load %arg10[%swap3A, %swap3A_44] : memref<10000x128xf32, #tpu.memory_space<vmem>>, vector<1000x128xf32>
      tpu.vector_store %arg10[%swap3A, %swap3A_44], %max3A_43 {strides = array<i32>} : memref<10000x128xf32, #tpu.memory_space<vmem>>, vector<1000x128xf32>,
    }
    %scan3A_27 = arith.constant 10 : i32
    return
  }
}

module attributes {stable_mosaic.version = 14 : i64} {
  func.func @_post_body(%arg0: memref<20224x128xf32, #tpu.memory_space<vmem>>, %arg1: memref<20224x128xf32, #tpu.memory_space<vmem>>, %arg2: memref<10000x128xf32, #tpu.memory_space<vmem>>, %arg3: memref<128x128xf32, #tpu.memory_space<vmem>>, %arg4: memref<1x128xf32, #tpu.memory_space<vmem>>, %arg5: memref<128x128xf32, #tpu.memory_space<vmem>>, %arg6: memref<1x128xf32, #tpu.memory_space<vmem>>, %arg7: memref<1x128xf32, #tpu.memory_space<vmem>>, %arg8: memref<128x16xf32, #tpu.memory_space<vmem>>, %arg9: memref<1x16xf32, #tpu.memory_space<vmem>>, %arg10: memref<10000x16xf32, #tpu.memory_space<vmem>>, %arg11: memref<10000x128xf32, #tpu.memory_space<vmem>>) attributes {dimension_semantics = [], scalar_prefetch = 0 : i64, scratch_operands = 1 : i64, tpu.core_type = #tpu.core_type<tc>} {
    %broadcast_in_dim3A = arith.constant 0.000000e+00 : f32
    %broadcast_in_dim3A_0 = vector.broadcast %broadcast_in_dim3A : f32 to vector<1x128xf32>
    %broadcast_in_dim3A_1 = arith.constant 0.000000e+00 : f32
    %broadcast_in_dim3A_2 = vector.broadcast %broadcast_in_dim3A_1 : f32 to vector<1x128xf32>
    %scan3A = arith.constant 0 : i32
    %scan3A_3 = arith.constant 10 : i32
    %scan3A_4 = arith.addi %scan3A, %scan3A_3 : i32
    %scan3A_5 = arith.constant 1 : i32
    %scan3A_6:2 = scf.for %scan3A_28 = %scan3A to %scan3A_4 step %scan3A_5 iter_args(%scan3A_29 = %broadcast_in_dim3A_0, %scan3A_30 = %broadcast_in_dim3A_2) -> (vector<1x128xf32>, vector<1x128xf32>)  : i32 {
      %mul3A_31 = arith.constant 1000 : i32
      %mul3A_32 = arith.muli %scan3A_28, %mul3A_31 : i32
      %mul3A_33 = arith.constant 1000 : i32
      %mul3A_34 = arith.muli %scan3A_28, %mul3A_33 : i32
      %add3A_35 = arith.constant 10112 : i32
      %add3A_36 = arith.addi %add3A_35, %mul3A_34 : i32
      %get3A_37 = arith.index_cast %mul3A_32 : i32 to index
      %get3A_38 = arith.constant 0 : index
      %get3A_39 = vector.load %arg1[%get3A_37, %get3A_38] : memref<20224x128xf32, #tpu.memory_space<vmem>>, vector<1000x1xf32>
      %get3A_40 = arith.index_cast %add3A_36 : i32 to index
      %get3A_41 = arith.constant 0 : index
      %get3A_42 = vector.load %arg1[%get3A_40, %get3A_41] : memref<20224x128xf32, #tpu.memory_space<vmem>>, vector<1000x1xf32>
      %add3A_43 = arith.addf %get3A_39, %get3A_42 : vector<1000x1xf32>
      %max3A = arith.constant 1.000000e+00 : f32
      %max3A_44 = vector.broadcast %max3A : f32 to vector<1000x1xf32>
      %max3A_45 = arith.maximumf %add3A_43, %max3A_44 : vector<1000x1xf32>
      %get3A_46 = arith.index_cast %mul3A_32 : i32 to index
      %get3A_47 = arith.constant 0 : index
      %get3A_48 = vector.load %arg0[%get3A_46, %get3A_47] : memref<20224x128xf32, #tpu.memory_space<vmem>>, vector<1000x128xf32>
      %get3A_49 = arith.index_cast %add3A_36 : i32 to index
      %get3A_50 = arith.constant 0 : index
      %get3A_51 = vector.load %arg0[%get3A_49, %get3A_50] : memref<20224x128xf32, #tpu.memory_space<vmem>>, vector<1000x128xf32>
      %add3A_52 = arith.addf %get3A_48, %get3A_51 : vector<1000x128xf32>
      %div3A_53 = vector.broadcast %max3A_45 : vector<1000x1xf32> to vector<1000x128xf32>
      %div3A_54 = arith.divf %add3A_52, %div3A_53 : vector<1000x128xf32>
      %get3A_55 = arith.constant 0 : index
      %get3A_56 = arith.constant 0 : index
      %get3A_57 = vector.load %arg3[%get3A_55, %get3A_56] : memref<128x128xf32, #tpu.memory_space<vmem>>, vector<128x128xf32>
      %dot_general3A = arith.constant dense<0.000000e+00> : vector<1000x128xf32>
      %dot_general3A_58 = tpu.matmul %div3A_54, %get3A_57, %dot_general3A {dimension_numbers = #tpu.dot_dimension_numbers<[1], [0], [0], [1], [0, 0, 1, 1], [], []>, precision = #tpu.contract_precision<fp32>, transpose_lhs_hint = false} : vector<1000x128xf32>, vector<128x128xf32>, vector<1000x128xf32> -> vector<1000x128xf32>
      %get3A_59 = arith.constant 0 : index
      %get3A_60 = arith.constant 0 : index
      %get3A_61 = vector.load %arg4[%get3A_59, %get3A_60] : memref<1x128xf32, #tpu.memory_space<vmem>>, vector<1x128xf32>
      %add3A_62 = vector.broadcast %get3A_61 : vector<1x128xf32> to vector<1000x128xf32>
      %add3A_63 = arith.addf %dot_general3A_58, %add3A_62 : vector<1000x128xf32>
      %get3A_64 = arith.index_cast %mul3A_32 : i32 to index
      %get3A_65 = arith.constant 0 : index
      %get3A_66 = vector.load %arg2[%get3A_64, %get3A_65] : memref<10000x128xf32, #tpu.memory_space<vmem>>, vector<1000x128xf32>
      %get3A_67 = arith.constant 0 : index
      %get3A_68 = arith.constant 0 : index
      %get3A_69 = vector.load %arg5[%get3A_67, %get3A_68] : memref<128x128xf32, #tpu.memory_space<vmem>>, vector<128x128xf32>
      %dot_general3A_70 = arith.constant dense<0.000000e+00> : vector<1000x128xf32>
      %dot_general3A_71 = tpu.matmul %get3A_66, %get3A_69, %dot_general3A_70 {dimension_numbers = #tpu.dot_dimension_numbers<[1], [0], [0], [1], [0, 0, 1, 1], [], []>, precision = #tpu.contract_precision<fp32>, transpose_lhs_hint = false} : vector<1000x128xf32>, vector<128x128xf32>, vector<1000x128xf32> -> vector<1000x128xf32>
      %add3A_72 = arith.addf %add3A_63, %dot_general3A_71 : vector<1000x128xf32>
      %swap3A = arith.index_cast %mul3A_32 : i32 to index
      %swap3A_73 = arith.constant 0 : index
      %swap3A_74 = vector.load %arg11[%swap3A, %swap3A_73] : memref<10000x128xf32, #tpu.memory_space<vmem>>, vector<1000x128xf32>
      tpu.vector_store %arg11[%swap3A, %swap3A_73], %add3A_72 {strides = array<i32>} : memref<10000x128xf32, #tpu.memory_space<vmem>>, vector<1000x128xf32>,
      %reduce_sum3A = arith.constant dense<0.000000e+00> : vector<128xf32>
      %reduce_sum3A_75 = vector.multi_reduction <add>, %add3A_72, %reduce_sum3A [0] : vector<1000x128xf32> to vector<128xf32>
      %broadcast_in_dim3A_76 = vector.shape_cast %reduce_sum3A_75 : vector<128xf32> to vector<1x128xf32>
      %add3A_77 = arith.addf %scan3A_29, %broadcast_in_dim3A_76 : vector<1x128xf32>
      %mul3A_78 = arith.mulf %add3A_72, %add3A_72 : vector<1000x128xf32>
      %reduce_sum3A_79 = arith.constant dense<0.000000e+00> : vector<128xf32>
      %reduce_sum3A_80 = vector.multi_reduction <add>, %mul3A_78, %reduce_sum3A_79 [0] : vector<1000x128xf32> to vector<128xf32>
      %broadcast_in_dim3A_81 = vector.shape_cast %reduce_sum3A_80 : vector<128xf32> to vector<1x128xf32>
      %add3A_82 = arith.addf %scan3A_30, %broadcast_in_dim3A_81 : vector<1x128xf32>
      scf.yield %add3A_77, %add3A_82 : vector<1x128xf32>, vector<1x128xf32>
    }
    %scan3A_7 = arith.constant 10 : i32
    %div3A = arith.constant 1.000000e+04 : f32
    %div3A_8 = vector.broadcast %div3A : f32 to vector<1x128xf32>
    %div3A_9 = arith.divf %scan3A_6#0, %div3A_8 : vector<1x128xf32>
    %div3A_10 = arith.constant 1.000000e+04 : f32
    %div3A_11 = vector.broadcast %div3A_10 : f32 to vector<1x128xf32>
    %div3A_12 = arith.divf %scan3A_6#1, %div3A_11 : vector<1x128xf32>
    %mul3A = arith.mulf %div3A_9, %div3A_9 : vector<1x128xf32>
    %sub3A = arith.subf %div3A_12, %mul3A : vector<1x128xf32>
    %get3A = arith.constant 0 : index
    %get3A_13 = arith.constant 0 : index
    %get3A_14 = vector.load %arg6[%get3A, %get3A_13] : memref<1x128xf32, #tpu.memory_space<vmem>>, vector<1x128xf32>
    %add3A = arith.constant 9.99999974E-6 : f32
    %add3A_15 = vector.broadcast %add3A : f32 to vector<1x128xf32>
    %add3A_16 = arith.addf %sub3A, %add3A_15 : vector<1x128xf32>
    %rsqrt3A = math.rsqrt %add3A_16 : vector<1x128xf32>
    %mul3A_17 = arith.mulf %get3A_14, %rsqrt3A : vector<1x128xf32>
    %get3A_18 = arith.constant 0 : index
    %get3A_19 = arith.constant 0 : index
    %get3A_20 = vector.load %arg7[%get3A_18, %get3A_19] : memref<1x128xf32, #tpu.memory_space<vmem>>, vector<1x128xf32>
    %mul3A_21 = arith.mulf %div3A_9, %mul3A_17 : vector<1x128xf32>
    %sub3A_22 = arith.subf %get3A_20, %mul3A_21 : vector<1x128xf32>
    %scan3A_23 = arith.constant 0 : i32
    %scan3A_24 = arith.constant 10 : i32
    %scan3A_25 = arith.addi %scan3A_23, %scan3A_24 : i32
    %scan3A_26 = arith.constant 1 : i32
    scf.for %scan3A_28 = %scan3A_23 to %scan3A_25 step %scan3A_26  : i32 {
      %mul3A_29 = arith.constant 1 : i32
      %mul3A_30 = arith.muli %scan3A_28, %mul3A_29 : i32
      %add3A_31 = arith.constant 0 : i32
      %add3A_32 = arith.addi %add3A_31, %mul3A_30 : i32
      %mul3A_33 = arith.constant 1000 : i32
      %mul3A_34 = arith.muli %add3A_32, %mul3A_33 : i32
      %get3A_35 = arith.index_cast %mul3A_34 : i32 to index
      %get3A_36 = arith.constant 0 : index
      %get3A_37 = vector.load %arg11[%get3A_35, %get3A_36] : memref<10000x128xf32, #tpu.memory_space<vmem>>, vector<1000x128xf32>
      %mul3A_38 = vector.broadcast %mul3A_17 : vector<1x128xf32> to vector<1000x128xf32>
      %mul3A_39 = arith.mulf %get3A_37, %mul3A_38 : vector<1000x128xf32>
      %add3A_40 = vector.broadcast %sub3A_22 : vector<1x128xf32> to vector<1000x128xf32>
      %add3A_41 = arith.addf %mul3A_39, %add3A_40 : vector<1000x128xf32>
      %max3A = arith.constant 0.000000e+00 : f32
      %max3A_42 = vector.broadcast %max3A : f32 to vector<1000x128xf32>
      %max3A_43 = arith.maximumf %add3A_41, %max3A_42 : vector<1000x128xf32>
      %get3A_44 = arith.constant 0 : index
      %get3A_45 = arith.constant 0 : index
      %get3A_46 = vector.load %arg8[%get3A_44, %get3A_45] : memref<128x16xf32, #tpu.memory_space<vmem>>, vector<128x16xf32>
      %dot_general3A = arith.constant dense<0.000000e+00> : vector<1000x16xf32>
      %dot_general3A_47 = tpu.matmul %max3A_43, %get3A_46, %dot_general3A {dimension_numbers = #tpu.dot_dimension_numbers<[1], [0], [0], [1], [0, 0, 1, 1], [], []>, precision = #tpu.contract_precision<fp32>, transpose_lhs_hint = false} : vector<1000x128xf32>, vector<128x16xf32>, vector<1000x16xf32> -> vector<1000x16xf32>
      %get3A_48 = arith.constant 0 : index
      %get3A_49 = arith.constant 0 : index
      %get3A_50 = vector.load %arg9[%get3A_48, %get3A_49] : memref<1x16xf32, #tpu.memory_space<vmem>>, vector<1x16xf32>
      %add3A_51 = vector.broadcast %get3A_50 : vector<1x16xf32> to vector<1000x16xf32>
      %add3A_52 = arith.addf %dot_general3A_47, %add3A_51 : vector<1000x16xf32>
      %reduce_max3A = arith.constant dense<0xFF800000> : vector<1000xf32>
      %reduce_max3A_53 = vector.multi_reduction <maximumf>, %add3A_52, %reduce_max3A [1] : vector<1000x16xf32> to vector<1000xf32>
      %broadcast_in_dim3A_54 = vector.shape_cast %reduce_max3A_53 : vector<1000xf32> to vector<1000x1xf32>
      %sub3A_55 = vector.broadcast %broadcast_in_dim3A_54 : vector<1000x1xf32> to vector<1000x16xf32>
      %sub3A_56 = arith.subf %add3A_52, %sub3A_55 : vector<1000x16xf32>
      %exp3A = math.exp %sub3A_56 : vector<1000x16xf32>
      %reduce_sum3A = arith.constant dense<0.000000e+00> : vector<1000xf32>
      %reduce_sum3A_57 = vector.multi_reduction <add>, %exp3A, %reduce_sum3A [1] : vector<1000x16xf32> to vector<1000xf32>
      %broadcast_in_dim3A_58 = vector.shape_cast %reduce_sum3A_57 : vector<1000xf32> to vector<1000x1xf32>
      %log3A = math.log %broadcast_in_dim3A_58 : vector<1000x1xf32>
      %add3A_59 = arith.addf %broadcast_in_dim3A_54, %log3A : vector<1000x1xf32>
      %sub3A_60 = vector.broadcast %add3A_59 : vector<1000x1xf32> to vector<1000x16xf32>
      %sub3A_61 = arith.subf %add3A_52, %sub3A_60 : vector<1000x16xf32>
      %swap3A = arith.index_cast %mul3A_34 : i32 to index
      %swap3A_62 = arith.constant 0 : index
      %swap3A_63 = vector.load %arg10[%swap3A, %swap3A_62] : memref<10000x16xf32, #tpu.memory_space<vmem>>, vector<1000x16xf32>
      tpu.vector_store %arg10[%swap3A, %swap3A_62], %sub3A_61 {strides = array<i32>} : memref<10000x16xf32, #tpu.memory_space<vmem>>, vector<1000x16xf32>,
    }
    %scan3A_27 = arith.constant 10 : i32
    return
  }
}

</mosaic_0001>

<sc_bundles>
// kernel: kernel.10.cloned.1.call-start
scs
__scs_entry_jumppad:
0x0: {  	(pc) =	sbr.rel $0x88, $3  }
0x1: {  	(tag) =	ssettag $0x0;
	lr =	simm.s32 $0x1  }
0x2: {  	[smem:$0x3F8C] =	sst lr;
	_ =	strace $0xD0000000  }
0x3: {  	_ = 	snop  }
0x4: {  	_ = 	snop  }
0x5: {  	_ = 	snop  }
0x6: {  	_ = 	snop  }
0x7: {  	_ = 	snop  }
__scs_overlays_trampoline_lowered:
0x8: {  	[smem:$0x3F9B] =	sst s0  }
0x9: {  	[smem:$0x3F9C] =	sst s1  }
0xa: {  	[smem:$0x3F9D] =	sst s2  }
0xb: {  	[smem:$0x3F9E] =	sst s3  }
0xc: {  	[smem:$0x3F9F] =	sst s4  }
0xd: {  	[smem:$0x3FA0] =	sst s5  }
0xe: {  	[smem:$0x3FA1] =	sst s6  }
0xf: {  	[smem:$0x3FA2] =	sst s7  }
0x10: {  	[smem:$0x3FA3] =	sst s8  }
0x11: {  	[smem:$0x3FA4] =	sst s9;
	s0 =	simm.s32 @!p0 $0x0  }
0x12: {  	s1 =	sld [smem:$0x3F8A];
	s0 =	simm.s32 @p0 $0x1  }
0x13: {  	[smem:$0x3FA5] =	sst s0;
	s0 =	simm.s32 @!p1 $0x0  }
0x14: {  	s2 =	sld [smem:$0x3F89];
	s0 =	simm.s32 @p1 $0x1  }
0x15: {  	[smem:$0x3FA6] =	sst s0;
	s0 =	simm.s32 @!p2 $0x0  }
0x16: {  	s3 =	sld [smem:$0x3FDB];
	s0 =	simm.s32 @p2 $0x1  }
0x17: {  	s4 =	simm.s32 $0x1BF5;
	[smem:$0x3FA8] =	sst s0  }
0x18: {  	s0 =	sld [smem:$0x3F8B];
	_ =	swait.ge [sflag:s4], $0x0  }
0x19: {  	s7 =	sld [smem:$0x3F8C]  }
0x1a: {  	s8 =	sadd.s32 $0xFFFFE003, lr  }
0x1b: {  	s9 =	sadd.s32 $0xFFFFFEF7, lr;
	s5 =	simm.s32 $0xFFFFFFFF;
	p2 =	slt.u32 s8, $0xFFFFF086  }
0x1c: {  	p1 =	slt.u32 s9, $0xF7A;
	s5 =	simm.s32 @!p2 $0x0  }
0x1d: {  	s5 =	simm.s32 @p1 $0x1;
	p0 =	seq.s32 s7, s2  }
0x1e: {  	s7 =	smul.u32 @!p0 $0xF7A, s2;
	p2 =	seq.s32 @!p0 s5, $0x0  }
0x1f: {  	s9 =	smul.u32 $0xF7A, s1;
	s8 =	simm.s32 @!p0 $0x1BF5;
	p2 =	por !p2, p0  }
0x20: {  	[sflag:s8] =	ssyncset.s32 @!p0 $0xFFFFF086;
	s6 =	sadd.s32 @!p0 s3, s7;
	s7 =	simm.s32 @!p0 $0x108  }
0x21: {  	s3 =	sadd.s32 s3, s9;
	s6 =	sadd.s32 @!p0 $0x88, s6;
	s7 =	simm.s32 @p2 $0x1082  }
0x22: {  	[simem:s7], [sflag:s8] =	dma.local @!p0 [hbm:s6], $0xF7A  }
0x23: {  	s9 =	sor.u32 $0xD0000000, s2;
	s6 =	simm.s32 $0x108;
	_ =	swait.ge @!p0 [sflag:s8], $0x0  }
0x24: {  	s3 =	sadd.s32 $0x88, s3;
	s6 =	simm.s32 @!p1 $0x1082;
	[sflag:s4] =	ssyncset.s32 $0xFFFFF086  }
0x25: {  	[simem:s6], [sflag:s4] =	dma.local [hbm:s3], $0xF7A  }
0x26: {  	[smem:$0x3F8C] =	sst s1;
	(tag) =	ssettag s2;
	_ =	strace s9  }
0x27: {  	s1 =	sld [smem:$0x3F9C]  }
0x28: {  	s2 =	sld [smem:$0x3F9D]  }
0x29: {  	s4 =	sld [smem:$0x3F9F]  }
0x2a: {  	p0 =	seq.s32 s5, $0x0;
	s5 =	sld [smem:$0x3FA0]  }
0x2b: {  	s6 =	sld [smem:$0x3FA1]  }
0x2c: {  	s7 =	sld [smem:$0x3FA2]  }
0x2d: {  	s3 =	simm.s32 $0x108;
	s8 =	sld [smem:$0x3FA3]  }
0x2e: {  	s3 =	simm.s32 @!p0 $0x1082;
	s9 =	sld [smem:$0x3FA4]  }
0x2f: {  	lr =	sadd.s32 s0, s3;
	s0 =	sld [smem:$0x3F9B]  }
0x30: {  	s3 =	sld [smem:$0x3F9E]  }
0x31: {  	[smem:$0x3FA7] =	sst s10  }
0x32: {  	s10 =	sld [smem:$0x3FA5];
	_ =	sdelay $0x3  }
0x33: {  	p0 =	seq.s32 s10, $0x1;
	s10 =	sld [smem:$0x3FA7];
	_ =	sdelay $0x3  }
0x34: {  	[smem:$0x3FA7] =	sst s10  }
0x35: {  	s10 =	sld [smem:$0x3FA6];
	_ =	sdelay $0x3  }
0x36: {  	p1 =	seq.s32 s10, $0x1;
	s10 =	sld [smem:$0x3FA7];
	_ =	sdelay $0x3  }
0x37: {  	[smem:$0x3FA7] =	sst s10  }
0x38: {  	s10 =	sld [smem:$0x3FA8]  }
0x39: {  	_ = 	snop;
	(pc) =	sbr.ind lr, $3  }
0x3a: {  	_ = 	snop  }
0x3b: {  	_ = 	snop  }
0x3c: {  	p2 =	seq.s32 s10, $0x1;
	s10 =	sld [smem:$0x3FA7]  }
0x3d: {  	_ =	shalt  }
0x3e: {  	_ =	shalt  }
0x3f: {  	_ =	shalt  }
0x40: {  	_ =	shalt  }
0x41: {  	_ =	shalt  }
0x42: {  	_ =	shalt  }
0x43: {  	_ =	shalt  }
0x44: {  	_ =	shalt  }
0x45: {  	_ =	shalt  }
0x46: {  	_ =	shalt  }
0x47: {  	_ =	shalt  }
0x48: {  	_ =	shalt  }
0x49: {  	_ =	shalt  }
0x4a: {  	_ =	shalt  }
0x4b: {  	_ =	shalt  }
0x4c: {  	_ =	shalt  }
0x4d: {  	_ =	shalt  }
0x4e: {  	_ =	shalt  }
0x4f: {  	_ =	shalt  }
0x50: {  	_ =	shalt  }
0x51: {  	_ =	shalt  }
0x52: {  	_ =	shalt  }
0x53: {  	_ =	shalt  }
0x54: {  	_ =	shalt  }
0x55: {  	_ =	shalt  }
0x56: {  	_ =	shalt  }
0x57: {  	_ =	shalt  }
0x58: {  	_ =	shalt  }
0x59: {  	_ =	shalt  }
0x5a: {  	_ =	shalt  }
0x5b: {  	_ =	shalt  }
0x5c: {  	_ =	shalt  }
0x5d: {  	_ =	shalt  }
0x5e: {  	_ =	shalt  }
0x5f: {  	_ =	shalt  }
0x60: {  	_ =	shalt  }
0x61: {  	_ =	shalt  }
0x62: {  	_ =	shalt  }
0x63: {  	_ =	shalt  }
0x64: {  	_ =	shalt  }
0x65: {  	_ =	shalt  }
0x66: {  	_ =	shalt  }
0x67: {  	_ =	shalt  }
0x68: {  	_ =	shalt  }
0x69: {  	_ =	shalt  }
0x6a: {  	_ =	shalt  }
0x6b: {  	_ =	shalt  }
0x6c: {  	_ =	shalt  }
0x6d: {  	_ =	shalt  }
0x6e: {  	_ =	shalt  }
0x6f: {  	_ =	shalt  }
0x70: {  	_ =	shalt  }
0x71: {  	_ =	shalt  }
0x72: {  	_ =	shalt  }
0x73: {  	_ =	shalt  }
0x74: {  	_ =	shalt  }
0x75: {  	_ =	shalt  }
0x76: {  	_ =	shalt  }
0x77: {  	_ =	shalt  }
0x78: {  	_ =	shalt  }
0x79: {  	_ =	shalt  }
0x7a: {  	_ =	shalt  }
0x7b: {  	_ =	shalt  }
0x7c: {  	_ =	shalt  }
0x7d: {  	_ =	shalt  }
0x7e: {  	_ =	shalt  }
0x7f: {  	_ =	shalt  }
0x80: {  	_ =	shalt  }
0x81: {  	_ =	shalt  }
0x82: {  	_ =	shalt  }
0x83: {  	_ =	shalt  }
0x84: {  	_ =	shalt  }
0x85: {  	_ =	shalt  }
0x86: {  	_ =	shalt  }
0x87: {  	_ =	shalt  }
.Lfunc_end0:
.L_simem_size_0:
called_computation_lowered:
.L_overlay_start_0:
0x88: {  	s2 =	sld [smem:$0x3FD9]  }
0x89: {  	s3 =	sld [smem:$0x3FFE];
	_ =	sdelay $0x1  }
0x8a: {  	s1 =	srdreg.scid  }
0x8b: {  	s0 =	sand.u32 $0x1, s1  }
0x8c: {  	s17 =	sshll.u32 s0, $0xA;
	s2 =	sadd.s32 s3, s2  }
0x8d: {  	s2 =	sadd.s32 s2, s17  }
0x8e: {  	[smem:$0x3FB3] =	sst s2  }
0x8f: {  	_ = 	snop  }
0x90: {  	s2 =	sld [smem:$0x3FD0];
	(tm) =	ssettm $0x1  }
0x91: {  	s18 =	sld [smem:$0x3FFB];
	_ =	sdelay $0x3  }
0x92: {  	_ =	strace s18  }
0x93: {  	s3 =	sld [smem:$0x3FFC];
	_ =	sdelay $0x3  }
0x94: {  	_ =	strace s3  }
0x95: {  	s3 =	sld [smem:$0x3FFD];
	_ =	sdelay $0x3  }
0x96: {  	_ =	strace s3  }
0x97: {  	_ =	strace $0x8FFFFFFF  }
0x98: {  	s19 =	sld [smem:$0x3FDB];
	_ =	sdelay $0x1  }
0x99: {  	s4 =	simm.s32 $_scs_section_size  }
0x9a: {  	s5 =	simm.s32 $_size__tile_overlayer_lowered;
	s6 =	simm.s32 $_tile_overlayer_lowered  }
0x9b: {  	s22 =	simm.s32 $0x1BFF;
	s21 =	sshll.u32 s6, $0x1;
	s3 =	sadd.s32 s4, s19  }
0x9c: {  	s7 =	simm.s32 $0x0;
	s20 =	sshll.u32 s5, $0x1;
	s5 =	sadd.s32 s21, s3  }
0x9d: {  	[timem:s7], [sflag:s22] =	dma.local [hbm:s5], s20  }
0x9e: {  	_ =	swait.ge [sflag:s22], s20  }
0x9f: {  	s4 =	ssub.s32 $0x0, s20;
	[sflag:s22] =	ssyncset.done $0x0  }
0xa0: {  	[sflag:s22] =	ssyncadd.s32 s4;
	_ =	sdelay $0x1  }
0xa1: {  	s23 =	simm.s32 $0x1B8B  }
0xa2: {  	_ =	swait.ge [sflag:s23], $0x1  }
0xa3: {  	[sflag:s23] =	ssyncset.done $0x0  }
0xa4: {  	s25 =	simm.s32 $0x1B8E;
	s24 =	sld [smem:$0x3FFE];
	[sflag:s23] =	ssyncadd.s32 $0xFFFFFFFF  }
0xa5: {  	s26 =	simm.s32 $execute0_lowered;
	[smem:$0x3FD2] =	sst s25  }
0xa6: {  	s5 =	sshll.u32 s26, $0x1;
	_ =	strace $0x80000046;
	[dreg:$0x1] =	wrdreg $0xFFFFFFFF  }
0xa7: {  	s28 =	simm.s32 $_size_execute0_lowered;
	s3 =	sadd.s32 s3, s5;
	[dreg:$0x0] =	wrdreg $0x0  }
0xa8: {  	s5 =	sshll.u32 s28, $0x1;
	[dreg:$0x2] =	wrdreg s3  }
0xa9: {  	[dreg:$0x3] =	wrdreg s5  }
0xaa: {  	[dreg:$0x4] =	wrdreg $0xC0  }
0xab: {  	_ =	task [dreg:s7], $0x5FFFF  }
0xac: {  	[dreg:$0x1] =	wrdreg $0xFFFFFFFF  }
0xad: {  	[dreg:$0x0] =	wrdreg $0x60  }
0xae: {  	[dreg:$0x2] =	wrdreg s24  }
0xaf: {  	[dreg:$0x3] =	wrdreg s2  }
0xb0: {  	[dreg:$0x4] =	wrdreg $0x68000  }
0xb1: {  	[dreg:$0x5] =	wrdreg $0x9  }
0xb2: {  	_ =	task.clear_ibuf [dreg:s7], $0x6FFFF;
	_ =	strace $0x90000046  }
0xb3: {  	s29 =	simm.s32 $0x9;
	_ =	strace $0x80000048  }
0xb4: {  	_ =	swait.ge [sflag:s29], $0x1  }
0xb5: {  	[sflag:s29] =	ssyncadd.s32 $0xFFFFFFFF  }
0xb6: {  	_ =	strace $0x90000048  }
0xb7: {  	_ =	sfence  }
0xb8: {  	s30 =	sld [smem:$0x0];
	_ =	sdelay $0x2  }
0xb9: {  	s31 =	sshll.u32 s1, $0xD;
	s1 =	sshrl.u32 s1, $0x2  }
0xba: {  	s3 =	sand.u32 $0x4000, s31;
	s1 =	sadd.s32 s1, s30  }
0xbb: {  	s0 =	sor.u32 s3, s0;
	s1 =	sshll.u32 s1, $0x11  }
0xbc: {  	s0 =	sor.u32 s1, s0  }
0xbd: {  	s0 =	sadd.s32 $0x8F2B, s0  }
0xbe: {  	[sflag:s0] =	ssyncadd.remote.s32 $0x1  }
0xbf: {  	_ =	sfence.sel $0xFFFF  }
0xc0: {  	[dreg:$0x0] =	wrdreg $0xFFFFFFFF;
	(pc) =	sbr.abs _section_cstart, $3  }
0xc1: {  	[dreg:$0x1] =	wrdreg $0xFFFFFFFF  }
0xc2: {  	_ =	task.clear_ibuf [dreg:s7], $0x2FFFF;
	_ =	strace $0x9FFFFFFF  }
0xc3: {  	(tm) =	ssettm $0x7FFFFFFF  }
tec
execute0_lowered:
.L_overlay_start_1:
0x0: {  	(tag) =	ssettag $0x1  }
0x1: {  	s5 =	rddreg [dreg:$0x0]  }
0x2: {  	s1 =	srdreg.scid;
	s2 =	rddreg [dreg:$0x1]  }
0x3: {  	s0 =	stileid.u32;
	s3 =	rddreg [dreg:$0x2]  }
0x4: {  	s4 =	simm.s32 $0x0;
	s13 =	simm.s32 $0x80;
	s14 =	simm.s32 $0x2  }
0x5: {  	s16 =	simm.s32 $0x0;
	s6 =	sand.u32 $0x1, s1;
	s8 =	smul.u32 $0x2780, s0  }
0x6: {  	s28 =	sshll.u32 s0, $0x1;
	[smem:$0x7FF] =	sst s4;
	s10 =	smul.u32 $0x4F000, s0  }
0x7: {  	s15 =	sshll.u32 s0, $0x6;
	s1 =	sor.u32 s6, s28;
	s9 =	smul.u32 $0x27800, s6  }
0x8: {  	s6 =	ssub.s32 $0x2, s6;
	s7 =	smul.u32 $0x500, s1;
	s1 =	rddreg [dreg:$0x3]  }
0x9: {  	_ =	strace $0x80000047;
	s11 =	sadd.s32 s8, s5;
	s29 =	sshrl.u32 s6, $0x1  }
0xa: {  	s30 =	sshrl.u32 s10, $0x2;
	s10 =	simm.s32 $0x2800;
	s8 =	sadd.s32 s8, s9  }
0xb: {  	s31 =	ssub.s32 s6, s29;
	s12 =	sadd.s32 s30, s3;
	s6 =	sadd.s32 $0x19000, s11  }
0xc: {  	s9 =	simm.s32 $0x1;
	s11 =	sor.u32 $0x1C01, s15;
	s15 =	sor.u32 $0x1C02, s15  }
0xd: {  	s7 =	sadd.s32 s7, s5;
	s8 =	sadd.s32 s8, s5;
	s12 =	sshrl.u32 s12, $0x3  }
0xe: {  	s5 =	sadd.s32 $0x5000, s7;
	s7 =	sadd.s32 $0x40800, s8;
	s8 =	smax.u32 s31, $0x1  }
.LBB2_1:
0xf: {  	[tilespmem:s4], [sflag:$0x1] =	stream.linear.gather [hbm4b:s5+s4], $0x2800, $0x38;
	[tilespmem:$0x1A400] =	vst v63  }
0x10: {  	_ =	swait.ge [sflag:s9], $0x2800  }
0x11: {  	[sflag:s9] =	ssyncset.done $0x0  }
0x12: {  	[sflag:s9] =	ssyncadd.s32 $0xFFFFD800  }
0x13: {  	[tilespmem:s10], [sflag:$0x1] =	stream.linear.gather [hbm4b:s2+s4], $0x4000, $0x38;
	[tilespmem:$0x1A400] =	vst v63  }
0x14: {  	_ =	swait.ge [sflag:s9], $0x4000  }
0x15: {  	[sflag:s9] =	ssyncset.done $0x0  }
0x16: {  	[sflag:s9] =	ssyncadd.s32 $0xFFFFC000  }
0x17: {  	[spmem:s12], [sflag:s11] =	dma.local [hbm:s6], $0x2780  }
0x18: {  	_ =	swait.ge [sflag:s9], $0x2780  }
0x19: {  	[sflag:s9] =	ssyncset.done $0x0  }
0x1a: {  	[sflag:s9] =	ssyncadd.s32 $0xFFFFD880  }
0x1b: {  	s17 =	simm.s32 $0x0;
	[bflag:$0x0] =	sbarrier.arrive $0xFFFF  }
0x1c: {  	[spmem:s3] =	stream.indirect.scatter.add.f32 [tilespmem:s10], [sflag:$0x2], $0x80, s17, s13, $0xb8;
	[tilespmem:$0x1A400] =	vst v63  }
0x1d: {  	_ =	swait.ge [sflag:s14], $0x4000  }
0x1e: {  	s17 =	simm.s32 $0x200;
	[sflag:s14] =	ssyncset.done $0x0  }
.LBB2_2:
0x1f: {  	s18 =	sshra.s32 s17, $0x2;
	[sflag:s14] =	ssyncadd.s32 $0xFFFFC000;
	p0 =	sne.s32 s17, $0x9E00  }
0x20: {  	[spmem:s3] =	stream.indirect.scatter.add.f32 [tilespmem:s10], [sflag:$0x2], $0x80, s18, s13, $0xb8;
	[tilespmem:$0x1A400] =	vst v63  }
.Ltmp0:
0x21: {  	_ = 	snop;
	(pc) =	sbr.rel @p0 .LBB2_2-.Ltmp0, $4  }
0x22: {  	_ = 	snop  }
0x23: {  	s17 =	sadd.s32 $0x200, s17  }
0x24: {  	_ =	swait.ge [sflag:s14], $0x4000  }
0x25: {  	[sflag:s14] =	ssyncset.done $0x0  }
0x26: {  	s16 =	sadd.s32 $0x1, s16  }
0x27: {  	[sflag:s14] =	ssyncadd.s32 $0xFFFFC000;
	p0 =	sne.s32 s16, s8  }
.Ltmp1:
0x28: {  	[bflag:$0x0] =	sbarrier.arrive $0xFFFF;
	(pc) =	sbr.rel @p0 .LBB2_1-.Ltmp1, $4  }
0x29: {  	[hbm:s7], [sflag:s15] =	dma.local [spmem:s12], $0x2780  }
0x2a: {  	_ =	swait.ge [sflag:s14], $0x2780  }
0x2b: {  	[sflag:s14] =	ssyncset.done $0x0  }
0x2c: {  	[sflag:s14] =	ssyncadd.s32 $0xFFFFD880  }
0x2d: {  	_ =	sfence.sel $0x180000  }
0x2e: {  	[bflag:$0x0] =	sbarrier.arrive $0xFFFF  }
0x2f: {  	p0 =	sne.s32 s0, $0x0;
	_ =	strace $0x90000047  }
0x30: {  	s0 =	sadd.s32 @!p0 $0x100000, s1;
	[bflag:$0x2] =	sbarrier.arrive $0xFFFF  }
0x31: {  	[sflag:s0] =	ssyncadd.tile.s32 @!p0 $0x1;
	_ =	shalt  }
.Lfunc_end2:
_tile_overlayer_lowered:
.L_overlay_start_2:
0x32: {  	(tag) =	ssettag $0x2  }
0x33: {  	s0 =	rddreg [dreg:$0x0];
	s2 =	stileid.u32  }
0x34: {  	s1 =	rddreg [dreg:$0x1];
	p0 =	sne.s32 s2, $0x0  }
0x35: {  	s3 =	rddreg [dreg:$0x2];
	[bflag:$0x3] =	sbarrier.arrive $0xFFFF;
	s2 =	simm.s32 @!p0 $0x1C02  }
0x36: {  	[timem:s3], [sflag:s2] =	dma.local @!p0 [hbm:s0], s1  }
0x37: {  	s0 =	simm.s32 @!p0 $0x2  }
0x38: {  	_ =	swait.ge @!p0 [sflag:s0], s1  }
0x39: {  	s1 =	ssub.s32 @!p0 $0x0, s1;
	[sflag:s0] =	ssyncset.done @!p0 $0x0  }
0x3a: {  	[sflag:s0] =	ssyncadd.s32 @!p0 s1  }
0x3b: {  	[bflag:$0x3] =	sbarrier.arrive $0xFFFF  }
0x3c: {  	_ =	shalt  }

// kernel: kernel.13.cloned.1.call-start
scs
__scs_entry_jumppad:
0x0: {  	(pc) =	sbr.rel $0x88, $3  }
0x1: {  	(tag) =	ssettag $0x0;
	lr =	simm.s32 $0x1  }
0x2: {  	[smem:$0x3F8C] =	sst lr;
	_ =	strace $0xD0000000  }
0x3: {  	_ = 	snop  }
0x4: {  	_ = 	snop  }
0x5: {  	_ = 	snop  }
0x6: {  	_ = 	snop  }
0x7: {  	_ = 	snop  }
__scs_overlays_trampoline_lowered:
0x8: {  	[smem:$0x3F9B] =	sst s0  }
0x9: {  	[smem:$0x3F9C] =	sst s1  }
0xa: {  	[smem:$0x3F9D] =	sst s2  }
0xb: {  	[smem:$0x3F9E] =	sst s3  }
0xc: {  	[smem:$0x3F9F] =	sst s4  }
0xd: {  	[smem:$0x3FA0] =	sst s5  }
0xe: {  	[smem:$0x3FA1] =	sst s6  }
0xf: {  	[smem:$0x3FA2] =	sst s7  }
0x10: {  	[smem:$0x3FA3] =	sst s8  }
0x11: {  	[smem:$0x3FA4] =	sst s9;
	s0 =	simm.s32 @!p0 $0x0  }
0x12: {  	s1 =	sld [smem:$0x3F8A];
	s0 =	simm.s32 @p0 $0x1  }
0x13: {  	[smem:$0x3FA5] =	sst s0;
	s0 =	simm.s32 @!p1 $0x0  }
0x14: {  	s2 =	sld [smem:$0x3F89];
	s0 =	simm.s32 @p1 $0x1  }
0x15: {  	[smem:$0x3FA6] =	sst s0;
	s0 =	simm.s32 @!p2 $0x0  }
0x16: {  	s3 =	sld [smem:$0x3FDB];
	s0 =	simm.s32 @p2 $0x1  }
0x17: {  	s4 =	simm.s32 $0x1BF5;
	[smem:$0x3FA8] =	sst s0  }
0x18: {  	s0 =	sld [smem:$0x3F8B];
	_ =	swait.ge [sflag:s4], $0x0  }
0x19: {  	s7 =	sld [smem:$0x3F8C]  }
0x1a: {  	s8 =	sadd.s32 $0xFFFFE003, lr  }
0x1b: {  	s9 =	sadd.s32 $0xFFFFFEF7, lr;
	s5 =	simm.s32 $0xFFFFFFFF;
	p2 =	slt.u32 s8, $0xFFFFF086  }
0x1c: {  	p1 =	slt.u32 s9, $0xF7A;
	s5 =	simm.s32 @!p2 $0x0  }
0x1d: {  	s5 =	simm.s32 @p1 $0x1;
	p0 =	seq.s32 s7, s2  }
0x1e: {  	s7 =	smul.u32 @!p0 $0xF7A, s2;
	p2 =	seq.s32 @!p0 s5, $0x0  }
0x1f: {  	s9 =	smul.u32 $0xF7A, s1;
	s8 =	simm.s32 @!p0 $0x1BF5;
	p2 =	por !p2, p0  }
0x20: {  	[sflag:s8] =	ssyncset.s32 @!p0 $0xFFFFF086;
	s6 =	sadd.s32 @!p0 s3, s7;
	s7 =	simm.s32 @!p0 $0x108  }
0x21: {  	s3 =	sadd.s32 s3, s9;
	s6 =	sadd.s32 @!p0 $0x88, s6;
	s7 =	simm.s32 @p2 $0x1082  }
0x22: {  	[simem:s7], [sflag:s8] =	dma.local @!p0 [hbm:s6], $0xF7A  }
0x23: {  	s9 =	sor.u32 $0xD0000000, s2;
	s6 =	simm.s32 $0x108;
	_ =	swait.ge @!p0 [sflag:s8], $0x0  }
0x24: {  	s3 =	sadd.s32 $0x88, s3;
	s6 =	simm.s32 @!p1 $0x1082;
	[sflag:s4] =	ssyncset.s32 $0xFFFFF086  }
0x25: {  	[simem:s6], [sflag:s4] =	dma.local [hbm:s3], $0xF7A  }
0x26: {  	[smem:$0x3F8C] =	sst s1;
	(tag) =	ssettag s2;
	_ =	strace s9  }
0x27: {  	s1 =	sld [smem:$0x3F9C]  }
0x28: {  	s2 =	sld [smem:$0x3F9D]  }
0x29: {  	s4 =	sld [smem:$0x3F9F]  }
0x2a: {  	p0 =	seq.s32 s5, $0x0;
	s5 =	sld [smem:$0x3FA0]  }
0x2b: {  	s6 =	sld [smem:$0x3FA1]  }
0x2c: {  	s7 =	sld [smem:$0x3FA2]  }
0x2d: {  	s3 =	simm.s32 $0x108;
	s8 =	sld [smem:$0x3FA3]  }
0x2e: {  	s3 =	simm.s32 @!p0 $0x1082;
	s9 =	sld [smem:$0x3FA4]  }
0x2f: {  	lr =	sadd.s32 s0, s3;
	s0 =	sld [smem:$0x3F9B]  }
0x30: {  	s3 =	sld [smem:$0x3F9E]  }
0x31: {  	[smem:$0x3FA7] =	sst s10  }
0x32: {  	s10 =	sld [smem:$0x3FA5];
	_ =	sdelay $0x3  }
0x33: {  	p0 =	seq.s32 s10, $0x1;
	s10 =	sld [smem:$0x3FA7];
	_ =	sdelay $0x3  }
0x34: {  	[smem:$0x3FA7] =	sst s10  }
0x35: {  	s10 =	sld [smem:$0x3FA6];
	_ =	sdelay $0x3  }
0x36: {  	p1 =	seq.s32 s10, $0x1;
	s10 =	sld [smem:$0x3FA7];
	_ =	sdelay $0x3  }
0x37: {  	[smem:$0x3FA7] =	sst s10  }
0x38: {  	s10 =	sld [smem:$0x3FA8]  }
0x39: {  	_ = 	snop;
	(pc) =	sbr.ind lr, $3  }
0x3a: {  	_ = 	snop  }
0x3b: {  	_ = 	snop  }
0x3c: {  	p2 =	seq.s32 s10, $0x1;
	s10 =	sld [smem:$0x3FA7]  }
0x3d: {  	_ =	shalt  }
0x3e: {  	_ =	shalt  }
0x3f: {  	_ =	shalt  }
0x40: {  	_ =	shalt  }
0x41: {  	_ =	shalt  }
0x42: {  	_ =	shalt  }
0x43: {  	_ =	shalt  }
0x44: {  	_ =	shalt  }
0x45: {  	_ =	shalt  }
0x46: {  	_ =	shalt  }
0x47: {  	_ =	shalt  }
0x48: {  	_ =	shalt  }
0x49: {  	_ =	shalt  }
0x4a: {  	_ =	shalt  }
0x4b: {  	_ =	shalt  }
0x4c: {  	_ =	shalt  }
0x4d: {  	_ =	shalt  }
0x4e: {  	_ =	shalt  }
0x4f: {  	_ =	shalt  }
0x50: {  	_ =	shalt  }
0x51: {  	_ =	shalt  }
0x52: {  	_ =	shalt  }
0x53: {  	_ =	shalt  }
0x54: {  	_ =	shalt  }
0x55: {  	_ =	shalt  }
0x56: {  	_ =	shalt  }
0x57: {  	_ =	shalt  }
0x58: {  	_ =	shalt  }
0x59: {  	_ =	shalt  }
0x5a: {  	_ =	shalt  }
0x5b: {  	_ =	shalt  }
0x5c: {  	_ =	shalt  }
0x5d: {  	_ =	shalt  }
0x5e: {  	_ =	shalt  }
0x5f: {  	_ =	shalt  }
0x60: {  	_ =	shalt  }
0x61: {  	_ =	shalt  }
0x62: {  	_ =	shalt  }
0x63: {  	_ =	shalt  }
0x64: {  	_ =	shalt  }
0x65: {  	_ =	shalt  }
0x66: {  	_ =	shalt  }
0x67: {  	_ =	shalt  }
0x68: {  	_ =	shalt  }
0x69: {  	_ =	shalt  }
0x6a: {  	_ =	shalt  }
0x6b: {  	_ =	shalt  }
0x6c: {  	_ =	shalt  }
0x6d: {  	_ =	shalt  }
0x6e: {  	_ =	shalt  }
0x6f: {  	_ =	shalt  }
0x70: {  	_ =	shalt  }
0x71: {  	_ =	shalt  }
0x72: {  	_ =	shalt  }
0x73: {  	_ =	shalt  }
0x74: {  	_ =	shalt  }
0x75: {  	_ =	shalt  }
0x76: {  	_ =	shalt  }
0x77: {  	_ =	shalt  }
0x78: {  	_ =	shalt  }
0x79: {  	_ =	shalt  }
0x7a: {  	_ =	shalt  }
0x7b: {  	_ =	shalt  }
0x7c: {  	_ =	shalt  }
0x7d: {  	_ =	shalt  }
0x7e: {  	_ =	shalt  }
0x7f: {  	_ =	shalt  }
0x80: {  	_ =	shalt  }
0x81: {  	_ =	shalt  }
0x82: {  	_ =	shalt  }
0x83: {  	_ =	shalt  }
0x84: {  	_ =	shalt  }
0x85: {  	_ =	shalt  }
0x86: {  	_ =	shalt  }
0x87: {  	_ =	shalt  }
.Lfunc_end0:
.L_simem_size_0:
called_computation.1_lowered:
.L_overlay_start_0:
0x88: {  	s2 =	sld [smem:$0x3FD9]  }
0x89: {  	s3 =	sld [smem:$0x3FFE];
	_ =	sdelay $0x1  }
0x8a: {  	s1 =	srdreg.scid  }
0x8b: {  	s0 =	sand.u32 $0x1, s1  }
0x8c: {  	s17 =	sshll.u32 s0, $0xA;
	s2 =	sadd.s32 s3, s2  }
0x8d: {  	s2 =	sadd.s32 s2, s17  }
0x8e: {  	[smem:$0x3FB3] =	sst s2  }
0x8f: {  	_ = 	snop  }
0x90: {  	(tm) =	ssettm $0x1  }
0x91: {  	s18 =	sld [smem:$0x3FFB];
	_ =	sdelay $0x3  }
0x92: {  	_ =	strace s18  }
0x93: {  	s2 =	sld [smem:$0x3FFC];
	_ =	sdelay $0x3  }
0x94: {  	_ =	strace s2  }
0x95: {  	s2 =	sld [smem:$0x3FFD];
	_ =	sdelay $0x3  }
0x96: {  	_ =	strace s2  }
0x97: {  	_ =	strace $0x8FFFFFFF  }
0x98: {  	s19 =	sld [smem:$0x3FDB];
	_ =	sdelay $0x1  }
0x99: {  	s20 =	simm.s32 $_scs_section_size  }
0x9a: {  	s4 =	simm.s32 $_size__tile_overlayer_lowered;
	s5 =	simm.s32 $_tile_overlayer_lowered  }
0x9b: {  	s6 =	simm.s32 $0x1BFF;
	s21 =	sshll.u32 s5, $0x1;
	s3 =	sadd.s32 s20, s19  }
0x9c: {  	s22 =	simm.s32 $0x0;
	s4 =	sshll.u32 s4, $0x1;
	s5 =	sadd.s32 s21, s3  }
0x9d: {  	[timem:s22], [sflag:s6] =	dma.local [hbm:s5], s4  }
0x9e: {  	_ =	swait.ge [sflag:s6], s4  }
0x9f: {  	s4 =	ssub.s32 $0x0, s4;
	[sflag:s6] =	ssyncset.done $0x0  }
0xa0: {  	[sflag:s6] =	ssyncadd.s32 s4;
	_ =	sdelay $0x1  }
0xa1: {  	s23 =	simm.s32 $0x1B8B  }
0xa2: {  	_ =	swait.ge [sflag:s23], $0x1  }
0xa3: {  	[sflag:s23] =	ssyncset.done $0x0  }
0xa4: {  	[sflag:s23] =	ssyncadd.s32 $0xFFFFFFFF  }
0xa5: {  	s4 =	sld [smem:$0x0]  }
0xa6: {  	s5 =	sand.u32 $0xFFFFFFFE, s1  }
0xa7: {  	p0 =	sne.s32 s1, s5  }
0xa8: {  	s5 =	sshll.u32 @p0 s5, $0xE  }
0xa9: {  	s5 =	sadd.s32 @p0 $0x11B8D, s5;
	s6 =	sshll.u32 @p0 s4, $0x11  }
0xaa: {  	s5 =	sor.u32 @p0 s6, s5  }
0xab: {  	[sflag:s5] =	ssyncadd.remote.s32 @p0 $0x1;
	_ =	sdelay $0x1  }
0xac: {  	s5 =	simm.s32 @p0 $0x1B8D  }
0xad: {  	_ =	swait.eq @p0 [sflag:s5], $0x1  }
0xae: {  	[sflag:s5] =	ssyncadd.s32 @p0 $0xFFFFFFFF  }
0xaf: {  	s6 =	sshll.u32 @!p0 s1, $0xE  }
0xb0: {  	s6 =	sor.u32 @!p0 $0x4000, s6;
	s5 =	simm.s32 @!p0 $0x1B8D  }
0xb1: {  	s4 =	sshll.u32 @!p0 s4, $0x11;
	s6 =	sadd.s32 @!p0 $0x11B8D, s6;
	_ =	swait.eq @!p0 [sflag:s5], $0x1  }
0xb2: {  	s4 =	sor.u32 @!p0 s4, s6;
	[sflag:s5] =	ssyncadd.s32 @!p0 $0xFFFFFFFF  }
0xb3: {  	s25 =	simm.s32 $0x1B8E;
	s24 =	sld [smem:$0x3FFE];
	[sflag:s4] =	ssyncadd.remote.s32 @!p0 $0x1  }
0xb4: {  	s26 =	simm.s32 $execute0_lowered;
	[smem:$0x3FD2] =	sst s25  }
0xb5: {  	s5 =	sshll.u32 s26, $0x1;
	_ =	strace $0x80000049;
	[dreg:$0x1] =	wrdreg $0xFFFFFFFF  }
0xb6: {  	s28 =	simm.s32 $_size_execute0_lowered;
	s3 =	sadd.s32 s3, s5;
	[dreg:$0x0] =	wrdreg $0x0  }
0xb7: {  	s5 =	sshll.u32 s28, $0x1;
	[dreg:$0x2] =	wrdreg s3  }
0xb8: {  	[dreg:$0x3] =	wrdreg s5  }
0xb9: {  	[dreg:$0x4] =	wrdreg $0xC0  }
0xba: {  	_ =	task [dreg:s22], $0x5FFFF  }
0xbb: {  	[dreg:$0x1] =	wrdreg $0xFFFFFFFF  }
0xbc: {  	[dreg:$0x0] =	wrdreg $0x60  }
0xbd: {  	[dreg:$0x2] =	wrdreg s24  }
0xbe: {  	[dreg:$0x3] =	wrdreg $0x84000  }
0xbf: {  	[dreg:$0x4] =	wrdreg $0xA  }
0xc0: {  	_ =	task.clear_ibuf [dreg:s22], $0x5FFFF;
	_ =	strace $0x90000049  }
0xc1: {  	s29 =	simm.s32 $0xA;
	_ =	strace $0x8000004B  }
0xc2: {  	_ =	swait.ge [sflag:s29], $0x1  }
0xc3: {  	[sflag:s29] =	ssyncadd.s32 $0xFFFFFFFF  }
0xc4: {  	_ =	strace $0x9000004B  }
0xc5: {  	_ =	sfence  }
0xc6: {  	s30 =	sld [smem:$0x0];
	_ =	sdelay $0x2  }
0xc7: {  	s31 =	sshll.u32 s1, $0xD;
	s1 =	sshrl.u32 s1, $0x2  }
0xc8: {  	s4 =	sand.u32 $0x4000, s31;
	s1 =	sadd.s32 s1, s30  }
0xc9: {  	s0 =	sor.u32 s4, s0;
	s1 =	sshll.u32 s1, $0x11  }
0xca: {  	s0 =	sor.u32 s1, s0  }
0xcb: {  	s0 =	sadd.s32 $0x8F2B, s0  }
0xcc: {  	[sflag:s0] =	ssyncadd.remote.s32 $0x1  }
0xcd: {  	_ =	sfence.sel $0xFFFF  }
0xce: {  	[dreg:$0x0] =	wrdreg $0xFFFFFFFF;
	(pc) =	sbr.abs _section_cstart, $3  }
0xcf: {  	[dreg:$0x1] =	wrdreg $0xFFFFFFFF  }
0xd0: {  	_ =	task.clear_ibuf [dreg:s22], $0x2FFFF;
	_ =	strace $0x9FFFFFFF  }
0xd1: {  	(tm) =	ssettm $0x7FFFFFFF  }
tec
execute0_lowered:
.L_overlay_start_1:
0x0: {  	(tag) =	ssettag $0x1  }
0x1: {  	s0 =	rddreg [dreg:$0x0]  }
0x2: {  	s2 =	rddreg [dreg:$0x1];
	s3 =	simm.s32 $0x0;
	s4 =	srdreg.scid  }
0x3: {  	s1 =	stileid.u32;
	s13 =	simm.s32 $0x5;
	s15 =	simm.s32 $0x80  }
0x4: {  	s16 =	simm.s32 $0x400;
	s17 =	simm.s32 $0x4400;
	s18 =	simm.s32 $0x1  }
0x5: {  	s19 =	simm.s32 $0x2;
	s20 =	simm.s32 $0x280;
	s21 =	simm.s32 $0x3  }
0x6: {  	s22 =	simm.s32 $0x100;
	s23 =	simm.s32 $0x4;
	s24 =	simm.s32 $0x180  }
0x7: {  	s25 =	simm.s32 $0x300;
	s14 =	sand.u32 $0x1, s4;
	s4 =	smul.u32 $0x9C, s1  }
0x8: {  	s28 =	simm.s32 $0x6;
	s29 =	simm.s32 $0x0;
	s6 =	smul.u32 $0x2780, s1  }
0x9: {  	s5 =	sshll.u32 s1, $0x2;
	[smem:$0x7FF] =	sst s3;
	s26 =	smul.u32 $0x4F000, s1  }
0xa: {  	p0 =	seq.s32 s14, $0x0;
	s5 =	sor.u32 $0x9C0, s5;
	_ =	strace $0x8000004A  }
0xb: {  	s7 =	smul.u32 $0x27800, s14;
	s30 =	ssub.s32 $0x2, s14;
	s5 =	smov.u32 @p0 s4  }
0xc: {  	s4 =	sadd.s32 $0x8F800, s0;
	s8 =	sadd.s32 s6, s0;
	s31 =	sshrl.u32 s30, $0x1  }
0xd: {  	p0 =	sne.s32 s14, $0x0;
	s14 =	simm.s32 $0x200;
	s5 =	sshll.u32 s5, $0x4  }
0xe: {  	s6 =	sadd.s32 s6, s7;
	s9 =	ssub.s32 s30, s31;
	s11 =	sadd.s32 s5, s0  }
0xf: {  	s0 =	sadd.s32 s6, s0;
	s5 =	sshrl.u32 s26, $0x2;
	s6 =	sadd.s32 $0x19000, s8  }
0x10: {  	s9 =	smax.u32 s9, $0x1;
	s26 =	simm.s32 $0x380;
	s12 =	sadd.s32 s5, s2  }
0x11: {  	s5 =	sshll.u32 s1, $0x6;
	s8 =	sadd.s32 $0xC0A00, s0;
	s10 =	sadd.s32 $0xF000, s11  }
0x12: {  	s11 =	sadd.s32 $0xB6A00, s11;
	s7 =	sor.u32 $0x1C05, s5;
	s12 =	sshrl.u32 s12, $0x3  }
.LBB2_1:
0x13: {  	[spmem:s12], [sflag:s7] =	dma.local [hbm:s6], $0x2780  }
0x14: {  	_ =	swait.ge [sflag:s13], $0x2780  }
0x15: {  	[sflag:s13] =	ssyncset.done $0x0  }
0x16: {  	s30 =	smov.u32 s11;
	[sflag:s13] =	ssyncadd.s32 $0xFFFFD880  }
0x17: {  	s31 =	smov.u32 s10;
	s0 =	simm.s32 $0x0;
	[bflag:$0x0] =	sbarrier.arrive $0xFFFF  }
.LBB2_2:
0x18: {  	[tilespmem:s3], [sflag:$0x5] =	stream.linear.gather [hbm4b:s30+s3], $0x200, $0x38;
	[tilespmem:$0x1C000] =	vst v63  }
0x19: {  	_ = 	snop  }
0x1a: {  	[tilespmem:s14], [sflag:$0x5] =	stream.linear.gather [hbm4b:s31+s3], $0x200, $0x38;
	[tilespmem:$0x1C000] =	vst v63  }
0x1b: {  	_ =	swait.ge [sflag:s13], $0x200  }
0x1c: {  	[sflag:s13] =	ssyncset.done $0x0  }
0x1d: {  	[sflag:s13] =	ssyncadd.s32 $0xFFFFFE00  }
0x1e: {  	_ =	swait.ge [sflag:s13], $0x200  }
0x1f: {  	[sflag:s13] =	ssyncset.done $0x0  }
0x20: {  	[sflag:s13] =	ssyncadd.s32 $0xFFFFFE00  }
0x21: {  	[tilespmem:s16], [sflag:$0x1] =	stream.indirect.gather [hbm4b:s4+s15], $0x80, s3, s15, $0xb8;
	[tilespmem:$0x1C000] =	vst v63  }
0x22: {  	_ = 	snop  }
0x23: {  	[tilespmem:s17], [sflag:$0x2] =	stream.indirect.gather [hbm4b:s4+s15], $0x80, s15, s15, $0xb8;
	[tilespmem:$0x1C000] =	vst v63  }
0x24: {  	_ =	swait.ge [sflag:s18], $0x4000  }
0x25: {  	[sflag:s18] =	ssyncset.done $0x0  }
0x26: {  	[sflag:s18] =	ssyncadd.s32 $0xFFFFC000  }
0x27: {  	[spmem:s2] =	stream.indirect.scatter.add.f32 [tilespmem:s16], [sflag:$0x3], $0x80, s14, s15, $0xb8;
	[tilespmem:$0x1C000] =	vst v63  }
0x28: {  	_ =	swait.ge [sflag:s19], $0x4000  }
0x29: {  	[sflag:s19] =	ssyncset.done $0x0  }
0x2a: {  	[sflag:s19] =	ssyncadd.s32 $0xFFFFC000  }
0x2b: {  	[spmem:s2] =	stream.indirect.scatter.add.f32 [tilespmem:s17], [sflag:$0x4], $0x80, s20, s15, $0xb8;
	[tilespmem:$0x1C000] =	vst v63  }
0x2c: {  	_ =	swait.ge [sflag:s21], $0x4000  }
0x2d: {  	[sflag:s21] =	ssyncset.done $0x0  }
0x2e: {  	[sflag:s21] =	ssyncadd.s32 $0xFFFFC000  }
0x2f: {  	[tilespmem:s16], [sflag:$0x1] =	stream.indirect.gather [hbm4b:s4+s15], $0x80, s22, s15, $0xb8;
	[tilespmem:$0x1C000] =	vst v63  }
0x30: {  	_ =	swait.ge [sflag:s23], $0x4000  }
0x31: {  	[sflag:s23] =	ssyncset.done $0x0  }
0x32: {  	[sflag:s23] =	ssyncadd.s32 $0xFFFFC000  }
0x33: {  	[tilespmem:s17], [sflag:$0x2] =	stream.indirect.gather [hbm4b:s4+s15], $0x80, s24, s15, $0xb8;
	[tilespmem:$0x1C000] =	vst v63  }
0x34: {  	_ =	swait.ge [sflag:s18], $0x4000  }
0x35: {  	[sflag:s18] =	ssyncset.done $0x0  }
0x36: {  	[sflag:s18] =	ssyncadd.s32 $0xFFFFC000  }
0x37: {  	[spmem:s2] =	stream.indirect.scatter.add.f32 [tilespmem:s16], [sflag:$0x3], $0x80, s25, s15, $0xb8;
	[tilespmem:$0x1C000] =	vst v63  }
0x38: {  	_ =	swait.ge [sflag:s19], $0x4000  }
0x39: {  	[sflag:s19] =	ssyncset.done $0x0  }
0x3a: {  	p1 =	slt.u32 @!p0 s0, $0x26;
	[sflag:s19] =	ssyncadd.s32 $0xFFFFC000  }
0x3b: {  	[spmem:s2] =	stream.indirect.scatter.add.f32 [tilespmem:s17], [sflag:$0x4], $0x80, s26, s15, $0xb8;
	[tilespmem:$0x1C000] =	vst v63  }
0x3c: {  	p1 =	por p0, !p1;
	_ =	swait.ge [sflag:s21], $0x4000  }
.Ltmp0:
0x3d: {  	[sflag:s21] =	ssyncset.done $0x0;
	(pc) =	sbr.rel @!p1 .LBB2_2-.Ltmp0, $4  }
0x3e: {  	[sflag:s21] =	ssyncadd.s32 $0xFFFFC000  }
0x3f: {  	_ =	swait.ge [sflag:s23], $0x4000  }
0x40: {  	s0 =	sadd.s32 $0x1, s0;
	[sflag:s23] =	ssyncset.done $0x0  }
0x41: {  	s30 =	sadd.s32 $0x40, s30;
	s31 =	sadd.s32 $0x40, s31;
	[sflag:s23] =	ssyncadd.s32 $0xFFFFC000  }
0x42: {  	s29 =	sadd.s32 $0x1, s29  }
0x43: {  	p1 =	sne.s32 s29, s9  }
.Ltmp1:
0x44: {  	[bflag:$0x0] =	sbarrier.arrive $0xFFFF;
	s0 =	sor.u32 $0x1C06, s5;
	(pc) =	sbr.rel @p1 .LBB2_1-.Ltmp1, $4  }
0x45: {  	[hbm:s8], [sflag:s0] =	dma.local [spmem:s12], $0x2780  }
0x46: {  	_ =	swait.ge [sflag:s28], $0x2780  }
0x47: {  	[sflag:s28] =	ssyncset.done $0x0  }
0x48: {  	[sflag:s28] =	ssyncadd.s32 $0xFFFFD880  }
0x49: {  	_ =	sfence.sel $0x180000  }
0x4a: {  	[bflag:$0x0] =	sbarrier.arrive $0xFFFF  }
0x4b: {  	_ =	strace $0x9000004A  }
0x4c: {  	[bflag:$0x2] =	sbarrier.arrive $0xFFFF  }
0x4d: {  	p0 =	sne.s32 s1, $0x0;
	s0 =	rddreg [dreg:$0x2]  }
0x4e: {  	s0 =	sadd.s32 @!p0 $0x100000, s0  }
0x4f: {  	[sflag:s0] =	ssyncadd.tile.s32 @!p0 $0x1;
	_ =	shalt  }
.Lfunc_end2:
_tile_overlayer_lowered:
.L_overlay_start_2:
0x50: {  	(tag) =	ssettag $0x2  }
0x51: {  	s0 =	rddreg [dreg:$0x0];
	s2 =	stileid.u32  }
0x52: {  	s1 =	rddreg [dreg:$0x1];
	p0 =	sne.s32 s2, $0x0  }
0x53: {  	s3 =	rddreg [dreg:$0x2];
	[bflag:$0x3] =	sbarrier.arrive $0xFFFF;
	s2 =	simm.s32 @!p0 $0x1C06  }
0x54: {  	[timem:s3], [sflag:s2] =	dma.local @!p0 [hbm:s0], s1  }
0x55: {  	s0 =	simm.s32 @!p0 $0x6  }
0x56: {  	_ =	swait.ge @!p0 [sflag:s0], s1  }
0x57: {  	s1 =	ssub.s32 @!p0 $0x0, s1;
	[sflag:s0] =	ssyncset.done @!p0 $0x0  }
0x58: {  	[sflag:s0] =	ssyncadd.s32 @!p0 s1  }
0x59: {  	[bflag:$0x3] =	sbarrier.arrive $0xFFFF  }
0x5a: {  	_ =	shalt  }

// kernel: kernel.16.cloned.1.call-start
scs
__scs_entry_jumppad:
0x0: {  	(pc) =	sbr.rel $0x88, $3  }
0x1: {  	(tag) =	ssettag $0x0;
	lr =	simm.s32 $0x1  }
0x2: {  	[smem:$0x3F8C] =	sst lr;
	_ =	strace $0xD0000000  }
0x3: {  	_ = 	snop  }
0x4: {  	_ = 	snop  }
0x5: {  	_ = 	snop  }
0x6: {  	_ = 	snop  }
0x7: {  	_ = 	snop  }
__scs_overlays_trampoline_lowered:
0x8: {  	[smem:$0x3F9B] =	sst s0  }
0x9: {  	[smem:$0x3F9C] =	sst s1  }
0xa: {  	[smem:$0x3F9D] =	sst s2  }
0xb: {  	[smem:$0x3F9E] =	sst s3  }
0xc: {  	[smem:$0x3F9F] =	sst s4  }
0xd: {  	[smem:$0x3FA0] =	sst s5  }
0xe: {  	[smem:$0x3FA1] =	sst s6  }
0xf: {  	[smem:$0x3FA2] =	sst s7  }
0x10: {  	[smem:$0x3FA3] =	sst s8  }
0x11: {  	[smem:$0x3FA4] =	sst s9;
	s0 =	simm.s32 @!p0 $0x0  }
0x12: {  	s1 =	sld [smem:$0x3F8A];
	s0 =	simm.s32 @p0 $0x1  }
0x13: {  	[smem:$0x3FA5] =	sst s0;
	s0 =	simm.s32 @!p1 $0x0  }
0x14: {  	s2 =	sld [smem:$0x3F89];
	s0 =	simm.s32 @p1 $0x1  }
0x15: {  	[smem:$0x3FA6] =	sst s0;
	s0 =	simm.s32 @!p2 $0x0  }
0x16: {  	s3 =	sld [smem:$0x3FDB];
	s0 =	simm.s32 @p2 $0x1  }
0x17: {  	s4 =	simm.s32 $0x1BF5;
	[smem:$0x3FA8] =	sst s0  }
0x18: {  	s0 =	sld [smem:$0x3F8B];
	_ =	swait.ge [sflag:s4], $0x0  }
0x19: {  	s7 =	sld [smem:$0x3F8C]  }
0x1a: {  	s8 =	sadd.s32 $0xFFFFE003, lr  }
0x1b: {  	s9 =	sadd.s32 $0xFFFFFEF7, lr;
	s5 =	simm.s32 $0xFFFFFFFF;
	p2 =	slt.u32 s8, $0xFFFFF086  }
0x1c: {  	p1 =	slt.u32 s9, $0xF7A;
	s5 =	simm.s32 @!p2 $0x0  }
0x1d: {  	s5 =	simm.s32 @p1 $0x1;
	p0 =	seq.s32 s7, s2  }
0x1e: {  	s7 =	smul.u32 @!p0 $0xF7A, s2;
	p2 =	seq.s32 @!p0 s5, $0x0  }
0x1f: {  	s9 =	smul.u32 $0xF7A, s1;
	s8 =	simm.s32 @!p0 $0x1BF5;
	p2 =	por !p2, p0  }
0x20: {  	[sflag:s8] =	ssyncset.s32 @!p0 $0xFFFFF086;
	s6 =	sadd.s32 @!p0 s3, s7;
	s7 =	simm.s32 @!p0 $0x108  }
0x21: {  	s3 =	sadd.s32 s3, s9;
	s6 =	sadd.s32 @!p0 $0x88, s6;
	s7 =	simm.s32 @p2 $0x1082  }
0x22: {  	[simem:s7], [sflag:s8] =	dma.local @!p0 [hbm:s6], $0xF7A  }
0x23: {  	s9 =	sor.u32 $0xD0000000, s2;
	s6 =	simm.s32 $0x108;
	_ =	swait.ge @!p0 [sflag:s8], $0x0  }
0x24: {  	s3 =	sadd.s32 $0x88, s3;
	s6 =	simm.s32 @!p1 $0x1082;
	[sflag:s4] =	ssyncset.s32 $0xFFFFF086  }
0x25: {  	[simem:s6], [sflag:s4] =	dma.local [hbm:s3], $0xF7A  }
0x26: {  	[smem:$0x3F8C] =	sst s1;
	(tag) =	ssettag s2;
	_ =	strace s9  }
0x27: {  	s1 =	sld [smem:$0x3F9C]  }
0x28: {  	s2 =	sld [smem:$0x3F9D]  }
0x29: {  	s4 =	sld [smem:$0x3F9F]  }
0x2a: {  	p0 =	seq.s32 s5, $0x0;
	s5 =	sld [smem:$0x3FA0]  }
0x2b: {  	s6 =	sld [smem:$0x3FA1]  }
0x2c: {  	s7 =	sld [smem:$0x3FA2]  }
0x2d: {  	s3 =	simm.s32 $0x108;
	s8 =	sld [smem:$0x3FA3]  }
0x2e: {  	s3 =	simm.s32 @!p0 $0x1082;
	s9 =	sld [smem:$0x3FA4]  }
0x2f: {  	lr =	sadd.s32 s0, s3;
	s0 =	sld [smem:$0x3F9B]  }
0x30: {  	s3 =	sld [smem:$0x3F9E]  }
0x31: {  	[smem:$0x3FA7] =	sst s10  }
0x32: {  	s10 =	sld [smem:$0x3FA5];
	_ =	sdelay $0x3  }
0x33: {  	p0 =	seq.s32 s10, $0x1;
	s10 =	sld [smem:$0x3FA7];
	_ =	sdelay $0x3  }
0x34: {  	[smem:$0x3FA7] =	sst s10  }
0x35: {  	s10 =	sld [smem:$0x3FA6];
	_ =	sdelay $0x3  }
0x36: {  	p1 =	seq.s32 s10, $0x1;
	s10 =	sld [smem:$0x3FA7];
	_ =	sdelay $0x3  }
0x37: {  	[smem:$0x3FA7] =	sst s10  }
0x38: {  	s10 =	sld [smem:$0x3FA8]  }
0x39: {  	_ = 	snop;
	(pc) =	sbr.ind lr, $3  }
0x3a: {  	_ = 	snop  }
0x3b: {  	_ = 	snop  }
0x3c: {  	p2 =	seq.s32 s10, $0x1;
	s10 =	sld [smem:$0x3FA7]  }
0x3d: {  	_ =	shalt  }
0x3e: {  	_ =	shalt  }
0x3f: {  	_ =	shalt  }
0x40: {  	_ =	shalt  }
0x41: {  	_ =	shalt  }
0x42: {  	_ =	shalt  }
0x43: {  	_ =	shalt  }
0x44: {  	_ =	shalt  }
0x45: {  	_ =	shalt  }
0x46: {  	_ =	shalt  }
0x47: {  	_ =	shalt  }
0x48: {  	_ =	shalt  }
0x49: {  	_ =	shalt  }
0x4a: {  	_ =	shalt  }
0x4b: {  	_ =	shalt  }
0x4c: {  	_ =	shalt  }
0x4d: {  	_ =	shalt  }
0x4e: {  	_ =	shalt  }
0x4f: {  	_ =	shalt  }
0x50: {  	_ =	shalt  }
0x51: {  	_ =	shalt  }
0x52: {  	_ =	shalt  }
0x53: {  	_ =	shalt  }
0x54: {  	_ =	shalt  }
0x55: {  	_ =	shalt  }
0x56: {  	_ =	shalt  }
0x57: {  	_ =	shalt  }
0x58: {  	_ =	shalt  }
0x59: {  	_ =	shalt  }
0x5a: {  	_ =	shalt  }
0x5b: {  	_ =	shalt  }
0x5c: {  	_ =	shalt  }
0x5d: {  	_ =	shalt  }
0x5e: {  	_ =	shalt  }
0x5f: {  	_ =	shalt  }
0x60: {  	_ =	shalt  }
0x61: {  	_ =	shalt  }
0x62: {  	_ =	shalt  }
0x63: {  	_ =	shalt  }
0x64: {  	_ =	shalt  }
0x65: {  	_ =	shalt  }
0x66: {  	_ =	shalt  }
0x67: {  	_ =	shalt  }
0x68: {  	_ =	shalt  }
0x69: {  	_ =	shalt  }
0x6a: {  	_ =	shalt  }
0x6b: {  	_ =	shalt  }
0x6c: {  	_ =	shalt  }
0x6d: {  	_ =	shalt  }
0x6e: {  	_ =	shalt  }
0x6f: {  	_ =	shalt  }
0x70: {  	_ =	shalt  }
0x71: {  	_ =	shalt  }
0x72: {  	_ =	shalt  }
0x73: {  	_ =	shalt  }
0x74: {  	_ =	shalt  }
0x75: {  	_ =	shalt  }
0x76: {  	_ =	shalt  }
0x77: {  	_ =	shalt  }
0x78: {  	_ =	shalt  }
0x79: {  	_ =	shalt  }
0x7a: {  	_ =	shalt  }
0x7b: {  	_ =	shalt  }
0x7c: {  	_ =	shalt  }
0x7d: {  	_ =	shalt  }
0x7e: {  	_ =	shalt  }
0x7f: {  	_ =	shalt  }
0x80: {  	_ =	shalt  }
0x81: {  	_ =	shalt  }
0x82: {  	_ =	shalt  }
0x83: {  	_ =	shalt  }
0x84: {  	_ =	shalt  }
0x85: {  	_ =	shalt  }
0x86: {  	_ =	shalt  }
0x87: {  	_ =	shalt  }
.Lfunc_end0:
.L_simem_size_0:
called_computation.2_lowered:
.L_overlay_start_0:
0x88: {  	s2 =	sld [smem:$0x3FD9]  }
0x89: {  	s3 =	sld [smem:$0x3FFE];
	_ =	sdelay $0x1  }
0x8a: {  	s1 =	srdreg.scid  }
0x8b: {  	s0 =	sand.u32 $0x1, s1  }
0x8c: {  	s16 =	sshll.u32 s0, $0xA;
	s2 =	sadd.s32 s3, s2  }
0x8d: {  	s2 =	sadd.s32 s2, s16  }
0x8e: {  	[smem:$0x3FB3] =	sst s2  }
0x8f: {  	_ = 	snop  }
0x90: {  	(tm) =	ssettm $0x1  }
0x91: {  	s17 =	sld [smem:$0x3FFB];
	_ =	sdelay $0x3  }
0x92: {  	_ =	strace s17  }
0x93: {  	s2 =	sld [smem:$0x3FFC];
	_ =	sdelay $0x3  }
0x94: {  	_ =	strace s2  }
0x95: {  	s2 =	sld [smem:$0x3FFD];
	_ =	sdelay $0x3  }
0x96: {  	_ =	strace s2  }
0x97: {  	_ =	strace $0x8FFFFFFF  }
0x98: {  	s18 =	sld [smem:$0x3FDB];
	_ =	sdelay $0x1  }
0x99: {  	s19 =	simm.s32 $_scs_section_size  }
0x9a: {  	s4 =	simm.s32 $_size__tile_overlayer_lowered;
	s5 =	simm.s32 $_tile_overlayer_lowered  }
0x9b: {  	s22 =	simm.s32 $0x1BFF;
	s21 =	sshll.u32 s5, $0x1;
	s2 =	sadd.s32 s19, s18  }
0x9c: {  	s6 =	simm.s32 $0x0;
	s20 =	sshll.u32 s4, $0x1;
	s4 =	sadd.s32 s21, s2  }
0x9d: {  	[timem:s6], [sflag:s22] =	dma.local [hbm:s4], s20  }
0x9e: {  	_ =	swait.ge [sflag:s22], s20  }
0x9f: {  	s3 =	ssub.s32 $0x0, s20;
	[sflag:s22] =	ssyncset.done $0x0  }
0xa0: {  	[sflag:s22] =	ssyncadd.s32 s3;
	_ =	sdelay $0x1  }
0xa1: {  	s23 =	simm.s32 $0x1B8B  }
0xa2: {  	_ =	swait.ge [sflag:s23], $0x1  }
0xa3: {  	[sflag:s23] =	ssyncset.done $0x0  }
0xa4: {  	s25 =	simm.s32 $0x1B8E;
	s24 =	sld [smem:$0x3FFE];
	[sflag:s23] =	ssyncadd.s32 $0xFFFFFFFF  }
0xa5: {  	s26 =	simm.s32 $execute0_lowered;
	[smem:$0x3FD2] =	sst s25  }
0xa6: {  	s4 =	sshll.u32 s26, $0x1;
	_ =	strace $0x8000004C;
	[dreg:$0x1] =	wrdreg $0xFFFFFFFF  }
0xa7: {  	s28 =	simm.s32 $_size_execute0_lowered;
	s2 =	sadd.s32 s2, s4;
	[dreg:$0x0] =	wrdreg $0x0  }
0xa8: {  	s4 =	sshll.u32 s28, $0x1;
	[dreg:$0x2] =	wrdreg s2  }
0xa9: {  	[dreg:$0x3] =	wrdreg s4  }
0xaa: {  	[dreg:$0x4] =	wrdreg $0xC0  }
0xab: {  	_ =	task [dreg:s6], $0x5FFFF  }
0xac: {  	[dreg:$0x1] =	wrdreg $0xFFFFFFFF  }
0xad: {  	[dreg:$0x0] =	wrdreg $0x60  }
0xae: {  	[dreg:$0x2] =	wrdreg s24  }
0xaf: {  	[dreg:$0x3] =	wrdreg $0x84000  }
0xb0: {  	[dreg:$0x4] =	wrdreg $0x9  }
0xb1: {  	_ =	task.clear_ibuf [dreg:s6], $0x5FFFF;
	_ =	strace $0x9000004C  }
0xb2: {  	s29 =	simm.s32 $0x9;
	_ =	strace $0x8000004E  }
0xb3: {  	_ =	swait.ge [sflag:s29], $0x1  }
0xb4: {  	[sflag:s29] =	ssyncadd.s32 $0xFFFFFFFF  }
0xb5: {  	_ =	strace $0x9000004E  }
0xb6: {  	_ =	sfence  }
0xb7: {  	s30 =	sld [smem:$0x0];
	_ =	sdelay $0x2  }
0xb8: {  	s31 =	sshll.u32 s1, $0xD;
	s1 =	sshrl.u32 s1, $0x2  }
0xb9: {  	s3 =	sand.u32 $0x4000, s31;
	s1 =	sadd.s32 s1, s30  }
0xba: {  	s0 =	sor.u32 s3, s0;
	s1 =	sshll.u32 s1, $0x11  }
0xbb: {  	s0 =	sor.u32 s1, s0  }
0xbc: {  	s0 =	sadd.s32 $0x8F2B, s0  }
0xbd: {  	[sflag:s0] =	ssyncadd.remote.s32 $0x1  }
0xbe: {  	_ =	sfence.sel $0xFFFF  }
0xbf: {  	[dreg:$0x0] =	wrdreg $0xFFFFFFFF;
	(pc) =	sbr.abs _section_cstart, $3  }
0xc0: {  	[dreg:$0x1] =	wrdreg $0xFFFFFFFF  }
0xc1: {  	_ =	task.clear_ibuf [dreg:s6], $0x2FFFF;
	_ =	strace $0x9FFFFFFF  }
0xc2: {  	(tm) =	ssettm $0x7FFFFFFF  }
0xc3: {  	_ =	shalt  }
tec
execute0_lowered:
.L_overlay_start_1:
0x0: {  	(tag) =	ssettag $0x1  }
0x1: {  	s0 =	rddreg [dreg:$0x0]  }
0x2: {  	s2 =	rddreg [dreg:$0x1];
	s3 =	simm.s32 $0x0;
	s4 =	srdreg.scid  }
0x3: {  	s1 =	stileid.u32;
	s13 =	simm.s32 $0x5;
	s15 =	simm.s32 $0x80  }
0x4: {  	s16 =	simm.s32 $0x400;
	s17 =	simm.s32 $0x4400;
	s18 =	simm.s32 $0x1  }
0x5: {  	s19 =	simm.s32 $0x2;
	s20 =	simm.s32 $0x280;
	s21 =	simm.s32 $0x3  }
0x6: {  	s22 =	simm.s32 $0x100;
	s23 =	simm.s32 $0x4;
	s24 =	simm.s32 $0x180  }
0x7: {  	s25 =	simm.s32 $0x300;
	s14 =	sand.u32 $0x1, s4;
	s4 =	smul.u32 $0x9C, s1  }
0x8: {  	s28 =	simm.s32 $0x6;
	s29 =	simm.s32 $0x0;
	s6 =	smul.u32 $0x2780, s1  }
0x9: {  	s5 =	sshll.u32 s1, $0x2;
	[smem:$0x7FF] =	sst s3;
	s26 =	smul.u32 $0x4F000, s1  }
0xa: {  	p0 =	seq.s32 s14, $0x0;
	s5 =	sor.u32 $0x9C0, s5;
	_ =	strace $0x8000004D  }
0xb: {  	s7 =	smul.u32 $0x27800, s14;
	s30 =	ssub.s32 $0x2, s14;
	s5 =	smov.u32 @p0 s4  }
0xc: {  	s4 =	sadd.s32 $0x8F800, s0;
	s8 =	sadd.s32 s6, s0;
	s31 =	sshrl.u32 s30, $0x1  }
0xd: {  	p0 =	sne.s32 s14, $0x0;
	s14 =	simm.s32 $0x200;
	s5 =	sshll.u32 s5, $0x4  }
0xe: {  	s6 =	sadd.s32 s6, s7;
	s9 =	ssub.s32 s30, s31;
	s11 =	sadd.s32 s5, s0  }
0xf: {  	s0 =	sadd.s32 s6, s0;
	s5 =	sshrl.u32 s26, $0x2;
	s6 =	sadd.s32 $0x19000, s8  }
0x10: {  	s9 =	smax.u32 s9, $0x1;
	s26 =	simm.s32 $0x380;
	s12 =	sadd.s32 s5, s2  }
0x11: {  	s5 =	sshll.u32 s1, $0x6;
	s8 =	sadd.s32 $0xC0A00, s0;
	s10 =	sadd.s32 $0xF000, s11  }
0x12: {  	s11 =	sadd.s32 $0xB6A00, s11;
	s7 =	sor.u32 $0x1C05, s5;
	s12 =	sshrl.u32 s12, $0x3  }
.LBB2_1:
0x13: {  	[spmem:s12], [sflag:s7] =	dma.local [hbm:s6], $0x2780  }
0x14: {  	_ =	swait.ge [sflag:s13], $0x2780  }
0x15: {  	[sflag:s13] =	ssyncset.done $0x0  }
0x16: {  	s30 =	smov.u32 s11;
	[sflag:s13] =	ssyncadd.s32 $0xFFFFD880  }
0x17: {  	s31 =	smov.u32 s10;
	s0 =	simm.s32 $0x0;
	[bflag:$0x0] =	sbarrier.arrive $0xFFFF  }
.LBB2_2:
0x18: {  	[tilespmem:s3], [sflag:$0x5] =	stream.linear.gather [hbm4b:s30+s3], $0x200, $0x38;
	[tilespmem:$0x1C000] =	vst v63  }
0x19: {  	_ = 	snop  }
0x1a: {  	[tilespmem:s14], [sflag:$0x5] =	stream.linear.gather [hbm4b:s31+s3], $0x200, $0x38;
	[tilespmem:$0x1C000] =	vst v63  }
0x1b: {  	_ =	swait.ge [sflag:s13], $0x200  }
0x1c: {  	[sflag:s13] =	ssyncset.done $0x0  }
0x1d: {  	[sflag:s13] =	ssyncadd.s32 $0xFFFFFE00  }
0x1e: {  	_ =	swait.ge [sflag:s13], $0x200  }
0x1f: {  	[sflag:s13] =	ssyncset.done $0x0  }
0x20: {  	[sflag:s13] =	ssyncadd.s32 $0xFFFFFE00  }
0x21: {  	[tilespmem:s16], [sflag:$0x1] =	stream.indirect.gather [hbm4b:s4+s15], $0x80, s3, s15, $0xb8;
	[tilespmem:$0x1C000] =	vst v63  }
0x22: {  	_ = 	snop  }
0x23: {  	[tilespmem:s17], [sflag:$0x2] =	stream.indirect.gather [hbm4b:s4+s15], $0x80, s15, s15, $0xb8;
	[tilespmem:$0x1C000] =	vst v63  }
0x24: {  	_ =	swait.ge [sflag:s18], $0x4000  }
0x25: {  	[sflag:s18] =	ssyncset.done $0x0  }
0x26: {  	[sflag:s18] =	ssyncadd.s32 $0xFFFFC000  }
0x27: {  	[spmem:s2] =	stream.indirect.scatter.add.f32 [tilespmem:s16], [sflag:$0x3], $0x80, s14, s15, $0xb8;
	[tilespmem:$0x1C000] =	vst v63  }
0x28: {  	_ =	swait.ge [sflag:s19], $0x4000  }
0x29: {  	[sflag:s19] =	ssyncset.done $0x0  }
0x2a: {  	[sflag:s19] =	ssyncadd.s32 $0xFFFFC000  }
0x2b: {  	[spmem:s2] =	stream.indirect.scatter.add.f32 [tilespmem:s17], [sflag:$0x4], $0x80, s20, s15, $0xb8;
	[tilespmem:$0x1C000] =	vst v63  }
0x2c: {  	_ =	swait.ge [sflag:s21], $0x4000  }
0x2d: {  	[sflag:s21] =	ssyncset.done $0x0  }
0x2e: {  	[sflag:s21] =	ssyncadd.s32 $0xFFFFC000  }
0x2f: {  	[tilespmem:s16], [sflag:$0x1] =	stream.indirect.gather [hbm4b:s4+s15], $0x80, s22, s15, $0xb8;
	[tilespmem:$0x1C000] =	vst v63  }
0x30: {  	_ =	swait.ge [sflag:s23], $0x4000  }
0x31: {  	[sflag:s23] =	ssyncset.done $0x0  }
0x32: {  	[sflag:s23] =	ssyncadd.s32 $0xFFFFC000  }
0x33: {  	[tilespmem:s17], [sflag:$0x2] =	stream.indirect.gather [hbm4b:s4+s15], $0x80, s24, s15, $0xb8;
	[tilespmem:$0x1C000] =	vst v63  }
0x34: {  	_ =	swait.ge [sflag:s18], $0x4000  }
0x35: {  	[sflag:s18] =	ssyncset.done $0x0  }
0x36: {  	[sflag:s18] =	ssyncadd.s32 $0xFFFFC000  }
0x37: {  	[spmem:s2] =	stream.indirect.scatter.add.f32 [tilespmem:s16], [sflag:$0x3], $0x80, s25, s15, $0xb8;
	[tilespmem:$0x1C000] =	vst v63  }
0x38: {  	_ =	swait.ge [sflag:s19], $0x4000  }
0x39: {  	[sflag:s19] =	ssyncset.done $0x0  }
0x3a: {  	p1 =	slt.u32 @!p0 s0, $0x26;
	[sflag:s19] =	ssyncadd.s32 $0xFFFFC000  }
0x3b: {  	[spmem:s2] =	stream.indirect.scatter.add.f32 [tilespmem:s17], [sflag:$0x4], $0x80, s26, s15, $0xb8;
	[tilespmem:$0x1C000] =	vst v63  }
0x3c: {  	p1 =	por p0, !p1;
	_ =	swait.ge [sflag:s21], $0x4000  }
.Ltmp0:
0x3d: {  	[sflag:s21] =	ssyncset.done $0x0;
	(pc) =	sbr.rel @!p1 .LBB2_2-.Ltmp0, $4  }
0x3e: {  	[sflag:s21] =	ssyncadd.s32 $0xFFFFC000  }
0x3f: {  	_ =	swait.ge [sflag:s23], $0x4000  }
0x40: {  	s0 =	sadd.s32 $0x1, s0;
	[sflag:s23] =	ssyncset.done $0x0  }
0x41: {  	s30 =	sadd.s32 $0x40, s30;
	s31 =	sadd.s32 $0x40, s31;
	[sflag:s23] =	ssyncadd.s32 $0xFFFFC000  }
0x42: {  	s29 =	sadd.s32 $0x1, s29  }
0x43: {  	p1 =	sne.s32 s29, s9  }
.Ltmp1:
0x44: {  	[bflag:$0x0] =	sbarrier.arrive $0xFFFF;
	s0 =	sor.u32 $0x1C06, s5;
	(pc) =	sbr.rel @p1 .LBB2_1-.Ltmp1, $4  }
0x45: {  	[hbm:s8], [sflag:s0] =	dma.local [spmem:s12], $0x2780  }
0x46: {  	_ =	swait.ge [sflag:s28], $0x2780  }
0x47: {  	[sflag:s28] =	ssyncset.done $0x0  }
0x48: {  	[sflag:s28] =	ssyncadd.s32 $0xFFFFD880  }
0x49: {  	_ =	sfence.sel $0x180000  }
0x4a: {  	[bflag:$0x0] =	sbarrier.arrive $0xFFFF  }
0x4b: {  	_ =	strace $0x9000004D  }
0x4c: {  	[bflag:$0x2] =	sbarrier.arrive $0xFFFF  }
0x4d: {  	p0 =	sne.s32 s1, $0x0;
	s0 =	rddreg [dreg:$0x2]  }
0x4e: {  	s0 =	sadd.s32 @!p0 $0x100000, s0  }
0x4f: {  	[sflag:s0] =	ssyncadd.tile.s32 @!p0 $0x1;
	_ =	shalt  }
.Lfunc_end2:
_tile_overlayer_lowered:
.L_overlay_start_2:
0x50: {  	(tag) =	ssettag $0x2  }
0x51: {  	s0 =	rddreg [dreg:$0x0];
	s2 =	stileid.u32  }
0x52: {  	s1 =	rddreg [dreg:$0x1];
	p0 =	sne.s32 s2, $0x0  }
0x53: {  	s3 =	rddreg [dreg:$0x2];
	[bflag:$0x3] =	sbarrier.arrive $0xFFFF;
	s2 =	simm.s32 @!p0 $0x1C06  }
0x54: {  	[timem:s3], [sflag:s2] =	dma.local @!p0 [hbm:s0], s1  }
0x55: {  	s0 =	simm.s32 @!p0 $0x6  }
0x56: {  	_ =	swait.ge @!p0 [sflag:s0], s1  }
0x57: {  	s1 =	ssub.s32 @!p0 $0x0, s1;
	[sflag:s0] =	ssyncset.done @!p0 $0x0  }
0x58: {  	[sflag:s0] =	ssyncadd.s32 @!p0 s1  }
0x59: {  	[bflag:$0x3] =	sbarrier.arrive $0xFFFF  }
0x5a: {  	_ =	shalt  }

// kernel: kernel.19.cloned.1.call-start
scs
__scs_entry_jumppad:
0x0: {  	(pc) =	sbr.rel $0x88, $3  }
0x1: {  	(tag) =	ssettag $0x0;
	lr =	simm.s32 $0x1  }
0x2: {  	[smem:$0x3F8C] =	sst lr;
	_ =	strace $0xD0000000  }
0x3: {  	_ = 	snop  }
0x4: {  	_ = 	snop  }
0x5: {  	_ = 	snop  }
0x6: {  	_ = 	snop  }
0x7: {  	_ = 	snop  }
__scs_overlays_trampoline_lowered:
0x8: {  	[smem:$0x3F9B] =	sst s0  }
0x9: {  	[smem:$0x3F9C] =	sst s1  }
0xa: {  	[smem:$0x3F9D] =	sst s2  }
0xb: {  	[smem:$0x3F9E] =	sst s3  }
0xc: {  	[smem:$0x3F9F] =	sst s4  }
0xd: {  	[smem:$0x3FA0] =	sst s5  }
0xe: {  	[smem:$0x3FA1] =	sst s6  }
0xf: {  	[smem:$0x3FA2] =	sst s7  }
0x10: {  	[smem:$0x3FA3] =	sst s8  }
0x11: {  	[smem:$0x3FA4] =	sst s9;
	s0 =	simm.s32 @!p0 $0x0  }
0x12: {  	s1 =	sld [smem:$0x3F8A];
	s0 =	simm.s32 @p0 $0x1  }
0x13: {  	[smem:$0x3FA5] =	sst s0;
	s0 =	simm.s32 @!p1 $0x0  }
0x14: {  	s2 =	sld [smem:$0x3F89];
	s0 =	simm.s32 @p1 $0x1  }
0x15: {  	[smem:$0x3FA6] =	sst s0;
	s0 =	simm.s32 @!p2 $0x0  }
0x16: {  	s3 =	sld [smem:$0x3FDB];
	s0 =	simm.s32 @p2 $0x1  }
0x17: {  	s4 =	simm.s32 $0x1BF5;
	[smem:$0x3FA8] =	sst s0  }
0x18: {  	s0 =	sld [smem:$0x3F8B];
	_ =	swait.ge [sflag:s4], $0x0  }
0x19: {  	s7 =	sld [smem:$0x3F8C]  }
0x1a: {  	s8 =	sadd.s32 $0xFFFFE003, lr  }
0x1b: {  	s9 =	sadd.s32 $0xFFFFFEF7, lr;
	s5 =	simm.s32 $0xFFFFFFFF;
	p2 =	slt.u32 s8, $0xFFFFF086  }
0x1c: {  	p1 =	slt.u32 s9, $0xF7A;
	s5 =	simm.s32 @!p2 $0x0  }
0x1d: {  	s5 =	simm.s32 @p1 $0x1;
	p0 =	seq.s32 s7, s2  }
0x1e: {  	s7 =	smul.u32 @!p0 $0xF7A, s2;
	p2 =	seq.s32 @!p0 s5, $0x0  }
0x1f: {  	s9 =	smul.u32 $0xF7A, s1;
	s8 =	simm.s32 @!p0 $0x1BF5;
	p2 =	por !p2, p0  }
0x20: {  	[sflag:s8] =	ssyncset.s32 @!p0 $0xFFFFF086;
	s6 =	sadd.s32 @!p0 s3, s7;
	s7 =	simm.s32 @!p0 $0x108  }
0x21: {  	s3 =	sadd.s32 s3, s9;
	s6 =	sadd.s32 @!p0 $0x88, s6;
	s7 =	simm.s32 @p2 $0x1082  }
0x22: {  	[simem:s7], [sflag:s8] =	dma.local @!p0 [hbm:s6], $0xF7A  }
0x23: {  	s9 =	sor.u32 $0xD0000000, s2;
	s6 =	simm.s32 $0x108;
	_ =	swait.ge @!p0 [sflag:s8], $0x0  }
0x24: {  	s3 =	sadd.s32 $0x88, s3;
	s6 =	simm.s32 @!p1 $0x1082;
	[sflag:s4] =	ssyncset.s32 $0xFFFFF086  }
0x25: {  	[simem:s6], [sflag:s4] =	dma.local [hbm:s3], $0xF7A  }
0x26: {  	[smem:$0x3F8C] =	sst s1;
	(tag) =	ssettag s2;
	_ =	strace s9  }
0x27: {  	s1 =	sld [smem:$0x3F9C]  }
0x28: {  	s2 =	sld [smem:$0x3F9D]  }
0x29: {  	s4 =	sld [smem:$0x3F9F]  }
0x2a: {  	p0 =	seq.s32 s5, $0x0;
	s5 =	sld [smem:$0x3FA0]  }
0x2b: {  	s6 =	sld [smem:$0x3FA1]  }
0x2c: {  	s7 =	sld [smem:$0x3FA2]  }
0x2d: {  	s3 =	simm.s32 $0x108;
	s8 =	sld [smem:$0x3FA3]  }
0x2e: {  	s3 =	simm.s32 @!p0 $0x1082;
	s9 =	sld [smem:$0x3FA4]  }
0x2f: {  	lr =	sadd.s32 s0, s3;
	s0 =	sld [smem:$0x3F9B]  }
0x30: {  	s3 =	sld [smem:$0x3F9E]  }
0x31: {  	[smem:$0x3FA7] =	sst s10  }
0x32: {  	s10 =	sld [smem:$0x3FA5];
	_ =	sdelay $0x3  }
0x33: {  	p0 =	seq.s32 s10, $0x1;
	s10 =	sld [smem:$0x3FA7];
	_ =	sdelay $0x3  }
0x34: {  	[smem:$0x3FA7] =	sst s10  }
0x35: {  	s10 =	sld [smem:$0x3FA6];
	_ =	sdelay $0x3  }
0x36: {  	p1 =	seq.s32 s10, $0x1;
	s10 =	sld [smem:$0x3FA7];
	_ =	sdelay $0x3  }
0x37: {  	[smem:$0x3FA7] =	sst s10  }
0x38: {  	s10 =	sld [smem:$0x3FA8]  }
0x39: {  	_ = 	snop;
	(pc) =	sbr.ind lr, $3  }
0x3a: {  	_ = 	snop  }
0x3b: {  	_ = 	snop  }
0x3c: {  	p2 =	seq.s32 s10, $0x1;
	s10 =	sld [smem:$0x3FA7]  }
0x3d: {  	_ =	shalt  }
0x3e: {  	_ =	shalt  }
0x3f: {  	_ =	shalt  }
0x40: {  	_ =	shalt  }
0x41: {  	_ =	shalt  }
0x42: {  	_ =	shalt  }
0x43: {  	_ =	shalt  }
0x44: {  	_ =	shalt  }
0x45: {  	_ =	shalt  }
0x46: {  	_ =	shalt  }
0x47: {  	_ =	shalt  }
0x48: {  	_ =	shalt  }
0x49: {  	_ =	shalt  }
0x4a: {  	_ =	shalt  }
0x4b: {  	_ =	shalt  }
0x4c: {  	_ =	shalt  }
0x4d: {  	_ =	shalt  }
0x4e: {  	_ =	shalt  }
0x4f: {  	_ =	shalt  }
0x50: {  	_ =	shalt  }
0x51: {  	_ =	shalt  }
0x52: {  	_ =	shalt  }
0x53: {  	_ =	shalt  }
0x54: {  	_ =	shalt  }
0x55: {  	_ =	shalt  }
0x56: {  	_ =	shalt  }
0x57: {  	_ =	shalt  }
0x58: {  	_ =	shalt  }
0x59: {  	_ =	shalt  }
0x5a: {  	_ =	shalt  }
0x5b: {  	_ =	shalt  }
0x5c: {  	_ =	shalt  }
0x5d: {  	_ =	shalt  }
0x5e: {  	_ =	shalt  }
0x5f: {  	_ =	shalt  }
0x60: {  	_ =	shalt  }
0x61: {  	_ =	shalt  }
0x62: {  	_ =	shalt  }
0x63: {  	_ =	shalt  }
0x64: {  	_ =	shalt  }
0x65: {  	_ =	shalt  }
0x66: {  	_ =	shalt  }
0x67: {  	_ =	shalt  }
0x68: {  	_ =	shalt  }
0x69: {  	_ =	shalt  }
0x6a: {  	_ =	shalt  }
0x6b: {  	_ =	shalt  }
0x6c: {  	_ =	shalt  }
0x6d: {  	_ =	shalt  }
0x6e: {  	_ =	shalt  }
0x6f: {  	_ =	shalt  }
0x70: {  	_ =	shalt  }
0x71: {  	_ =	shalt  }
0x72: {  	_ =	shalt  }
0x73: {  	_ =	shalt  }
0x74: {  	_ =	shalt  }
0x75: {  	_ =	shalt  }
0x76: {  	_ =	shalt  }
0x77: {  	_ =	shalt  }
0x78: {  	_ =	shalt  }
0x79: {  	_ =	shalt  }
0x7a: {  	_ =	shalt  }
0x7b: {  	_ =	shalt  }
0x7c: {  	_ =	shalt  }
0x7d: {  	_ =	shalt  }
0x7e: {  	_ =	shalt  }
0x7f: {  	_ =	shalt  }
0x80: {  	_ =	shalt  }
0x81: {  	_ =	shalt  }
0x82: {  	_ =	shalt  }
0x83: {  	_ =	shalt  }
0x84: {  	_ =	shalt  }
0x85: {  	_ =	shalt  }
0x86: {  	_ =	shalt  }
0x87: {  	_ =	shalt  }
.Lfunc_end0:
.L_simem_size_0:
called_computation.3_lowered:
.L_overlay_start_0:
0x88: {  	s2 =	sld [smem:$0x3FD9]  }
0x89: {  	s3 =	sld [smem:$0x3FFE];
	_ =	sdelay $0x1  }
0x8a: {  	s1 =	srdreg.scid  }
0x8b: {  	s0 =	sand.u32 $0x1, s1  }
0x8c: {  	s16 =	sshll.u32 s0, $0xA;
	s2 =	sadd.s32 s3, s2  }
0x8d: {  	s2 =	sadd.s32 s2, s16  }
0x8e: {  	[smem:$0x3FB3] =	sst s2  }
0x8f: {  	_ = 	snop  }
0x90: {  	(tm) =	ssettm $0x1  }
0x91: {  	s17 =	sld [smem:$0x3FFB];
	_ =	sdelay $0x3  }
0x92: {  	_ =	strace s17  }
0x93: {  	s2 =	sld [smem:$0x3FFC];
	_ =	sdelay $0x3  }
0x94: {  	_ =	strace s2  }
0x95: {  	s2 =	sld [smem:$0x3FFD];
	_ =	sdelay $0x3  }
0x96: {  	_ =	strace s2  }
0x97: {  	_ =	strace $0x8FFFFFFF  }
0x98: {  	s18 =	sld [smem:$0x3FDB];
	_ =	sdelay $0x1  }
0x99: {  	s19 =	simm.s32 $_scs_section_size  }
0x9a: {  	s4 =	simm.s32 $_size__tile_overlayer_lowered;
	s5 =	simm.s32 $_tile_overlayer_lowered  }
0x9b: {  	s22 =	simm.s32 $0x1BFF;
	s21 =	sshll.u32 s5, $0x1;
	s2 =	sadd.s32 s19, s18  }
0x9c: {  	s6 =	simm.s32 $0x0;
	s20 =	sshll.u32 s4, $0x1;
	s4 =	sadd.s32 s21, s2  }
0x9d: {  	[timem:s6], [sflag:s22] =	dma.local [hbm:s4], s20  }
0x9e: {  	_ =	swait.ge [sflag:s22], s20  }
0x9f: {  	s3 =	ssub.s32 $0x0, s20;
	[sflag:s22] =	ssyncset.done $0x0  }
0xa0: {  	[sflag:s22] =	ssyncadd.s32 s3;
	_ =	sdelay $0x1  }
0xa1: {  	s23 =	simm.s32 $0x1B8B  }
0xa2: {  	_ =	swait.ge [sflag:s23], $0x1  }
0xa3: {  	[sflag:s23] =	ssyncset.done $0x0  }
0xa4: {  	s25 =	simm.s32 $0x1B8E;
	s24 =	sld [smem:$0x3FFE];
	[sflag:s23] =	ssyncadd.s32 $0xFFFFFFFF  }
0xa5: {  	s26 =	simm.s32 $execute0_lowered;
	[smem:$0x3FD2] =	sst s25  }
0xa6: {  	s4 =	sshll.u32 s26, $0x1;
	_ =	strace $0x8000004F;
	[dreg:$0x1] =	wrdreg $0xFFFFFFFF  }
0xa7: {  	s28 =	simm.s32 $_size_execute0_lowered;
	s2 =	sadd.s32 s2, s4;
	[dreg:$0x0] =	wrdreg $0x0  }
0xa8: {  	s4 =	sshll.u32 s28, $0x1;
	[dreg:$0x2] =	wrdreg s2  }
0xa9: {  	[dreg:$0x3] =	wrdreg s4  }
0xaa: {  	[dreg:$0x4] =	wrdreg $0xC0  }
0xab: {  	_ =	task [dreg:s6], $0x5FFFF  }
0xac: {  	[dreg:$0x1] =	wrdreg $0xFFFFFFFF  }
0xad: {  	[dreg:$0x0] =	wrdreg $0x60  }
0xae: {  	[dreg:$0x2] =	wrdreg s24  }
0xaf: {  	[dreg:$0x3] =	wrdreg $0x84000  }
0xb0: {  	[dreg:$0x4] =	wrdreg $0x9  }
0xb1: {  	_ =	task.clear_ibuf [dreg:s6], $0x5FFFF;
	_ =	strace $0x9000004F  }
0xb2: {  	s29 =	simm.s32 $0x9;
	_ =	strace $0x80000051  }
0xb3: {  	_ =	swait.ge [sflag:s29], $0x1  }
0xb4: {  	[sflag:s29] =	ssyncadd.s32 $0xFFFFFFFF  }
0xb5: {  	_ =	strace $0x90000051  }
0xb6: {  	_ =	sfence  }
0xb7: {  	s30 =	sld [smem:$0x0];
	_ =	sdelay $0x2  }
0xb8: {  	s31 =	sshll.u32 s1, $0xD;
	s1 =	sshrl.u32 s1, $0x2  }
0xb9: {  	s3 =	sand.u32 $0x4000, s31;
	s1 =	sadd.s32 s1, s30  }
0xba: {  	s0 =	sor.u32 s3, s0;
	s1 =	sshll.u32 s1, $0x11  }
0xbb: {  	s0 =	sor.u32 s1, s0  }
0xbc: {  	s0 =	sadd.s32 $0x8F2B, s0  }
0xbd: {  	[sflag:s0] =	ssyncadd.remote.s32 $0x1  }
0xbe: {  	_ =	sfence.sel $0xFFFF  }
0xbf: {  	[dreg:$0x0] =	wrdreg $0xFFFFFFFF;
	(pc) =	sbr.abs _section_cstart, $3  }
0xc0: {  	[dreg:$0x1] =	wrdreg $0xFFFFFFFF  }
0xc1: {  	_ =	task.clear_ibuf [dreg:s6], $0x2FFFF;
	_ =	strace $0x9FFFFFFF  }
0xc2: {  	(tm) =	ssettm $0x7FFFFFFF  }
0xc3: {  	_ =	shalt  }
tec
execute0_lowered:
.L_overlay_start_1:
0x0: {  	(tag) =	ssettag $0x1  }
0x1: {  	s0 =	rddreg [dreg:$0x0]  }
0x2: {  	s2 =	rddreg [dreg:$0x1];
	s3 =	simm.s32 $0x0;
	s4 =	srdreg.scid  }
0x3: {  	s1 =	stileid.u32;
	s13 =	simm.s32 $0x5;
	s15 =	simm.s32 $0x80  }
0x4: {  	s16 =	simm.s32 $0x400;
	s17 =	simm.s32 $0x4400;
	s18 =	simm.s32 $0x1  }
0x5: {  	s19 =	simm.s32 $0x2;
	s20 =	simm.s32 $0x280;
	s21 =	simm.s32 $0x3  }
0x6: {  	s22 =	simm.s32 $0x100;
	s23 =	simm.s32 $0x4;
	s24 =	simm.s32 $0x180  }
0x7: {  	s25 =	simm.s32 $0x300;
	s14 =	sand.u32 $0x1, s4;
	s4 =	smul.u32 $0x9C, s1  }
0x8: {  	s28 =	simm.s32 $0x6;
	s29 =	simm.s32 $0x0;
	s6 =	smul.u32 $0x2780, s1  }
0x9: {  	s5 =	sshll.u32 s1, $0x2;
	[smem:$0x7FF] =	sst s3;
	s26 =	smul.u32 $0x4F000, s1  }
0xa: {  	p0 =	seq.s32 s14, $0x0;
	s5 =	sor.u32 $0x9C0, s5;
	_ =	strace $0x80000050  }
0xb: {  	s7 =	smul.u32 $0x27800, s14;
	s30 =	ssub.s32 $0x2, s14;
	s5 =	smov.u32 @p0 s4  }
0xc: {  	s4 =	sadd.s32 $0x8F800, s0;
	s8 =	sadd.s32 s6, s0;
	s31 =	sshrl.u32 s30, $0x1  }
0xd: {  	p0 =	sne.s32 s14, $0x0;
	s14 =	simm.s32 $0x200;
	s5 =	sshll.u32 s5, $0x4  }
0xe: {  	s6 =	sadd.s32 s6, s7;
	s9 =	ssub.s32 s30, s31;
	s11 =	sadd.s32 s5, s0  }
0xf: {  	s0 =	sadd.s32 s6, s0;
	s5 =	sshrl.u32 s26, $0x2;
	s6 =	sadd.s32 $0x19000, s8  }
0x10: {  	s9 =	smax.u32 s9, $0x1;
	s26 =	simm.s32 $0x380;
	s12 =	sadd.s32 s5, s2  }
0x11: {  	s5 =	sshll.u32 s1, $0x6;
	s8 =	sadd.s32 $0xC0A00, s0;
	s10 =	sadd.s32 $0xF000, s11  }
0x12: {  	s11 =	sadd.s32 $0xB6A00, s11;
	s7 =	sor.u32 $0x1C05, s5;
	s12 =	sshrl.u32 s12, $0x3  }
.LBB2_1:
0x13: {  	[spmem:s12], [sflag:s7] =	dma.local [hbm:s6], $0x2780  }
0x14: {  	_ =	swait.ge [sflag:s13], $0x2780  }
0x15: {  	[sflag:s13] =	ssyncset.done $0x0  }
0x16: {  	s30 =	smov.u32 s11;
	[sflag:s13] =	ssyncadd.s32 $0xFFFFD880  }
0x17: {  	s31 =	smov.u32 s10;
	s0 =	simm.s32 $0x0;
	[bflag:$0x0] =	sbarrier.arrive $0xFFFF  }
.LBB2_2:
0x18: {  	[tilespmem:s3], [sflag:$0x5] =	stream.linear.gather [hbm4b:s30+s3], $0x200, $0x38;
	[tilespmem:$0x1C000] =	vst v63  }
0x19: {  	_ = 	snop  }
0x1a: {  	[tilespmem:s14], [sflag:$0x5] =	stream.linear.gather [hbm4b:s31+s3], $0x200, $0x38;
	[tilespmem:$0x1C000] =	vst v63  }
0x1b: {  	_ =	swait.ge [sflag:s13], $0x200  }
0x1c: {  	[sflag:s13] =	ssyncset.done $0x0  }
0x1d: {  	[sflag:s13] =	ssyncadd.s32 $0xFFFFFE00  }
0x1e: {  	_ =	swait.ge [sflag:s13], $0x200  }
0x1f: {  	[sflag:s13] =	ssyncset.done $0x0  }
0x20: {  	[sflag:s13] =	ssyncadd.s32 $0xFFFFFE00  }
0x21: {  	[tilespmem:s16], [sflag:$0x1] =	stream.indirect.gather [hbm4b:s4+s15], $0x80, s3, s15, $0xb8;
	[tilespmem:$0x1C000] =	vst v63  }
0x22: {  	_ = 	snop  }
0x23: {  	[tilespmem:s17], [sflag:$0x2] =	stream.indirect.gather [hbm4b:s4+s15], $0x80, s15, s15, $0xb8;
	[tilespmem:$0x1C000] =	vst v63  }
0x24: {  	_ =	swait.ge [sflag:s18], $0x4000  }
0x25: {  	[sflag:s18] =	ssyncset.done $0x0  }
0x26: {  	[sflag:s18] =	ssyncadd.s32 $0xFFFFC000  }
0x27: {  	[spmem:s2] =	stream.indirect.scatter.add.f32 [tilespmem:s16], [sflag:$0x3], $0x80, s14, s15, $0xb8;
	[tilespmem:$0x1C000] =	vst v63  }
0x28: {  	_ =	swait.ge [sflag:s19], $0x4000  }
0x29: {  	[sflag:s19] =	ssyncset.done $0x0  }
0x2a: {  	[sflag:s19] =	ssyncadd.s32 $0xFFFFC000  }
0x2b: {  	[spmem:s2] =	stream.indirect.scatter.add.f32 [tilespmem:s17], [sflag:$0x4], $0x80, s20, s15, $0xb8;
	[tilespmem:$0x1C000] =	vst v63  }
0x2c: {  	_ =	swait.ge [sflag:s21], $0x4000  }
0x2d: {  	[sflag:s21] =	ssyncset.done $0x0  }
0x2e: {  	[sflag:s21] =	ssyncadd.s32 $0xFFFFC000  }
0x2f: {  	[tilespmem:s16], [sflag:$0x1] =	stream.indirect.gather [hbm4b:s4+s15], $0x80, s22, s15, $0xb8;
	[tilespmem:$0x1C000] =	vst v63  }
0x30: {  	_ =	swait.ge [sflag:s23], $0x4000  }
0x31: {  	[sflag:s23] =	ssyncset.done $0x0  }
0x32: {  	[sflag:s23] =	ssyncadd.s32 $0xFFFFC000  }
0x33: {  	[tilespmem:s17], [sflag:$0x2] =	stream.indirect.gather [hbm4b:s4+s15], $0x80, s24, s15, $0xb8;
	[tilespmem:$0x1C000] =	vst v63  }
0x34: {  	_ =	swait.ge [sflag:s18], $0x4000  }
0x35: {  	[sflag:s18] =	ssyncset.done $0x0  }
0x36: {  	[sflag:s18] =	ssyncadd.s32 $0xFFFFC000  }
0x37: {  	[spmem:s2] =	stream.indirect.scatter.add.f32 [tilespmem:s16], [sflag:$0x3], $0x80, s25, s15, $0xb8;
	[tilespmem:$0x1C000] =	vst v63  }
0x38: {  	_ =	swait.ge [sflag:s19], $0x4000  }
0x39: {  	[sflag:s19] =	ssyncset.done $0x0  }
0x3a: {  	p1 =	slt.u32 @!p0 s0, $0x26;
	[sflag:s19] =	ssyncadd.s32 $0xFFFFC000  }
0x3b: {  	[spmem:s2] =	stream.indirect.scatter.add.f32 [tilespmem:s17], [sflag:$0x4], $0x80, s26, s15, $0xb8;
	[tilespmem:$0x1C000] =	vst v63  }
0x3c: {  	p1 =	por p0, !p1;
	_ =	swait.ge [sflag:s21], $0x4000  }
.Ltmp0:
0x3d: {  	[sflag:s21] =	ssyncset.done $0x0;
	(pc) =	sbr.rel @!p1 .LBB2_2-.Ltmp0, $4  }
0x3e: {  	[sflag:s21] =	ssyncadd.s32 $0xFFFFC000  }
0x3f: {  	_ =	swait.ge [sflag:s23], $0x4000  }
0x40: {  	s0 =	sadd.s32 $0x1, s0;
	[sflag:s23] =	ssyncset.done $0x0  }
0x41: {  	s30 =	sadd.s32 $0x40, s30;
	s31 =	sadd.s32 $0x40, s31;
	[sflag:s23] =	ssyncadd.s32 $0xFFFFC000  }
0x42: {  	s29 =	sadd.s32 $0x1, s29  }
0x43: {  	p1 =	sne.s32 s29, s9  }
.Ltmp1:
0x44: {  	[bflag:$0x0] =	sbarrier.arrive $0xFFFF;
	s0 =	sor.u32 $0x1C06, s5;
	(pc) =	sbr.rel @p1 .LBB2_1-.Ltmp1, $4  }
0x45: {  	[hbm:s8], [sflag:s0] =	dma.local [spmem:s12], $0x2780  }
0x46: {  	_ =	swait.ge [sflag:s28], $0x2780  }
0x47: {  	[sflag:s28] =	ssyncset.done $0x0  }
0x48: {  	[sflag:s28] =	ssyncadd.s32 $0xFFFFD880  }
0x49: {  	_ =	sfence.sel $0x180000  }
0x4a: {  	[bflag:$0x0] =	sbarrier.arrive $0xFFFF  }
0x4b: {  	_ =	strace $0x90000050  }
0x4c: {  	[bflag:$0x2] =	sbarrier.arrive $0xFFFF  }
0x4d: {  	p0 =	sne.s32 s1, $0x0;
	s0 =	rddreg [dreg:$0x2]  }
0x4e: {  	s0 =	sadd.s32 @!p0 $0x100000, s0  }
0x4f: {  	[sflag:s0] =	ssyncadd.tile.s32 @!p0 $0x1;
	_ =	shalt  }
.Lfunc_end2:
_tile_overlayer_lowered:
.L_overlay_start_2:
0x50: {  	(tag) =	ssettag $0x2  }
0x51: {  	s0 =	rddreg [dreg:$0x0];
	s2 =	stileid.u32  }
0x52: {  	s1 =	rddreg [dreg:$0x1];
	p0 =	sne.s32 s2, $0x0  }
0x53: {  	s3 =	rddreg [dreg:$0x2];
	[bflag:$0x3] =	sbarrier.arrive $0xFFFF;
	s2 =	simm.s32 @!p0 $0x1C06  }
0x54: {  	[timem:s3], [sflag:s2] =	dma.local @!p0 [hbm:s0], s1  }
0x55: {  	s0 =	simm.s32 @!p0 $0x6  }
0x56: {  	_ =	swait.ge @!p0 [sflag:s0], s1  }
0x57: {  	s1 =	ssub.s32 @!p0 $0x0, s1;
	[sflag:s0] =	ssyncset.done @!p0 $0x0  }
0x58: {  	[sflag:s0] =	ssyncadd.s32 @!p0 s1  }
0x59: {  	[bflag:$0x3] =	sbarrier.arrive $0xFFFF  }
0x5a: {  	_ =	shalt  }

</sc_bundles>
